<compile_context>
chip_gen: v7x
topology: tpu7x:2x2x1
jax: 0.10.2.dev20260603
libtpu: 0.0.44.dev20260713+nightly
codegen_flags: <defaults>
</compile_context>

<pallas_src>
import functools

import jax
import jax.numpy as jnp
from jax import lax
from jax.experimental import pallas as pl
from jax.experimental.pallas import tpu as pltpu
from jax.experimental.pallas import tpu_sc as plsc

ROWS = 16384
K = 512
M = 128
L = 16

_info = plsc.get_sparse_core_info()
NC = _info.num_cores
NS = _info.num_subcores
NW = NC * NS
ROWS_PER_W = ROWS // NW
R = 64
NCHUNK = ROWS_PER_W // R
NBUF = 3
GROUPS = M // L


def _sc_body(z_hbm, mask_hbm, out_hbm, mask_v, zbufs, obufs, sins, souts):
    c = lax.axis_index("c")
    s = lax.axis_index("s")
    wid = s * NC + c
    row0 = wid * ROWS_PER_W

    def start_in(g):
        return pltpu.async_copy(z_hbm.at[pl.ds(row0 + g * R, R)],
                                zbufs[g % NBUF], sins[g % NBUF])

    in_h = [None] * NCHUNK
    out_h = [None] * NCHUNK
    for g in range(NBUF):
        in_h[g] = start_in(g)

    pltpu.sync_copy(mask_hbm, mask_v)
    mask_vecs = [mask_v[pl.ds(L * j, L)] for j in range(GROUPS)]
    for g in range(NCHUNK):
        in_h[g].wait()
        if g >= NBUF:
            out_h[g - NBUF].wait()
        zb = zbufs[g % NBUF]
        ob = obufs[g % NBUF]

        @plsc.parallel_loop(0, R, unroll=2)
        def _(r):
            row_vec = jnp.full((L,), r, jnp.int32)
            for j in range(GROUPS):
                vals = plsc.load_gather(zb, [row_vec, mask_vecs[j]])
                ob[r, pl.ds(L * j, L)] = vals

        out_h[g] = pltpu.async_copy(
            ob, out_hbm.at[pl.ds(row0 + g * R, R)], souts[g % NBUF])
        if g + NBUF < NCHUNK:
            in_h[g + NBUF] = start_in(g + NBUF)

    for g in range(NCHUNK - NBUF, NCHUNK):
        out_h[g].wait()


@jax.jit
def _sc_gather(z, mask):
    mesh = plsc.VectorSubcoreMesh(core_axis_name="c", subcore_axis_name="s")
    kern = functools.partial(
        pl.kernel,
        mesh=mesh,
        compiler_params=pltpu.CompilerParams(needs_layout_passes=False),
        out_type=jax.ShapeDtypeStruct((ROWS, M), jnp.float32),
        scratch_types=[
            pltpu.VMEM((M,), jnp.int32),
            [pltpu.VMEM((R, K), jnp.float32) for _ in range(NBUF)],
            [pltpu.VMEM((R, M), jnp.float32) for _ in range(NBUF)],
            [pltpu.SemaphoreType.DMA for _ in range(NBUF)],
            [pltpu.SemaphoreType.DMA for _ in range(NBUF)],
        ],
    )(_sc_body)
    return kern(z, mask)


def kernel(z, mask):
    return _sc_gather(z, mask.astype(jnp.int32))

# --- scband reference (transcript-rebuilt; emitter-appended) ---
"""Pipeline reference for scband-mask-layer-76416058131266 (READ-ONLY COPY).

The authoritative reference and input builder live on the scoring server;
editing this copy changes nothing except your own understanding.
"""

import jax, jax.numpy as jnp
import numpy as np


def setup_inputs(seed: int = 0) -> dict:
    key = jax.random.key(seed)
    k1, = jax.random.split(key, 1)
    z = jax.random.normal(k1, (16384, 512), dtype=jnp.float32)
    # MaskLayer.__init__: mask = np.zeros(k); mask[idx] = 1; self.mask = np.where(mask)[0]
    idx = list(range(0, 512, 4))
    k = 512
    m = np.zeros(k)
    m[idx] = 1
    mask = jnp.asarray(np.where(m)[0], dtype=jnp.int32)
    return {"z": z, "mask": mask}


def reference(z, mask):
    # call(z): tf.gather(z, self.mask, axis=1)
    return jnp.take(z, mask, axis=1)

if __name__ == "__main__":
    import jax
    _d = setup_inputs()
    print(jax.jit(kernel)(*tuple(_d.values())))

</pallas_src>

<mosaic_0001>
#map = affine_map<(d0, d1) -> (0, 0)>
#map1 = affine_map<(d0, d1) -> (0)>
module attributes {stable_mosaic.version = 14 : i64} {
  func.func @_sc_body(%arg0: i32, %arg1: i32, %arg2: memref<16384x512xf32, #tpu.memory_space<hbm>>, %arg3: memref<128xi32, #tpu.memory_space<hbm>>, %arg4: memref<16384x128xf32, #tpu.memory_space<hbm>>, %arg5: memref<128xi32, #tpu.memory_space<vmem>>, %arg6: memref<64x512xf32, #tpu.memory_space<vmem>>, %arg7: memref<64x512xf32, #tpu.memory_space<vmem>>, %arg8: memref<64x512xf32, #tpu.memory_space<vmem>>, %arg9: memref<64x128xf32, #tpu.memory_space<vmem>>, %arg10: memref<64x128xf32, #tpu.memory_space<vmem>>, %arg11: memref<64x128xf32, #tpu.memory_space<vmem>>, %arg12: memref<!tpu.dma_semaphore, #tpu.memory_space<semaphore_mem>>, %arg13: memref<!tpu.dma_semaphore, #tpu.memory_space<semaphore_mem>>, %arg14: memref<!tpu.dma_semaphore, #tpu.memory_space<semaphore_mem>>, %arg15: memref<!tpu.dma_semaphore, #tpu.memory_space<semaphore_mem>>, %arg16: memref<!tpu.dma_semaphore, #tpu.memory_space<semaphore_mem>>, %arg17: memref<!tpu.dma_semaphore, #tpu.memory_space<semaphore_mem>>) attributes {dimension_semantics = [#tpu.dimension_semantics<core_parallel>, #tpu.dimension_semantics<subcore_parallel>], iteration_bounds = array<i64: 2, 16>, scalar_prefetch = 0 : i64, scratch_operands = 13 : i64, tpu.core_type = #tpu.core_type<sc_vector_subcore>, window_params = [{transform_indices = #map}, {transform_indices = #map1}, {transform_indices = #map}]} {
    %mul3A = arith.constant 2 : i32
    %mul3A_0 = arith.muli %arg1, %mul3A : i32
    %add3A = arith.addi %mul3A_0, %arg0 : i32
    %mul3A_1 = arith.constant 512 : i32
    %mul3A_2 = arith.muli %add3A, %mul3A_1 : i32
    %add3A_3 = arith.constant 0 : i32
    %add3A_4 = arith.addi %mul3A_2, %add3A_3 : i32
    %dma_start3A = arith.constant 0 : i32
    %dma_start3A_5 = tpu.memref_slice %arg2[%add3A_4, %dma_start3A] : memref<16384x512xf32, #tpu.memory_space<hbm>> -> memref<64x512xf32, #tpu.memory_space<hbm>>
    %dma_start3A_6 = arith.constant 0 : i32
    %dma_start3A_7 = tpu.memref_slice %arg2[%add3A_4, %dma_start3A_6] : memref<16384x512xf32, #tpu.memory_space<hbm>> -> memref<64x512xf32, #tpu.memory_space<hbm>>
    tpu.enqueue_dma source(%dma_start3A_7 : memref<64x512xf32, #tpu.memory_space<hbm>>) target(%arg6 : memref<64x512xf32, #tpu.memory_space<vmem>>) target_semaphore(%arg12 : memref<!tpu.dma_semaphore, #tpu.memory_space<semaphore_mem>>)
    %add3A_8 = arith.constant 64 : i32
    %add3A_9 = arith.addi %mul3A_2, %add3A_8 : i32
    %dma_start3A_10 = arith.constant 0 : i32
    %dma_start3A_11 = tpu.memref_slice %arg2[%add3A_9, %dma_start3A_10] : memref<16384x512xf32, #tpu.memory_space<hbm>> -> memref<64x512xf32, #tpu.memory_space<hbm>>
    %dma_start3A_12 = arith.constant 0 : i32
    %dma_start3A_13 = tpu.memref_slice %arg2[%add3A_9, %dma_start3A_12] : memref<16384x512xf32, #tpu.memory_space<hbm>> -> memref<64x512xf32, #tpu.memory_space<hbm>>
    tpu.enqueue_dma source(%dma_start3A_13 : memref<64x512xf32, #tpu.memory_space<hbm>>) target(%arg7 : memref<64x512xf32, #tpu.memory_space<vmem>>) target_semaphore(%arg13 : memref<!tpu.dma_semaphore, #tpu.memory_space<semaphore_mem>>)
    %add3A_14 = arith.constant 128 : i32
    %add3A_15 = arith.addi %mul3A_2, %add3A_14 : i32
    %dma_start3A_16 = arith.constant 0 : i32
    %dma_start3A_17 = tpu.memref_slice %arg2[%add3A_15, %dma_start3A_16] : memref<16384x512xf32, #tpu.memory_space<hbm>> -> memref<64x512xf32, #tpu.memory_space<hbm>>
    %dma_start3A_18 = arith.constant 0 : i32
    %dma_start3A_19 = tpu.memref_slice %arg2[%add3A_15, %dma_start3A_18] : memref<16384x512xf32, #tpu.memory_space<hbm>> -> memref<64x512xf32, #tpu.memory_space<hbm>>
    tpu.enqueue_dma source(%dma_start3A_19 : memref<64x512xf32, #tpu.memory_space<hbm>>) target(%arg8 : memref<64x512xf32, #tpu.memory_space<vmem>>) target_semaphore(%arg14 : memref<!tpu.dma_semaphore, #tpu.memory_space<semaphore_mem>>)
    "tpu.region"() ({
      %run_scoped3A = tpu.sem_alloc : memref<!tpu.dma_semaphore, #tpu.memory_space<semaphore_mem>>
      tpu.enqueue_dma source(%arg3 : memref<128xi32, #tpu.memory_space<hbm>>) target(%arg5 : memref<128xi32, #tpu.memory_space<vmem>>) target_semaphore(%run_scoped3A : memref<!tpu.dma_semaphore, #tpu.memory_space<semaphore_mem>>)
      tpu.wait_dma2 semaphore(%run_scoped3A : memref<!tpu.dma_semaphore, #tpu.memory_space<semaphore_mem>>) src(%arg3 : memref<128xi32, #tpu.memory_space<hbm>>) dst(%arg5 : memref<128xi32, #tpu.memory_space<vmem>>)
      tpu.yield
    }) : () -> ()
    %get3A = arith.constant 0 : index
    %get3A_20 = tpu.vector_load %arg5[%get3A] {strides = array<i32>} : memref<128xi32, #tpu.memory_space<vmem>>, vector<16xi32>,
    %get3A_21 = arith.constant 16 : index
    %get3A_22 = tpu.vector_load %arg5[%get3A_21] {strides = array<i32>} : memref<128xi32, #tpu.memory_space<vmem>>, vector<16xi32>,
    %get3A_23 = arith.constant 32 : index
    %get3A_24 = tpu.vector_load %arg5[%get3A_23] {strides = array<i32>} : memref<128xi32, #tpu.memory_space<vmem>>, vector<16xi32>,
    %get3A_25 = arith.constant 48 : index
    %get3A_26 = tpu.vector_load %arg5[%get3A_25] {strides = array<i32>} : memref<128xi32, #tpu.memory_space<vmem>>, vector<16xi32>,
    %get3A_27 = arith.constant 64 : index
    %get3A_28 = tpu.vector_load %arg5[%get3A_27] {strides = array<i32>} : memref<128xi32, #tpu.memory_space<vmem>>, vector<16xi32>,
    %get3A_29 = arith.constant 80 : index
    %get3A_30 = tpu.vector_load %arg5[%get3A_29] {strides = array<i32>} : memref<128xi32, #tpu.memory_space<vmem>>, vector<16xi32>,
    %get3A_31 = arith.constant 96 : index
    %get3A_32 = tpu.vector_load %arg5[%get3A_31] {strides = array<i32>} : memref<128xi32, #tpu.memory_space<vmem>>, vector<16xi32>,
    %get3A_33 = arith.constant 112 : index
    %get3A_34 = tpu.vector_load %arg5[%get3A_33] {strides = array<i32>} : memref<128xi32, #tpu.memory_space<vmem>>, vector<16xi32>,
    %dma_wait3A = arith.constant 0 : i32
    %dma_wait3A_35 = tpu.memref_slice %arg2[%add3A_4, %dma_wait3A] : memref<16384x512xf32, #tpu.memory_space<hbm>> -> memref<64x512xf32, #tpu.memory_space<hbm>>
    %dma_wait3A_36 = arith.constant 0 : i32
    %dma_wait3A_37 = tpu.memref_slice %arg2[%add3A_4, %dma_wait3A_36] : memref<16384x512xf32, #tpu.memory_space<hbm>> -> memref<64x512xf32, #tpu.memory_space<hbm>>
    tpu.wait_dma2 semaphore(%arg12 : memref<!tpu.dma_semaphore, #tpu.memory_space<semaphore_mem>>) src(%dma_wait3A_37 : memref<64x512xf32, #tpu.memory_space<hbm>>) dst(%arg6 : memref<64x512xf32, #tpu.memory_space<vmem>>)
    %parallel_loop3A = arith.constant 0 : i32
    %parallel_loop3A_38 = arith.constant 64 : i32
    %parallel_loop3A_39 = arith.constant 1 : i32
    scf.for %parallel_loop3A_199 = %parallel_loop3A to %parallel_loop3A_38 step %parallel_loop3A_39  : i32 {
      %parallel_loop3A_200 = vector.broadcast %parallel_loop3A_199 : i32 to vector<16xi32>
      %parallel_loop3A_201 = tpu.vector_load_idx %arg6[%parallel_loop3A_200, %get3A_20] : memref<64x512xf32, #tpu.memory_space<vmem>>[vector<16xi32>, vector<16xi32>], vector<16xf32>,
      %parallel_loop3A_202 = arith.index_cast %parallel_loop3A_199 : i32 to index
      %parallel_loop3A_203 = arith.constant 0 : index
      %parallel_loop3A_204 = tpu.vector_load %arg9[%parallel_loop3A_202, %parallel_loop3A_203] {strides = array<i32>} : memref<64x128xf32, #tpu.memory_space<vmem>>, vector<16xf32>,
      tpu.vector_store %arg9[%parallel_loop3A_202, %parallel_loop3A_203], %parallel_loop3A_201 {strides = array<i32>} : memref<64x128xf32, #tpu.memory_space<vmem>>, vector<16xf32>,
      %parallel_loop3A_205 = tpu.vector_load_idx %arg6[%parallel_loop3A_200, %get3A_22] : memref<64x512xf32, #tpu.memory_space<vmem>>[vector<16xi32>, vector<16xi32>], vector<16xf32>,
      %parallel_loop3A_206 = arith.index_cast %parallel_loop3A_199 : i32 to index
      %parallel_loop3A_207 = arith.constant 16 : index
      %parallel_loop3A_208 = tpu.vector_load %arg9[%parallel_loop3A_206, %parallel_loop3A_207] {strides = array<i32>} : memref<64x128xf32, #tpu.memory_space<vmem>>, vector<16xf32>,
      tpu.vector_store %arg9[%parallel_loop3A_206, %parallel_loop3A_207], %parallel_loop3A_205 {strides = array<i32>} : memref<64x128xf32, #tpu.memory_space<vmem>>, vector<16xf32>,
      %parallel_loop3A_209 = tpu.vector_load_idx %arg6[%parallel_loop3A_200, %get3A_24] : memref<64x512xf32, #tpu.memory_space<vmem>>[vector<16xi32>, vector<16xi32>], vector<16xf32>,
      %parallel_loop3A_210 = arith.index_cast %parallel_loop3A_199 : i32 to index
      %parallel_loop3A_211 = arith.constant 32 : index
      %parallel_loop3A_212 = tpu.vector_load %arg9[%parallel_loop3A_210, %parallel_loop3A_211] {strides = array<i32>} : memref<64x128xf32, #tpu.memory_space<vmem>>, vector<16xf32>,
      tpu.vector_store %arg9[%parallel_loop3A_210, %parallel_loop3A_211], %parallel_loop3A_209 {strides = array<i32>} : memref<64x128xf32, #tpu.memory_space<vmem>>, vector<16xf32>,
      %parallel_loop3A_213 = tpu.vector_load_idx %arg6[%parallel_loop3A_200, %get3A_26] : memref<64x512xf32, #tpu.memory_space<vmem>>[vector<16xi32>, vector<16xi32>], vector<16xf32>,
      %parallel_loop3A_214 = arith.index_cast %parallel_loop3A_199 : i32 to index
      %parallel_loop3A_215 = arith.constant 48 : index
      %parallel_loop3A_216 = tpu.vector_load %arg9[%parallel_loop3A_214, %parallel_loop3A_215] {strides = array<i32>} : memref<64x128xf32, #tpu.memory_space<vmem>>, vector<16xf32>,
      tpu.vector_store %arg9[%parallel_loop3A_214, %parallel_loop3A_215], %parallel_loop3A_213 {strides = array<i32>} : memref<64x128xf32, #tpu.memory_space<vmem>>, vector<16xf32>,
      %parallel_loop3A_217 = tpu.vector_load_idx %arg6[%parallel_loop3A_200, %get3A_28] : memref<64x512xf32, #tpu.memory_space<vmem>>[vector<16xi32>, vector<16xi32>], vector<16xf32>,
      %parallel_loop3A_218 = arith.index_cast %parallel_loop3A_199 : i32 to index
      %parallel_loop3A_219 = arith.constant 64 : index
      %parallel_loop3A_220 = tpu.vector_load %arg9[%parallel_loop3A_218, %parallel_loop3A_219] {strides = array<i32>} : memref<64x128xf32, #tpu.memory_space<vmem>>, vector<16xf32>,
      tpu.vector_store %arg9[%parallel_loop3A_218, %parallel_loop3A_219], %parallel_loop3A_217 {strides = array<i32>} : memref<64x128xf32, #tpu.memory_space<vmem>>, vector<16xf32>,
      %parallel_loop3A_221 = tpu.vector_load_idx %arg6[%parallel_loop3A_200, %get3A_30] : memref<64x512xf32, #tpu.memory_space<vmem>>[vector<16xi32>, vector<16xi32>], vector<16xf32>,
      %parallel_loop3A_222 = arith.index_cast %parallel_loop3A_199 : i32 to index
      %parallel_loop3A_223 = arith.constant 80 : index
      %parallel_loop3A_224 = tpu.vector_load %arg9[%parallel_loop3A_222, %parallel_loop3A_223] {strides = array<i32>} : memref<64x128xf32, #tpu.memory_space<vmem>>, vector<16xf32>,
      tpu.vector_store %arg9[%parallel_loop3A_222, %parallel_loop3A_223], %parallel_loop3A_221 {strides = array<i32>} : memref<64x128xf32, #tpu.memory_space<vmem>>, vector<16xf32>,
      %parallel_loop3A_225 = tpu.vector_load_idx %arg6[%parallel_loop3A_200, %get3A_32] : memref<64x512xf32, #tpu.memory_space<vmem>>[vector<16xi32>, vector<16xi32>], vector<16xf32>,
      %parallel_loop3A_226 = arith.index_cast %parallel_loop3A_199 : i32 to index
      %parallel_loop3A_227 = arith.constant 96 : index
      %parallel_loop3A_228 = tpu.vector_load %arg9[%parallel_loop3A_226, %parallel_loop3A_227] {strides = array<i32>} : memref<64x128xf32, #tpu.memory_space<vmem>>, vector<16xf32>,
      tpu.vector_store %arg9[%parallel_loop3A_226, %parallel_loop3A_227], %parallel_loop3A_225 {strides = array<i32>} : memref<64x128xf32, #tpu.memory_space<vmem>>, vector<16xf32>,
      %parallel_loop3A_229 = tpu.vector_load_idx %arg6[%parallel_loop3A_200, %get3A_34] : memref<64x512xf32, #tpu.memory_space<vmem>>[vector<16xi32>, vector<16xi32>], vector<16xf32>,
      %parallel_loop3A_230 = arith.index_cast %parallel_loop3A_199 : i32 to index
      %parallel_loop3A_231 = arith.constant 112 : index
      %parallel_loop3A_232 = tpu.vector_load %arg9[%parallel_loop3A_230, %parallel_loop3A_231] {strides = array<i32>} : memref<64x128xf32, #tpu.memory_space<vmem>>, vector<16xf32>,
      tpu.vector_store %arg9[%parallel_loop3A_230, %parallel_loop3A_231], %parallel_loop3A_229 {strides = array<i32>} : memref<64x128xf32, #tpu.memory_space<vmem>>, vector<16xf32>,
    } {sc.loop_unroll_factor = 2 : i64, sc.parallel_access}
    %add3A_40 = arith.constant 0 : i32
    %add3A_41 = arith.addi %mul3A_2, %add3A_40 : i32
    %dma_start3A_42 = arith.constant 0 : i32
    %dma_start3A_43 = tpu.memref_slice %arg4[%add3A_41, %dma_start3A_42] : memref<16384x128xf32, #tpu.memory_space<hbm>> -> memref<64x128xf32, #tpu.memory_space<hbm>>
    %dma_start3A_44 = arith.constant 0 : i32
    %dma_start3A_45 = tpu.memref_slice %arg4[%add3A_41, %dma_start3A_44] : memref<16384x128xf32, #tpu.memory_space<hbm>> -> memref<64x128xf32, #tpu.memory_space<hbm>>
    tpu.enqueue_dma source(%arg9 : memref<64x128xf32, #tpu.memory_space<vmem>>) target(%dma_start3A_45 : memref<64x128xf32, #tpu.memory_space<hbm>>) target_semaphore(%arg15 : memref<!tpu.dma_semaphore, #tpu.memory_space<semaphore_mem>>)
    %add3A_46 = arith.constant 192 : i32
    %add3A_47 = arith.addi %mul3A_2, %add3A_46 : i32
    %dma_start3A_48 = arith.constant 0 : i32
    %dma_start3A_49 = tpu.memref_slice %arg2[%add3A_47, %dma_start3A_48] : memref<16384x512xf32, #tpu.memory_space<hbm>> -> memref<64x512xf32, #tpu.memory_space<hbm>>
    %dma_start3A_50 = arith.constant 0 : i32
    %dma_start3A_51 = tpu.memref_slice %arg2[%add3A_47, %dma_start3A_50] : memref<16384x512xf32, #tpu.memory_space<hbm>> -> memref<64x512xf32, #tpu.memory_space<hbm>>
    tpu.enqueue_dma source(%dma_start3A_51 : memref<64x512xf32, #tpu.memory_space<hbm>>) target(%arg6 : memref<64x512xf32, #tpu.memory_space<vmem>>) target_semaphore(%arg12 : memref<!tpu.dma_semaphore, #tpu.memory_space<semaphore_mem>>)
    %dma_wait3A_52 = arith.constant 0 : i32
    %dma_wait3A_53 = tpu.memref_slice %arg2[%add3A_9, %dma_wait3A_52] : memref<16384x512xf32, #tpu.memory_space<hbm>> -> memref<64x512xf32, #tpu.memory_space<hbm>>
    %dma_wait3A_54 = arith.constant 0 : i32
    %dma_wait3A_55 = tpu.memref_slice %arg2[%add3A_9, %dma_wait3A_54] : memref<16384x512xf32, #tpu.memory_space<hbm>> -> memref<64x512xf32, #tpu.memory_space<hbm>>
    tpu.wait_dma2 semaphore(%arg13 : memref<!tpu.dma_semaphore, #tpu.memory_space<semaphore_mem>>) src(%dma_wait3A_55 : memref<64x512xf32, #tpu.memory_space<hbm>>) dst(%arg7 : memref<64x512xf32, #tpu.memory_space<vmem>>)
    %parallel_loop3A_56 = arith.constant 0 : i32
    %parallel_loop3A_57 = arith.constant 64 : i32
    %parallel_loop3A_58 = arith.constant 1 : i32
    scf.for %parallel_loop3A_199 = %parallel_loop3A_56 to %parallel_loop3A_57 step %parallel_loop3A_58  : i32 {
      %parallel_loop3A_200 = vector.broadcast %parallel_loop3A_199 : i32 to vector<16xi32>
      %parallel_loop3A_201 = tpu.vector_load_idx %arg7[%parallel_loop3A_200, %get3A_20] : memref<64x512xf32, #tpu.memory_space<vmem>>[vector<16xi32>, vector<16xi32>], vector<16xf32>,
      %parallel_loop3A_202 = arith.index_cast %parallel_loop3A_199 : i32 to index
      %parallel_loop3A_203 = arith.constant 0 : index
      %parallel_loop3A_204 = tpu.vector_load %arg10[%parallel_loop3A_202, %parallel_loop3A_203] {strides = array<i32>} : memref<64x128xf32, #tpu.memory_space<vmem>>, vector<16xf32>,
      tpu.vector_store %arg10[%parallel_loop3A_202, %parallel_loop3A_203], %parallel_loop3A_201 {strides = array<i32>} : memref<64x128xf32, #tpu.memory_space<vmem>>, vector<16xf32>,
      %parallel_loop3A_205 = tpu.vector_load_idx %arg7[%parallel_loop3A_200, %get3A_22] : memref<64x512xf32, #tpu.memory_space<vmem>>[vector<16xi32>, vector<16xi32>], vector<16xf32>,
      %parallel_loop3A_206 = arith.index_cast %parallel_loop3A_199 : i32 to index
      %parallel_loop3A_207 = arith.constant 16 : index
      %parallel_loop3A_208 = tpu.vector_load %arg10[%parallel_loop3A_206, %parallel_loop3A_207] {strides = array<i32>} : memref<64x128xf32, #tpu.memory_space<vmem>>, vector<16xf32>,
      tpu.vector_store %arg10[%parallel_loop3A_206, %parallel_loop3A_207], %parallel_loop3A_205 {strides = array<i32>} : memref<64x128xf32, #tpu.memory_space<vmem>>, vector<16xf32>,
      %parallel_loop3A_209 = tpu.vector_load_idx %arg7[%parallel_loop3A_200, %get3A_24] : memref<64x512xf32, #tpu.memory_space<vmem>>[vector<16xi32>, vector<16xi32>], vector<16xf32>,
      %parallel_loop3A_210 = arith.index_cast %parallel_loop3A_199 : i32 to index
      %parallel_loop3A_211 = arith.constant 32 : index
      %parallel_loop3A_212 = tpu.vector_load %arg10[%parallel_loop3A_210, %parallel_loop3A_211] {strides = array<i32>} : memref<64x128xf32, #tpu.memory_space<vmem>>, vector<16xf32>,
      tpu.vector_store %arg10[%parallel_loop3A_210, %parallel_loop3A_211], %parallel_loop3A_209 {strides = array<i32>} : memref<64x128xf32, #tpu.memory_space<vmem>>, vector<16xf32>,
      %parallel_loop3A_213 = tpu.vector_load_idx %arg7[%parallel_loop3A_200, %get3A_26] : memref<64x512xf32, #tpu.memory_space<vmem>>[vector<16xi32>, vector<16xi32>], vector<16xf32>,
      %parallel_loop3A_214 = arith.index_cast %parallel_loop3A_199 : i32 to index
      %parallel_loop3A_215 = arith.constant 48 : index
      %parallel_loop3A_216 = tpu.vector_load %arg10[%parallel_loop3A_214, %parallel_loop3A_215] {strides = array<i32>} : memref<64x128xf32, #tpu.memory_space<vmem>>, vector<16xf32>,
      tpu.vector_store %arg10[%parallel_loop3A_214, %parallel_loop3A_215], %parallel_loop3A_213 {strides = array<i32>} : memref<64x128xf32, #tpu.memory_space<vmem>>, vector<16xf32>,
      %parallel_loop3A_217 = tpu.vector_load_idx %arg7[%parallel_loop3A_200, %get3A_28] : memref<64x512xf32, #tpu.memory_space<vmem>>[vector<16xi32>, vector<16xi32>], vector<16xf32>,
      %parallel_loop3A_218 = arith.index_cast %parallel_loop3A_199 : i32 to index
      %parallel_loop3A_219 = arith.constant 64 : index
      %parallel_loop3A_220 = tpu.vector_load %arg10[%parallel_loop3A_218, %parallel_loop3A_219] {strides = array<i32>} : memref<64x128xf32, #tpu.memory_space<vmem>>, vector<16xf32>,
      tpu.vector_store %arg10[%parallel_loop3A_218, %parallel_loop3A_219], %parallel_loop3A_217 {strides = array<i32>} : memref<64x128xf32, #tpu.memory_space<vmem>>, vector<16xf32>,
      %parallel_loop3A_221 = tpu.vector_load_idx %arg7[%parallel_loop3A_200, %get3A_30] : memref<64x512xf32, #tpu.memory_space<vmem>>[vector<16xi32>, vector<16xi32>], vector<16xf32>,
      %parallel_loop3A_222 = arith.index_cast %parallel_loop3A_199 : i32 to index
      %parallel_loop3A_223 = arith.constant 80 : index
      %parallel_loop3A_224 = tpu.vector_load %arg10[%parallel_loop3A_222, %parallel_loop3A_223] {strides = array<i32>} : memref<64x128xf32, #tpu.memory_space<vmem>>, vector<16xf32>,
      tpu.vector_store %arg10[%parallel_loop3A_222, %parallel_loop3A_223], %parallel_loop3A_221 {strides = array<i32>} : memref<64x128xf32, #tpu.memory_space<vmem>>, vector<16xf32>,
      %parallel_loop3A_225 = tpu.vector_load_idx %arg7[%parallel_loop3A_200, %get3A_32] : memref<64x512xf32, #tpu.memory_space<vmem>>[vector<16xi32>, vector<16xi32>], vector<16xf32>,
      %parallel_loop3A_226 = arith.index_cast %parallel_loop3A_199 : i32 to index
      %parallel_loop3A_227 = arith.constant 96 : index
      %parallel_loop3A_228 = tpu.vector_load %arg10[%parallel_loop3A_226, %parallel_loop3A_227] {strides = array<i32>} : memref<64x128xf32, #tpu.memory_space<vmem>>, vector<16xf32>,
      tpu.vector_store %arg10[%parallel_loop3A_226, %parallel_loop3A_227], %parallel_loop3A_225 {strides = array<i32>} : memref<64x128xf32, #tpu.memory_space<vmem>>, vector<16xf32>,
      %parallel_loop3A_229 = tpu.vector_load_idx %arg7[%parallel_loop3A_200, %get3A_34] : memref<64x512xf32, #tpu.memory_space<vmem>>[vector<16xi32>, vector<16xi32>], vector<16xf32>,
      %parallel_loop3A_230 = arith.index_cast %parallel_loop3A_199 : i32 to index
      %parallel_loop3A_231 = arith.constant 112 : index
      %parallel_loop3A_232 = tpu.vector_load %arg10[%parallel_loop3A_230, %parallel_loop3A_231] {strides = array<i32>} : memref<64x128xf32, #tpu.memory_space<vmem>>, vector<16xf32>,
      tpu.vector_store %arg10[%parallel_loop3A_230, %parallel_loop3A_231], %parallel_loop3A_229 {strides = array<i32>} : memref<64x128xf32, #tpu.memory_space<vmem>>, vector<16xf32>,
    } {sc.loop_unroll_factor = 2 : i64, sc.parallel_access}
    %add3A_59 = arith.constant 64 : i32
    %add3A_60 = arith.addi %mul3A_2, %add3A_59 : i32
    %dma_start3A_61 = arith.constant 0 : i32
    %dma_start3A_62 = tpu.memref_slice %arg4[%add3A_60, %dma_start3A_61] : memref<16384x128xf32, #tpu.memory_space<hbm>> -> memref<64x128xf32, #tpu.memory_space<hbm>>
    %dma_start3A_63 = arith.constant 0 : i32
    %dma_start3A_64 = tpu.memref_slice %arg4[%add3A_60, %dma_start3A_63] : memref<16384x128xf32, #tpu.memory_space<hbm>> -> memref<64x128xf32, #tpu.memory_space<hbm>>
    tpu.enqueue_dma source(%arg10 : memref<64x128xf32, #tpu.memory_space<vmem>>) target(%dma_start3A_64 : memref<64x128xf32, #tpu.memory_space<hbm>>) target_semaphore(%arg16 : memref<!tpu.dma_semaphore, #tpu.memory_space<semaphore_mem>>)
    %add3A_65 = arith.constant 256 : i32
    %add3A_66 = arith.addi %mul3A_2, %add3A_65 : i32
    %dma_start3A_67 = arith.constant 0 : i32
    %dma_start3A_68 = tpu.memref_slice %arg2[%add3A_66, %dma_start3A_67] : memref<16384x512xf32, #tpu.memory_space<hbm>> -> memref<64x512xf32, #tpu.memory_space<hbm>>
    %dma_start3A_69 = arith.constant 0 : i32
    %dma_start3A_70 = tpu.memref_slice %arg2[%add3A_66, %dma_start3A_69] : memref<16384x512xf32, #tpu.memory_space<hbm>> -> memref<64x512xf32, #tpu.memory_space<hbm>>
    tpu.enqueue_dma source(%dma_start3A_70 : memref<64x512xf32, #tpu.memory_space<hbm>>) target(%arg7 : memref<64x512xf32, #tpu.memory_space<vmem>>) target_semaphore(%arg13 : memref<!tpu.dma_semaphore, #tpu.memory_space<semaphore_mem>>)
    %dma_wait3A_71 = arith.constant 0 : i32
    %dma_wait3A_72 = tpu.memref_slice %arg2[%add3A_15, %dma_wait3A_71] : memref<16384x512xf32, #tpu.memory_space<hbm>> -> memref<64x512xf32, #tpu.memory_space<hbm>>
    %dma_wait3A_73 = arith.constant 0 : i32
    %dma_wait3A_74 = tpu.memref_slice %arg2[%add3A_15, %dma_wait3A_73] : memref<16384x512xf32, #tpu.memory_space<hbm>> -> memref<64x512xf32, #tpu.memory_space<hbm>>
    tpu.wait_dma2 semaphore(%arg14 : memref<!tpu.dma_semaphore, #tpu.memory_space<semaphore_mem>>) src(%dma_wait3A_74 : memref<64x512xf32, #tpu.memory_space<hbm>>) dst(%arg8 : memref<64x512xf32, #tpu.memory_space<vmem>>)
    %parallel_loop3A_75 = arith.constant 0 : i32
    %parallel_loop3A_76 = arith.constant 64 : i32
    %parallel_loop3A_77 = arith.constant 1 : i32
    scf.for %parallel_loop3A_199 = %parallel_loop3A_75 to %parallel_loop3A_76 step %parallel_loop3A_77  : i32 {
      %parallel_loop3A_200 = vector.broadcast %parallel_loop3A_199 : i32 to vector<16xi32>
      %parallel_loop3A_201 = tpu.vector_load_idx %arg8[%parallel_loop3A_200, %get3A_20] : memref<64x512xf32, #tpu.memory_space<vmem>>[vector<16xi32>, vector<16xi32>], vector<16xf32>,
      %parallel_loop3A_202 = arith.index_cast %parallel_loop3A_199 : i32 to index
      %parallel_loop3A_203 = arith.constant 0 : index
      %parallel_loop3A_204 = tpu.vector_load %arg11[%parallel_loop3A_202, %parallel_loop3A_203] {strides = array<i32>} : memref<64x128xf32, #tpu.memory_space<vmem>>, vector<16xf32>,
      tpu.vector_store %arg11[%parallel_loop3A_202, %parallel_loop3A_203], %parallel_loop3A_201 {strides = array<i32>} : memref<64x128xf32, #tpu.memory_space<vmem>>, vector<16xf32>,
      %parallel_loop3A_205 = tpu.vector_load_idx %arg8[%parallel_loop3A_200, %get3A_22] : memref<64x512xf32, #tpu.memory_space<vmem>>[vector<16xi32>, vector<16xi32>], vector<16xf32>,
      %parallel_loop3A_206 = arith.index_cast %parallel_loop3A_199 : i32 to index
      %parallel_loop3A_207 = arith.constant 16 : index
      %parallel_loop3A_208 = tpu.vector_load %arg11[%parallel_loop3A_206, %parallel_loop3A_207] {strides = array<i32>} : memref<64x128xf32, #tpu.memory_space<vmem>>, vector<16xf32>,
      tpu.vector_store %arg11[%parallel_loop3A_206, %parallel_loop3A_207], %parallel_loop3A_205 {strides = array<i32>} : memref<64x128xf32, #tpu.memory_space<vmem>>, vector<16xf32>,
      %parallel_loop3A_209 = tpu.vector_load_idx %arg8[%parallel_loop3A_200, %get3A_24] : memref<64x512xf32, #tpu.memory_space<vmem>>[vector<16xi32>, vector<16xi32>], vector<16xf32>,
      %parallel_loop3A_210 = arith.index_cast %parallel_loop3A_199 : i32 to index
      %parallel_loop3A_211 = arith.constant 32 : index
      %parallel_loop3A_212 = tpu.vector_load %arg11[%parallel_loop3A_210, %parallel_loop3A_211] {strides = array<i32>} : memref<64x128xf32, #tpu.memory_space<vmem>>, vector<16xf32>,
      tpu.vector_store %arg11[%parallel_loop3A_210, %parallel_loop3A_211], %parallel_loop3A_209 {strides = array<i32>} : memref<64x128xf32, #tpu.memory_space<vmem>>, vector<16xf32>,
      %parallel_loop3A_213 = tpu.vector_load_idx %arg8[%parallel_loop3A_200, %get3A_26] : memref<64x512xf32, #tpu.memory_space<vmem>>[vector<16xi32>, vector<16xi32>], vector<16xf32>,
      %parallel_loop3A_214 = arith.index_cast %parallel_loop3A_199 : i32 to index
      %parallel_loop3A_215 = arith.constant 48 : index
      %parallel_loop3A_216 = tpu.vector_load %arg11[%parallel_loop3A_214, %parallel_loop3A_215] {strides = array<i32>} : memref<64x128xf32, #tpu.memory_space<vmem>>, vector<16xf32>,
      tpu.vector_store %arg11[%parallel_loop3A_214, %parallel_loop3A_215], %parallel_loop3A_213 {strides = array<i32>} : memref<64x128xf32, #tpu.memory_space<vmem>>, vector<16xf32>,
      %parallel_loop3A_217 = tpu.vector_load_idx %arg8[%parallel_loop3A_200, %get3A_28] : memref<64x512xf32, #tpu.memory_space<vmem>>[vector<16xi32>, vector<16xi32>], vector<16xf32>,
      %parallel_loop3A_218 = arith.index_cast %parallel_loop3A_199 : i32 to index
      %parallel_loop3A_219 = arith.constant 64 : index
      %parallel_loop3A_220 = tpu.vector_load %arg11[%parallel_loop3A_218, %parallel_loop3A_219] {strides = array<i32>} : memref<64x128xf32, #tpu.memory_space<vmem>>, vector<16xf32>,
      tpu.vector_store %arg11[%parallel_loop3A_218, %parallel_loop3A_219], %parallel_loop3A_217 {strides = array<i32>} : memref<64x128xf32, #tpu.memory_space<vmem>>, vector<16xf32>,
      %parallel_loop3A_221 = tpu.vector_load_idx %arg8[%parallel_loop3A_200, %get3A_30] : memref<64x512xf32, #tpu.memory_space<vmem>>[vector<16xi32>, vector<16xi32>], vector<16xf32>,
      %parallel_loop3A_222 = arith.index_cast %parallel_loop3A_199 : i32 to index
      %parallel_loop3A_223 = arith.constant 80 : index
      %parallel_loop3A_224 = tpu.vector_load %arg11[%parallel_loop3A_222, %parallel_loop3A_223] {strides = array<i32>} : memref<64x128xf32, #tpu.memory_space<vmem>>, vector<16xf32>,
      tpu.vector_store %arg11[%parallel_loop3A_222, %parallel_loop3A_223], %parallel_loop3A_221 {strides = array<i32>} : memref<64x128xf32, #tpu.memory_space<vmem>>, vector<16xf32>,
      %parallel_loop3A_225 = tpu.vector_load_idx %arg8[%parallel_loop3A_200, %get3A_32] : memref<64x512xf32, #tpu.memory_space<vmem>>[vector<16xi32>, vector<16xi32>], vector<16xf32>,
      %parallel_loop3A_226 = arith.index_cast %parallel_loop3A_199 : i32 to index
      %parallel_loop3A_227 = arith.constant 96 : index
      %parallel_loop3A_228 = tpu.vector_load %arg11[%parallel_loop3A_226, %parallel_loop3A_227] {strides = array<i32>} : memref<64x128xf32, #tpu.memory_space<vmem>>, vector<16xf32>,
      tpu.vector_store %arg11[%parallel_loop3A_226, %parallel_loop3A_227], %parallel_loop3A_225 {strides = array<i32>} : memref<64x128xf32, #tpu.memory_space<vmem>>, vector<16xf32>,
      %parallel_loop3A_229 = tpu.vector_load_idx %arg8[%parallel_loop3A_200, %get3A_34] : memref<64x512xf32, #tpu.memory_space<vmem>>[vector<16xi32>, vector<16xi32>], vector<16xf32>,
      %parallel_loop3A_230 = arith.index_cast %parallel_loop3A_199 : i32 to index
      %parallel_loop3A_231 = arith.constant 112 : index
      %parallel_loop3A_232 = tpu.vector_load %arg11[%parallel_loop3A_230, %parallel_loop3A_231] {strides = array<i32>} : memref<64x128xf32, #tpu.memory_space<vmem>>, vector<16xf32>,
      tpu.vector_store %arg11[%parallel_loop3A_230, %parallel_loop3A_231], %parallel_loop3A_229 {strides = array<i32>} : memref<64x128xf32, #tpu.memory_space<vmem>>, vector<16xf32>,
    } {sc.loop_unroll_factor = 2 : i64, sc.parallel_access}
    %add3A_78 = arith.constant 128 : i32
    %add3A_79 = arith.addi %mul3A_2, %add3A_78 : i32
    %dma_start3A_80 = arith.constant 0 : i32
    %dma_start3A_81 = tpu.memref_slice %arg4[%add3A_79, %dma_start3A_80] : memref<16384x128xf32, #tpu.memory_space<hbm>> -> memref<64x128xf32, #tpu.memory_space<hbm>>
    %dma_start3A_82 = arith.constant 0 : i32
    %dma_start3A_83 = tpu.memref_slice %arg4[%add3A_79, %dma_start3A_82] : memref<16384x128xf32, #tpu.memory_space<hbm>> -> memref<64x128xf32, #tpu.memory_space<hbm>>
    tpu.enqueue_dma source(%arg11 : memref<64x128xf32, #tpu.memory_space<vmem>>) target(%dma_start3A_83 : memref<64x128xf32, #tpu.memory_space<hbm>>) target_semaphore(%arg17 : memref<!tpu.dma_semaphore, #tpu.memory_space<semaphore_mem>>)
    %add3A_84 = arith.constant 320 : i32
    %add3A_85 = arith.addi %mul3A_2, %add3A_84 : i32
    %dma_start3A_86 = arith.constant 0 : i32
    %dma_start3A_87 = tpu.memref_slice %arg2[%add3A_85, %dma_start3A_86] : memref<16384x512xf32, #tpu.memory_space<hbm>> -> memref<64x512xf32, #tpu.memory_space<hbm>>
    %dma_start3A_88 = arith.constant 0 : i32
    %dma_start3A_89 = tpu.memref_slice %arg2[%add3A_85, %dma_start3A_88] : memref<16384x512xf32, #tpu.memory_space<hbm>> -> memref<64x512xf32, #tpu.memory_space<hbm>>
    tpu.enqueue_dma source(%dma_start3A_89 : memref<64x512xf32, #tpu.memory_space<hbm>>) target(%arg8 : memref<64x512xf32, #tpu.memory_space<vmem>>) target_semaphore(%arg14 : memref<!tpu.dma_semaphore, #tpu.memory_space<semaphore_mem>>)
    %dma_wait3A_90 = arith.constant 0 : i32
    %dma_wait3A_91 = tpu.memref_slice %arg2[%add3A_47, %dma_wait3A_90] : memref<16384x512xf32, #tpu.memory_space<hbm>> -> memref<64x512xf32, #tpu.memory_space<hbm>>
    %dma_wait3A_92 = arith.constant 0 : i32
    %dma_wait3A_93 = tpu.memref_slice %arg2[%add3A_47, %dma_wait3A_92] : memref<16384x512xf32, #tpu.memory_space<hbm>> -> memref<64x512xf32, #tpu.memory_space<hbm>>
    tpu.wait_dma2 semaphore(%arg12 : memref<!tpu.dma_semaphore, #tpu.memory_space<semaphore_mem>>) src(%dma_wait3A_93 : memref<64x512xf32, #tpu.memory_space<hbm>>) dst(%arg6 : memref<64x512xf32, #tpu.memory_space<vmem>>)
    %dma_wait3A_94 = arith.constant 0 : i32
    %dma_wait3A_95 = tpu.memref_slice %arg4[%add3A_41, %dma_wait3A_94] : memref<16384x128xf32, #tpu.memory_space<hbm>> -> memref<64x128xf32, #tpu.memory_space<hbm>>
    %dma_wait3A_96 = arith.constant 0 : i32
    %dma_wait3A_97 = tpu.memref_slice %arg4[%add3A_41, %dma_wait3A_96] : memref<16384x128xf32, #tpu.memory_space<hbm>> -> memref<64x128xf32, #tpu.memory_space<hbm>>
    tpu.wait_dma2 semaphore(%arg15 : memref<!tpu.dma_semaphore, #tpu.memory_space<semaphore_mem>>) src(%arg9 : memref<64x128xf32, #tpu.memory_space<vmem>>) dst(%dma_wait3A_97 : memref<64x128xf32, #tpu.memory_space<hbm>>)
    %parallel_loop3A_98 = arith.constant 0 : i32
    %parallel_loop3A_99 = arith.constant 64 : i32
    %parallel_loop3A_100 = arith.constant 1 : i32
    scf.for %parallel_loop3A_199 = %parallel_loop3A_98 to %parallel_loop3A_99 step %parallel_loop3A_100  : i32 {
      %parallel_loop3A_200 = vector.broadcast %parallel_loop3A_199 : i32 to vector<16xi32>
      %parallel_loop3A_201 = tpu.vector_load_idx %arg6[%parallel_loop3A_200, %get3A_20] : memref<64x512xf32, #tpu.memory_space<vmem>>[vector<16xi32>, vector<16xi32>], vector<16xf32>,
      %parallel_loop3A_202 = arith.index_cast %parallel_loop3A_199 : i32 to index
      %parallel_loop3A_203 = arith.constant 0 : index
      %parallel_loop3A_204 = tpu.vector_load %arg9[%parallel_loop3A_202, %parallel_loop3A_203] {strides = array<i32>} : memref<64x128xf32, #tpu.memory_space<vmem>>, vector<16xf32>,
      tpu.vector_store %arg9[%parallel_loop3A_202, %parallel_loop3A_203], %parallel_loop3A_201 {strides = array<i32>} : memref<64x128xf32, #tpu.memory_space<vmem>>, vector<16xf32>,
      %parallel_loop3A_205 = tpu.vector_load_idx %arg6[%parallel_loop3A_200, %get3A_22] : memref<64x512xf32, #tpu.memory_space<vmem>>[vector<16xi32>, vector<16xi32>], vector<16xf32>,
      %parallel_loop3A_206 = arith.index_cast %parallel_loop3A_199 : i32 to index
      %parallel_loop3A_207 = arith.constant 16 : index
      %parallel_loop3A_208 = tpu.vector_load %arg9[%parallel_loop3A_206, %parallel_loop3A_207] {strides = array<i32>} : memref<64x128xf32, #tpu.memory_space<vmem>>, vector<16xf32>,
      tpu.vector_store %arg9[%parallel_loop3A_206, %parallel_loop3A_207], %parallel_loop3A_205 {strides = array<i32>} : memref<64x128xf32, #tpu.memory_space<vmem>>, vector<16xf32>,
      %parallel_loop3A_209 = tpu.vector_load_idx %arg6[%parallel_loop3A_200, %get3A_24] : memref<64x512xf32, #tpu.memory_space<vmem>>[vector<16xi32>, vector<16xi32>], vector<16xf32>,
      %parallel_loop3A_210 = arith.index_cast %parallel_loop3A_199 : i32 to index
      %parallel_loop3A_211 = arith.constant 32 : index
      %parallel_loop3A_212 = tpu.vector_load %arg9[%parallel_loop3A_210, %parallel_loop3A_211] {strides = array<i32>} : memref<64x128xf32, #tpu.memory_space<vmem>>, vector<16xf32>,
      tpu.vector_store %arg9[%parallel_loop3A_210, %parallel_loop3A_211], %parallel_loop3A_209 {strides = array<i32>} : memref<64x128xf32, #tpu.memory_space<vmem>>, vector<16xf32>,
      %parallel_loop3A_213 = tpu.vector_load_idx %arg6[%parallel_loop3A_200, %get3A_26] : memref<64x512xf32, #tpu.memory_space<vmem>>[vector<16xi32>, vector<16xi32>], vector<16xf32>,
      %parallel_loop3A_214 = arith.index_cast %parallel_loop3A_199 : i32 to index
      %parallel_loop3A_215 = arith.constant 48 : index
      %parallel_loop3A_216 = tpu.vector_load %arg9[%parallel_loop3A_214, %parallel_loop3A_215] {strides = array<i32>} : memref<64x128xf32, #tpu.memory_space<vmem>>, vector<16xf32>,
      tpu.vector_store %arg9[%parallel_loop3A_214, %parallel_loop3A_215], %parallel_loop3A_213 {strides = array<i32>} : memref<64x128xf32, #tpu.memory_space<vmem>>, vector<16xf32>,
      %parallel_loop3A_217 = tpu.vector_load_idx %arg6[%parallel_loop3A_200, %get3A_28] : memref<64x512xf32, #tpu.memory_space<vmem>>[vector<16xi32>, vector<16xi32>], vector<16xf32>,
      %parallel_loop3A_218 = arith.index_cast %parallel_loop3A_199 : i32 to index
      %parallel_loop3A_219 = arith.constant 64 : index
      %parallel_loop3A_220 = tpu.vector_load %arg9[%parallel_loop3A_218, %parallel_loop3A_219] {strides = array<i32>} : memref<64x128xf32, #tpu.memory_space<vmem>>, vector<16xf32>,
      tpu.vector_store %arg9[%parallel_loop3A_218, %parallel_loop3A_219], %parallel_loop3A_217 {strides = array<i32>} : memref<64x128xf32, #tpu.memory_space<vmem>>, vector<16xf32>,
      %parallel_loop3A_221 = tpu.vector_load_idx %arg6[%parallel_loop3A_200, %get3A_30] : memref<64x512xf32, #tpu.memory_space<vmem>>[vector<16xi32>, vector<16xi32>], vector<16xf32>,
      %parallel_loop3A_222 = arith.index_cast %parallel_loop3A_199 : i32 to index
      %parallel_loop3A_223 = arith.constant 80 : index
      %parallel_loop3A_224 = tpu.vector_load %arg9[%parallel_loop3A_222, %parallel_loop3A_223] {strides = array<i32>} : memref<64x128xf32, #tpu.memory_space<vmem>>, vector<16xf32>,
      tpu.vector_store %arg9[%parallel_loop3A_222, %parallel_loop3A_223], %parallel_loop3A_221 {strides = array<i32>} : memref<64x128xf32, #tpu.memory_space<vmem>>, vector<16xf32>,
      %parallel_loop3A_225 = tpu.vector_load_idx %arg6[%parallel_loop3A_200, %get3A_32] : memref<64x512xf32, #tpu.memory_space<vmem>>[vector<16xi32>, vector<16xi32>], vector<16xf32>,
      %parallel_loop3A_226 = arith.index_cast %parallel_loop3A_199 : i32 to index
      %parallel_loop3A_227 = arith.constant 96 : index
      %parallel_loop3A_228 = tpu.vector_load %arg9[%parallel_loop3A_226, %parallel_loop3A_227] {strides = array<i32>} : memref<64x128xf32, #tpu.memory_space<vmem>>, vector<16xf32>,
      tpu.vector_store %arg9[%parallel_loop3A_226, %parallel_loop3A_227], %parallel_loop3A_225 {strides = array<i32>} : memref<64x128xf32, #tpu.memory_space<vmem>>, vector<16xf32>,
      %parallel_loop3A_229 = tpu.vector_load_idx %arg6[%parallel_loop3A_200, %get3A_34] : memref<64x512xf32, #tpu.memory_space<vmem>>[vector<16xi32>, vector<16xi32>], vector<16xf32>,
      %parallel_loop3A_230 = arith.index_cast %parallel_loop3A_199 : i32 to index
      %parallel_loop3A_231 = arith.constant 112 : index
      %parallel_loop3A_232 = tpu.vector_load %arg9[%parallel_loop3A_230, %parallel_loop3A_231] {strides = array<i32>} : memref<64x128xf32, #tpu.memory_space<vmem>>, vector<16xf32>,
      tpu.vector_store %arg9[%parallel_loop3A_230, %parallel_loop3A_231], %parallel_loop3A_229 {strides = array<i32>} : memref<64x128xf32, #tpu.memory_space<vmem>>, vector<16xf32>,
    } {sc.loop_unroll_factor = 2 : i64, sc.parallel_access}
    %add3A_101 = arith.constant 192 : i32
    %add3A_102 = arith.addi %mul3A_2, %add3A_101 : i32
    %dma_start3A_103 = arith.constant 0 : i32
    %dma_start3A_104 = tpu.memref_slice %arg4[%add3A_102, %dma_start3A_103] : memref<16384x128xf32, #tpu.memory_space<hbm>> -> memref<64x128xf32, #tpu.memory_space<hbm>>
    %dma_start3A_105 = arith.constant 0 : i32
    %dma_start3A_106 = tpu.memref_slice %arg4[%add3A_102, %dma_start3A_105] : memref<16384x128xf32, #tpu.memory_space<hbm>> -> memref<64x128xf32, #tpu.memory_space<hbm>>
    tpu.enqueue_dma source(%arg9 : memref<64x128xf32, #tpu.memory_space<vmem>>) target(%dma_start3A_106 : memref<64x128xf32, #tpu.memory_space<hbm>>) target_semaphore(%arg15 : memref<!tpu.dma_semaphore, #tpu.memory_space<semaphore_mem>>)
    %add3A_107 = arith.constant 384 : i32
    %add3A_108 = arith.addi %mul3A_2, %add3A_107 : i32
    %dma_start3A_109 = arith.constant 0 : i32
    %dma_start3A_110 = tpu.memref_slice %arg2[%add3A_108, %dma_start3A_109] : memref<16384x512xf32, #tpu.memory_space<hbm>> -> memref<64x512xf32, #tpu.memory_space<hbm>>
    %dma_start3A_111 = arith.constant 0 : i32
    %dma_start3A_112 = tpu.memref_slice %arg2[%add3A_108, %dma_start3A_111] : memref<16384x512xf32, #tpu.memory_space<hbm>> -> memref<64x512xf32, #tpu.memory_space<hbm>>
    tpu.enqueue_dma source(%dma_start3A_112 : memref<64x512xf32, #tpu.memory_space<hbm>>) target(%arg6 : memref<64x512xf32, #tpu.memory_space<vmem>>) target_semaphore(%arg12 : memref<!tpu.dma_semaphore, #tpu.memory_space<semaphore_mem>>)
    %dma_wait3A_113 = arith.constant 0 : i32
    %dma_wait3A_114 = tpu.memref_slice %arg2[%add3A_66, %dma_wait3A_113] : memref<16384x512xf32, #tpu.memory_space<hbm>> -> memref<64x512xf32, #tpu.memory_space<hbm>>
    %dma_wait3A_115 = arith.constant 0 : i32
    %dma_wait3A_116 = tpu.memref_slice %arg2[%add3A_66, %dma_wait3A_115] : memref<16384x512xf32, #tpu.memory_space<hbm>> -> memref<64x512xf32, #tpu.memory_space<hbm>>
    tpu.wait_dma2 semaphore(%arg13 : memref<!tpu.dma_semaphore, #tpu.memory_space<semaphore_mem>>) src(%dma_wait3A_116 : memref<64x512xf32, #tpu.memory_space<hbm>>) dst(%arg7 : memref<64x512xf32, #tpu.memory_space<vmem>>)
    %dma_wait3A_117 = arith.constant 0 : i32
    %dma_wait3A_118 = tpu.memref_slice %arg4[%add3A_60, %dma_wait3A_117] : memref<16384x128xf32, #tpu.memory_space<hbm>> -> memref<64x128xf32, #tpu.memory_space<hbm>>
    %dma_wait3A_119 = arith.constant 0 : i32
    %dma_wait3A_120 = tpu.memref_slice %arg4[%add3A_60, %dma_wait3A_119] : memref<16384x128xf32, #tpu.memory_space<hbm>> -> memref<64x128xf32, #tpu.memory_space<hbm>>
    tpu.wait_dma2 semaphore(%arg16 : memref<!tpu.dma_semaphore, #tpu.memory_space<semaphore_mem>>) src(%arg10 : memref<64x128xf32, #tpu.memory_space<vmem>>) dst(%dma_wait3A_120 : memref<64x128xf32, #tpu.memory_space<hbm>>)
    %parallel_loop3A_121 = arith.constant 0 : i32
    %parallel_loop3A_122 = arith.constant 64 : i32
    %parallel_loop3A_123 = arith.constant 1 : i32
    scf.for %parallel_loop3A_199 = %parallel_loop3A_121 to %parallel_loop3A_122 step %parallel_loop3A_123  : i32 {
      %parallel_loop3A_200 = vector.broadcast %parallel_loop3A_199 : i32 to vector<16xi32>
      %parallel_loop3A_201 = tpu.vector_load_idx %arg7[%parallel_loop3A_200, %get3A_20] : memref<64x512xf32, #tpu.memory_space<vmem>>[vector<16xi32>, vector<16xi32>], vector<16xf32>,
      %parallel_loop3A_202 = arith.index_cast %parallel_loop3A_199 : i32 to index
      %parallel_loop3A_203 = arith.constant 0 : index
      %parallel_loop3A_204 = tpu.vector_load %arg10[%parallel_loop3A_202, %parallel_loop3A_203] {strides = array<i32>} : memref<64x128xf32, #tpu.memory_space<vmem>>, vector<16xf32>,
      tpu.vector_store %arg10[%parallel_loop3A_202, %parallel_loop3A_203], %parallel_loop3A_201 {strides = array<i32>} : memref<64x128xf32, #tpu.memory_space<vmem>>, vector<16xf32>,
      %parallel_loop3A_205 = tpu.vector_load_idx %arg7[%parallel_loop3A_200, %get3A_22] : memref<64x512xf32, #tpu.memory_space<vmem>>[vector<16xi32>, vector<16xi32>], vector<16xf32>,
      %parallel_loop3A_206 = arith.index_cast %parallel_loop3A_199 : i32 to index
      %parallel_loop3A_207 = arith.constant 16 : index
      %parallel_loop3A_208 = tpu.vector_load %arg10[%parallel_loop3A_206, %parallel_loop3A_207] {strides = array<i32>} : memref<64x128xf32, #tpu.memory_space<vmem>>, vector<16xf32>,
      tpu.vector_store %arg10[%parallel_loop3A_206, %parallel_loop3A_207], %parallel_loop3A_205 {strides = array<i32>} : memref<64x128xf32, #tpu.memory_space<vmem>>, vector<16xf32>,
      %parallel_loop3A_209 = tpu.vector_load_idx %arg7[%parallel_loop3A_200, %get3A_24] : memref<64x512xf32, #tpu.memory_space<vmem>>[vector<16xi32>, vector<16xi32>], vector<16xf32>,
      %parallel_loop3A_210 = arith.index_cast %parallel_loop3A_199 : i32 to index
      %parallel_loop3A_211 = arith.constant 32 : index
      %parallel_loop3A_212 = tpu.vector_load %arg10[%parallel_loop3A_210, %parallel_loop3A_211] {strides = array<i32>} : memref<64x128xf32, #tpu.memory_space<vmem>>, vector<16xf32>,
      tpu.vector_store %arg10[%parallel_loop3A_210, %parallel_loop3A_211], %parallel_loop3A_209 {strides = array<i32>} : memref<64x128xf32, #tpu.memory_space<vmem>>, vector<16xf32>,
      %parallel_loop3A_213 = tpu.vector_load_idx %arg7[%parallel_loop3A_200, %get3A_26] : memref<64x512xf32, #tpu.memory_space<vmem>>[vector<16xi32>, vector<16xi32>], vector<16xf32>,
      %parallel_loop3A_214 = arith.index_cast %parallel_loop3A_199 : i32 to index
      %parallel_loop3A_215 = arith.constant 48 : index
      %parallel_loop3A_216 = tpu.vector_load %arg10[%parallel_loop3A_214, %parallel_loop3A_215] {strides = array<i32>} : memref<64x128xf32, #tpu.memory_space<vmem>>, vector<16xf32>,
      tpu.vector_store %arg10[%parallel_loop3A_214, %parallel_loop3A_215], %parallel_loop3A_213 {strides = array<i32>} : memref<64x128xf32, #tpu.memory_space<vmem>>, vector<16xf32>,
      %parallel_loop3A_217 = tpu.vector_load_idx %arg7[%parallel_loop3A_200, %get3A_28] : memref<64x512xf32, #tpu.memory_space<vmem>>[vector<16xi32>, vector<16xi32>], vector<16xf32>,
      %parallel_loop3A_218 = arith.index_cast %parallel_loop3A_199 : i32 to index
      %parallel_loop3A_219 = arith.constant 64 : index
      %parallel_loop3A_220 = tpu.vector_load %arg10[%parallel_loop3A_218, %parallel_loop3A_219] {strides = array<i32>} : memref<64x128xf32, #tpu.memory_space<vmem>>, vector<16xf32>,
      tpu.vector_store %arg10[%parallel_loop3A_218, %parallel_loop3A_219], %parallel_loop3A_217 {strides = array<i32>} : memref<64x128xf32, #tpu.memory_space<vmem>>, vector<16xf32>,
      %parallel_loop3A_221 = tpu.vector_load_idx %arg7[%parallel_loop3A_200, %get3A_30] : memref<64x512xf32, #tpu.memory_space<vmem>>[vector<16xi32>, vector<16xi32>], vector<16xf32>,
      %parallel_loop3A_222 = arith.index_cast %parallel_loop3A_199 : i32 to index
      %parallel_loop3A_223 = arith.constant 80 : index
      %parallel_loop3A_224 = tpu.vector_load %arg10[%parallel_loop3A_222, %parallel_loop3A_223] {strides = array<i32>} : memref<64x128xf32, #tpu.memory_space<vmem>>, vector<16xf32>,
      tpu.vector_store %arg10[%parallel_loop3A_222, %parallel_loop3A_223], %parallel_loop3A_221 {strides = array<i32>} : memref<64x128xf32, #tpu.memory_space<vmem>>, vector<16xf32>,
      %parallel_loop3A_225 = tpu.vector_load_idx %arg7[%parallel_loop3A_200, %get3A_32] : memref<64x512xf32, #tpu.memory_space<vmem>>[vector<16xi32>, vector<16xi32>], vector<16xf32>,
      %parallel_loop3A_226 = arith.index_cast %parallel_loop3A_199 : i32 to index
      %parallel_loop3A_227 = arith.constant 96 : index
      %parallel_loop3A_228 = tpu.vector_load %arg10[%parallel_loop3A_226, %parallel_loop3A_227] {strides = array<i32>} : memref<64x128xf32, #tpu.memory_space<vmem>>, vector<16xf32>,
      tpu.vector_store %arg10[%parallel_loop3A_226, %parallel_loop3A_227], %parallel_loop3A_225 {strides = array<i32>} : memref<64x128xf32, #tpu.memory_space<vmem>>, vector<16xf32>,
      %parallel_loop3A_229 = tpu.vector_load_idx %arg7[%parallel_loop3A_200, %get3A_34] : memref<64x512xf32, #tpu.memory_space<vmem>>[vector<16xi32>, vector<16xi32>], vector<16xf32>,
      %parallel_loop3A_230 = arith.index_cast %parallel_loop3A_199 : i32 to index
      %parallel_loop3A_231 = arith.constant 112 : index
      %parallel_loop3A_232 = tpu.vector_load %arg10[%parallel_loop3A_230, %parallel_loop3A_231] {strides = array<i32>} : memref<64x128xf32, #tpu.memory_space<vmem>>, vector<16xf32>,
      tpu.vector_store %arg10[%parallel_loop3A_230, %parallel_loop3A_231], %parallel_loop3A_229 {strides = array<i32>} : memref<64x128xf32, #tpu.memory_space<vmem>>, vector<16xf32>,
    } {sc.loop_unroll_factor = 2 : i64, sc.parallel_access}
    %add3A_124 = arith.constant 256 : i32
    %add3A_125 = arith.addi %mul3A_2, %add3A_124 : i32
    %dma_start3A_126 = arith.constant 0 : i32
    %dma_start3A_127 = tpu.memref_slice %arg4[%add3A_125, %dma_start3A_126] : memref<16384x128xf32, #tpu.memory_space<hbm>> -> memref<64x128xf32, #tpu.memory_space<hbm>>
    %dma_start3A_128 = arith.constant 0 : i32
    %dma_start3A_129 = tpu.memref_slice %arg4[%add3A_125, %dma_start3A_128] : memref<16384x128xf32, #tpu.memory_space<hbm>> -> memref<64x128xf32, #tpu.memory_space<hbm>>
    tpu.enqueue_dma source(%arg10 : memref<64x128xf32, #tpu.memory_space<vmem>>) target(%dma_start3A_129 : memref<64x128xf32, #tpu.memory_space<hbm>>) target_semaphore(%arg16 : memref<!tpu.dma_semaphore, #tpu.memory_space<semaphore_mem>>)
    %add3A_130 = arith.constant 448 : i32
    %add3A_131 = arith.addi %mul3A_2, %add3A_130 : i32
    %dma_start3A_132 = arith.constant 0 : i32
    %dma_start3A_133 = tpu.memref_slice %arg2[%add3A_131, %dma_start3A_132] : memref<16384x512xf32, #tpu.memory_space<hbm>> -> memref<64x512xf32, #tpu.memory_space<hbm>>
    %dma_start3A_134 = arith.constant 0 : i32
    %dma_start3A_135 = tpu.memref_slice %arg2[%add3A_131, %dma_start3A_134] : memref<16384x512xf32, #tpu.memory_space<hbm>> -> memref<64x512xf32, #tpu.memory_space<hbm>>
    tpu.enqueue_dma source(%dma_start3A_135 : memref<64x512xf32, #tpu.memory_space<hbm>>) target(%arg7 : memref<64x512xf32, #tpu.memory_space<vmem>>) target_semaphore(%arg13 : memref<!tpu.dma_semaphore, #tpu.memory_space<semaphore_mem>>)
    %dma_wait3A_136 = arith.constant 0 : i32
    %dma_wait3A_137 = tpu.memref_slice %arg2[%add3A_85, %dma_wait3A_136] : memref<16384x512xf32, #tpu.memory_space<hbm>> -> memref<64x512xf32, #tpu.memory_space<hbm>>
    %dma_wait3A_138 = arith.constant 0 : i32
    %dma_wait3A_139 = tpu.memref_slice %arg2[%add3A_85, %dma_wait3A_138] : memref<16384x512xf32, #tpu.memory_space<hbm>> -> memref<64x512xf32, #tpu.memory_space<hbm>>
    tpu.wait_dma2 semaphore(%arg14 : memref<!tpu.dma_semaphore, #tpu.memory_space<semaphore_mem>>) src(%dma_wait3A_139 : memref<64x512xf32, #tpu.memory_space<hbm>>) dst(%arg8 : memref<64x512xf32, #tpu.memory_space<vmem>>)
    %dma_wait3A_140 = arith.constant 0 : i32
    %dma_wait3A_141 = tpu.memref_slice %arg4[%add3A_79, %dma_wait3A_140] : memref<16384x128xf32, #tpu.memory_space<hbm>> -> memref<64x128xf32, #tpu.memory_space<hbm>>
    %dma_wait3A_142 = arith.constant 0 : i32
    %dma_wait3A_143 = tpu.memref_slice %arg4[%add3A_79, %dma_wait3A_142] : memref<16384x128xf32, #tpu.memory_space<hbm>> -> memref<64x128xf32, #tpu.memory_space<hbm>>
    tpu.wait_dma2 semaphore(%arg17 : memref<!tpu.dma_semaphore, #tpu.memory_space<semaphore_mem>>) src(%arg11 : memref<64x128xf32, #tpu.memory_space<vmem>>) dst(%dma_wait3A_143 : memref<64x128xf32, #tpu.memory_space<hbm>>)
    %parallel_loop3A_144 = arith.constant 0 : i32
    %parallel_loop3A_145 = arith.constant 64 : i32
    %parallel_loop3A_146 = arith.constant 1 : i32
    scf.for %parallel_loop3A_199 = %parallel_loop3A_144 to %parallel_loop3A_145 step %parallel_loop3A_146  : i32 {
      %parallel_loop3A_200 = vector.broadcast %parallel_loop3A_199 : i32 to vector<16xi32>
      %parallel_loop3A_201 = tpu.vector_load_idx %arg8[%parallel_loop3A_200, %get3A_20] : memref<64x512xf32, #tpu.memory_space<vmem>>[vector<16xi32>, vector<16xi32>], vector<16xf32>,
      %parallel_loop3A_202 = arith.index_cast %parallel_loop3A_199 : i32 to index
      %parallel_loop3A_203 = arith.constant 0 : index
      %parallel_loop3A_204 = tpu.vector_load %arg11[%parallel_loop3A_202, %parallel_loop3A_203] {strides = array<i32>} : memref<64x128xf32, #tpu.memory_space<vmem>>, vector<16xf32>,
      tpu.vector_store %arg11[%parallel_loop3A_202, %parallel_loop3A_203], %parallel_loop3A_201 {strides = array<i32>} : memref<64x128xf32, #tpu.memory_space<vmem>>, vector<16xf32>,
      %parallel_loop3A_205 = tpu.vector_load_idx %arg8[%parallel_loop3A_200, %get3A_22] : memref<64x512xf32, #tpu.memory_space<vmem>>[vector<16xi32>, vector<16xi32>], vector<16xf32>,
      %parallel_loop3A_206 = arith.index_cast %parallel_loop3A_199 : i32 to index
      %parallel_loop3A_207 = arith.constant 16 : index
      %parallel_loop3A_208 = tpu.vector_load %arg11[%parallel_loop3A_206, %parallel_loop3A_207] {strides = array<i32>} : memref<64x128xf32, #tpu.memory_space<vmem>>, vector<16xf32>,
      tpu.vector_store %arg11[%parallel_loop3A_206, %parallel_loop3A_207], %parallel_loop3A_205 {strides = array<i32>} : memref<64x128xf32, #tpu.memory_space<vmem>>, vector<16xf32>,
      %parallel_loop3A_209 = tpu.vector_load_idx %arg8[%parallel_loop3A_200, %get3A_24] : memref<64x512xf32, #tpu.memory_space<vmem>>[vector<16xi32>, vector<16xi32>], vector<16xf32>,
      %parallel_loop3A_210 = arith.index_cast %parallel_loop3A_199 : i32 to index
      %parallel_loop3A_211 = arith.constant 32 : index
      %parallel_loop3A_212 = tpu.vector_load %arg11[%parallel_loop3A_210, %parallel_loop3A_211] {strides = array<i32>} : memref<64x128xf32, #tpu.memory_space<vmem>>, vector<16xf32>,
      tpu.vector_store %arg11[%parallel_loop3A_210, %parallel_loop3A_211], %parallel_loop3A_209 {strides = array<i32>} : memref<64x128xf32, #tpu.memory_space<vmem>>, vector<16xf32>,
      %parallel_loop3A_213 = tpu.vector_load_idx %arg8[%parallel_loop3A_200, %get3A_26] : memref<64x512xf32, #tpu.memory_space<vmem>>[vector<16xi32>, vector<16xi32>], vector<16xf32>,
      %parallel_loop3A_214 = arith.index_cast %parallel_loop3A_199 : i32 to index
      %parallel_loop3A_215 = arith.constant 48 : index
      %parallel_loop3A_216 = tpu.vector_load %arg11[%parallel_loop3A_214, %parallel_loop3A_215] {strides = array<i32>} : memref<64x128xf32, #tpu.memory_space<vmem>>, vector<16xf32>,
      tpu.vector_store %arg11[%parallel_loop3A_214, %parallel_loop3A_215], %parallel_loop3A_213 {strides = array<i32>} : memref<64x128xf32, #tpu.memory_space<vmem>>, vector<16xf32>,
      %parallel_loop3A_217 = tpu.vector_load_idx %arg8[%parallel_loop3A_200, %get3A_28] : memref<64x512xf32, #tpu.memory_space<vmem>>[vector<16xi32>, vector<16xi32>], vector<16xf32>,
      %parallel_loop3A_218 = arith.index_cast %parallel_loop3A_199 : i32 to index
      %parallel_loop3A_219 = arith.constant 64 : index
      %parallel_loop3A_220 = tpu.vector_load %arg11[%parallel_loop3A_218, %parallel_loop3A_219] {strides = array<i32>} : memref<64x128xf32, #tpu.memory_space<vmem>>, vector<16xf32>,
      tpu.vector_store %arg11[%parallel_loop3A_218, %parallel_loop3A_219], %parallel_loop3A_217 {strides = array<i32>} : memref<64x128xf32, #tpu.memory_space<vmem>>, vector<16xf32>,
      %parallel_loop3A_221 = tpu.vector_load_idx %arg8[%parallel_loop3A_200, %get3A_30] : memref<64x512xf32, #tpu.memory_space<vmem>>[vector<16xi32>, vector<16xi32>], vector<16xf32>,
      %parallel_loop3A_222 = arith.index_cast %parallel_loop3A_199 : i32 to index
      %parallel_loop3A_223 = arith.constant 80 : index
      %parallel_loop3A_224 = tpu.vector_load %arg11[%parallel_loop3A_222, %parallel_loop3A_223] {strides = array<i32>} : memref<64x128xf32, #tpu.memory_space<vmem>>, vector<16xf32>,
      tpu.vector_store %arg11[%parallel_loop3A_222, %parallel_loop3A_223], %parallel_loop3A_221 {strides = array<i32>} : memref<64x128xf32, #tpu.memory_space<vmem>>, vector<16xf32>,
      %parallel_loop3A_225 = tpu.vector_load_idx %arg8[%parallel_loop3A_200, %get3A_32] : memref<64x512xf32, #tpu.memory_space<vmem>>[vector<16xi32>, vector<16xi32>], vector<16xf32>,
      %parallel_loop3A_226 = arith.index_cast %parallel_loop3A_199 : i32 to index
      %parallel_loop3A_227 = arith.constant 96 : index
      %parallel_loop3A_228 = tpu.vector_load %arg11[%parallel_loop3A_226, %parallel_loop3A_227] {strides = array<i32>} : memref<64x128xf32, #tpu.memory_space<vmem>>, vector<16xf32>,
      tpu.vector_store %arg11[%parallel_loop3A_226, %parallel_loop3A_227], %parallel_loop3A_225 {strides = array<i32>} : memref<64x128xf32, #tpu.memory_space<vmem>>, vector<16xf32>,
      %parallel_loop3A_229 = tpu.vector_load_idx %arg8[%parallel_loop3A_200, %get3A_34] : memref<64x512xf32, #tpu.memory_space<vmem>>[vector<16xi32>, vector<16xi32>], vector<16xf32>,
      %parallel_loop3A_230 = arith.index_cast %parallel_loop3A_199 : i32 to index
      %parallel_loop3A_231 = arith.constant 112 : index
      %parallel_loop3A_232 = tpu.vector_load %arg11[%parallel_loop3A_230, %parallel_loop3A_231] {strides = array<i32>} : memref<64x128xf32, #tpu.memory_space<vmem>>, vector<16xf32>,
      tpu.vector_store %arg11[%parallel_loop3A_230, %parallel_loop3A_231], %parallel_loop3A_229 {strides = array<i32>} : memref<64x128xf32, #tpu.memory_space<vmem>>, vector<16xf32>,
    } {sc.loop_unroll_factor = 2 : i64, sc.parallel_access}
    %add3A_147 = arith.constant 320 : i32
    %add3A_148 = arith.addi %mul3A_2, %add3A_147 : i32
    %dma_start3A_149 = arith.constant 0 : i32
    %dma_start3A_150 = tpu.memref_slice %arg4[%add3A_148, %dma_start3A_149] : memref<16384x128xf32, #tpu.memory_space<hbm>> -> memref<64x128xf32, #tpu.memory_space<hbm>>
    %dma_start3A_151 = arith.constant 0 : i32
    %dma_start3A_152 = tpu.memref_slice %arg4[%add3A_148, %dma_start3A_151] : memref<16384x128xf32, #tpu.memory_space<hbm>> -> memref<64x128xf32, #tpu.memory_space<hbm>>
    tpu.enqueue_dma source(%arg11 : memref<64x128xf32, #tpu.memory_space<vmem>>) target(%dma_start3A_152 : memref<64x128xf32, #tpu.memory_space<hbm>>) target_semaphore(%arg17 : memref<!tpu.dma_semaphore, #tpu.memory_space<semaphore_mem>>)
    %dma_wait3A_153 = arith.constant 0 : i32
    %dma_wait3A_154 = tpu.memref_slice %arg2[%add3A_108, %dma_wait3A_153] : memref<16384x512xf32, #tpu.memory_space<hbm>> -> memref<64x512xf32, #tpu.memory_space<hbm>>
    %dma_wait3A_155 = arith.constant 0 : i32
    %dma_wait3A_156 = tpu.memref_slice %arg2[%add3A_108, %dma_wait3A_155] : memref<16384x512xf32, #tpu.memory_space<hbm>> -> memref<64x512xf32, #tpu.memory_space<hbm>>
    tpu.wait_dma2 semaphore(%arg12 : memref<!tpu.dma_semaphore, #tpu.memory_space<semaphore_mem>>) src(%dma_wait3A_156 : memref<64x512xf32, #tpu.memory_space<hbm>>) dst(%arg6 : memref<64x512xf32, #tpu.memory_space<vmem>>)
    %dma_wait3A_157 = arith.constant 0 : i32
    %dma_wait3A_158 = tpu.memref_slice %arg4[%add3A_102, %dma_wait3A_157] : memref<16384x128xf32, #tpu.memory_space<hbm>> -> memref<64x128xf32, #tpu.memory_space<hbm>>
    %dma_wait3A_159 = arith.constant 0 : i32
    %dma_wait3A_160 = tpu.memref_slice %arg4[%add3A_102, %dma_wait3A_159] : memref<16384x128xf32, #tpu.memory_space<hbm>> -> memref<64x128xf32, #tpu.memory_space<hbm>>
    tpu.wait_dma2 semaphore(%arg15 : memref<!tpu.dma_semaphore, #tpu.memory_space<semaphore_mem>>) src(%arg9 : memref<64x128xf32, #tpu.memory_space<vmem>>) dst(%dma_wait3A_160 : memref<64x128xf32, #tpu.memory_space<hbm>>)
    %parallel_loop3A_161 = arith.constant 0 : i32
    %parallel_loop3A_162 = arith.constant 64 : i32
    %parallel_loop3A_163 = arith.constant 1 : i32
    scf.for %parallel_loop3A_199 = %parallel_loop3A_161 to %parallel_loop3A_162 step %parallel_loop3A_163  : i32 {
      %parallel_loop3A_200 = vector.broadcast %parallel_loop3A_199 : i32 to vector<16xi32>
      %parallel_loop3A_201 = tpu.vector_load_idx %arg6[%parallel_loop3A_200, %get3A_20] : memref<64x512xf32, #tpu.memory_space<vmem>>[vector<16xi32>, vector<16xi32>], vector<16xf32>,
      %parallel_loop3A_202 = arith.index_cast %parallel_loop3A_199 : i32 to index
      %parallel_loop3A_203 = arith.constant 0 : index
      %parallel_loop3A_204 = tpu.vector_load %arg9[%parallel_loop3A_202, %parallel_loop3A_203] {strides = array<i32>} : memref<64x128xf32, #tpu.memory_space<vmem>>, vector<16xf32>,
      tpu.vector_store %arg9[%parallel_loop3A_202, %parallel_loop3A_203], %parallel_loop3A_201 {strides = array<i32>} : memref<64x128xf32, #tpu.memory_space<vmem>>, vector<16xf32>,
      %parallel_loop3A_205 = tpu.vector_load_idx %arg6[%parallel_loop3A_200, %get3A_22] : memref<64x512xf32, #tpu.memory_space<vmem>>[vector<16xi32>, vector<16xi32>], vector<16xf32>,
      %parallel_loop3A_206 = arith.index_cast %parallel_loop3A_199 : i32 to index
      %parallel_loop3A_207 = arith.constant 16 : index
      %parallel_loop3A_208 = tpu.vector_load %arg9[%parallel_loop3A_206, %parallel_loop3A_207] {strides = array<i32>} : memref<64x128xf32, #tpu.memory_space<vmem>>, vector<16xf32>,
      tpu.vector_store %arg9[%parallel_loop3A_206, %parallel_loop3A_207], %parallel_loop3A_205 {strides = array<i32>} : memref<64x128xf32, #tpu.memory_space<vmem>>, vector<16xf32>,
      %parallel_loop3A_209 = tpu.vector_load_idx %arg6[%parallel_loop3A_200, %get3A_24] : memref<64x512xf32, #tpu.memory_space<vmem>>[vector<16xi32>, vector<16xi32>], vector<16xf32>,
      %parallel_loop3A_210 = arith.index_cast %parallel_loop3A_199 : i32 to index
      %parallel_loop3A_211 = arith.constant 32 : index
      %parallel_loop3A_212 = tpu.vector_load %arg9[%parallel_loop3A_210, %parallel_loop3A_211] {strides = array<i32>} : memref<64x128xf32, #tpu.memory_space<vmem>>, vector<16xf32>,
      tpu.vector_store %arg9[%parallel_loop3A_210, %parallel_loop3A_211], %parallel_loop3A_209 {strides = array<i32>} : memref<64x128xf32, #tpu.memory_space<vmem>>, vector<16xf32>,
      %parallel_loop3A_213 = tpu.vector_load_idx %arg6[%parallel_loop3A_200, %get3A_26] : memref<64x512xf32, #tpu.memory_space<vmem>>[vector<16xi32>, vector<16xi32>], vector<16xf32>,
      %parallel_loop3A_214 = arith.index_cast %parallel_loop3A_199 : i32 to index
      %parallel_loop3A_215 = arith.constant 48 : index
      %parallel_loop3A_216 = tpu.vector_load %arg9[%parallel_loop3A_214, %parallel_loop3A_215] {strides = array<i32>} : memref<64x128xf32, #tpu.memory_space<vmem>>, vector<16xf32>,
      tpu.vector_store %arg9[%parallel_loop3A_214, %parallel_loop3A_215], %parallel_loop3A_213 {strides = array<i32>} : memref<64x128xf32, #tpu.memory_space<vmem>>, vector<16xf32>,
      %parallel_loop3A_217 = tpu.vector_load_idx %arg6[%parallel_loop3A_200, %get3A_28] : memref<64x512xf32, #tpu.memory_space<vmem>>[vector<16xi32>, vector<16xi32>], vector<16xf32>,
      %parallel_loop3A_218 = arith.index_cast %parallel_loop3A_199 : i32 to index
      %parallel_loop3A_219 = arith.constant 64 : index
      %parallel_loop3A_220 = tpu.vector_load %arg9[%parallel_loop3A_218, %parallel_loop3A_219] {strides = array<i32>} : memref<64x128xf32, #tpu.memory_space<vmem>>, vector<16xf32>,
      tpu.vector_store %arg9[%parallel_loop3A_218, %parallel_loop3A_219], %parallel_loop3A_217 {strides = array<i32>} : memref<64x128xf32, #tpu.memory_space<vmem>>, vector<16xf32>,
      %parallel_loop3A_221 = tpu.vector_load_idx %arg6[%parallel_loop3A_200, %get3A_30] : memref<64x512xf32, #tpu.memory_space<vmem>>[vector<16xi32>, vector<16xi32>], vector<16xf32>,
      %parallel_loop3A_222 = arith.index_cast %parallel_loop3A_199 : i32 to index
      %parallel_loop3A_223 = arith.constant 80 : index
      %parallel_loop3A_224 = tpu.vector_load %arg9[%parallel_loop3A_222, %parallel_loop3A_223] {strides = array<i32>} : memref<64x128xf32, #tpu.memory_space<vmem>>, vector<16xf32>,
      tpu.vector_store %arg9[%parallel_loop3A_222, %parallel_loop3A_223], %parallel_loop3A_221 {strides = array<i32>} : memref<64x128xf32, #tpu.memory_space<vmem>>, vector<16xf32>,
      %parallel_loop3A_225 = tpu.vector_load_idx %arg6[%parallel_loop3A_200, %get3A_32] : memref<64x512xf32, #tpu.memory_space<vmem>>[vector<16xi32>, vector<16xi32>], vector<16xf32>,
      %parallel_loop3A_226 = arith.index_cast %parallel_loop3A_199 : i32 to index
      %parallel_loop3A_227 = arith.constant 96 : index
      %parallel_loop3A_228 = tpu.vector_load %arg9[%parallel_loop3A_226, %parallel_loop3A_227] {strides = array<i32>} : memref<64x128xf32, #tpu.memory_space<vmem>>, vector<16xf32>,
      tpu.vector_store %arg9[%parallel_loop3A_226, %parallel_loop3A_227], %parallel_loop3A_225 {strides = array<i32>} : memref<64x128xf32, #tpu.memory_space<vmem>>, vector<16xf32>,
      %parallel_loop3A_229 = tpu.vector_load_idx %arg6[%parallel_loop3A_200, %get3A_34] : memref<64x512xf32, #tpu.memory_space<vmem>>[vector<16xi32>, vector<16xi32>], vector<16xf32>,
      %parallel_loop3A_230 = arith.index_cast %parallel_loop3A_199 : i32 to index
      %parallel_loop3A_231 = arith.constant 112 : index
      %parallel_loop3A_232 = tpu.vector_load %arg9[%parallel_loop3A_230, %parallel_loop3A_231] {strides = array<i32>} : memref<64x128xf32, #tpu.memory_space<vmem>>, vector<16xf32>,
      tpu.vector_store %arg9[%parallel_loop3A_230, %parallel_loop3A_231], %parallel_loop3A_229 {strides = array<i32>} : memref<64x128xf32, #tpu.memory_space<vmem>>, vector<16xf32>,
    } {sc.loop_unroll_factor = 2 : i64, sc.parallel_access}
    %add3A_164 = arith.constant 384 : i32
    %add3A_165 = arith.addi %mul3A_2, %add3A_164 : i32
    %dma_start3A_166 = arith.constant 0 : i32
    %dma_start3A_167 = tpu.memref_slice %arg4[%add3A_165, %dma_start3A_166] : memref<16384x128xf32, #tpu.memory_space<hbm>> -> memref<64x128xf32, #tpu.memory_space<hbm>>
    %dma_start3A_168 = arith.constant 0 : i32
    %dma_start3A_169 = tpu.memref_slice %arg4[%add3A_165, %dma_start3A_168] : memref<16384x128xf32, #tpu.memory_space<hbm>> -> memref<64x128xf32, #tpu.memory_space<hbm>>
    tpu.enqueue_dma source(%arg9 : memref<64x128xf32, #tpu.memory_space<vmem>>) target(%dma_start3A_169 : memref<64x128xf32, #tpu.memory_space<hbm>>) target_semaphore(%arg15 : memref<!tpu.dma_semaphore, #tpu.memory_space<semaphore_mem>>)
    %dma_wait3A_170 = arith.constant 0 : i32
    %dma_wait3A_171 = tpu.memref_slice %arg2[%add3A_131, %dma_wait3A_170] : memref<16384x512xf32, #tpu.memory_space<hbm>> -> memref<64x512xf32, #tpu.memory_space<hbm>>
    %dma_wait3A_172 = arith.constant 0 : i32
    %dma_wait3A_173 = tpu.memref_slice %arg2[%add3A_131, %dma_wait3A_172] : memref<16384x512xf32, #tpu.memory_space<hbm>> -> memref<64x512xf32, #tpu.memory_space<hbm>>
    tpu.wait_dma2 semaphore(%arg13 : memref<!tpu.dma_semaphore, #tpu.memory_space<semaphore_mem>>) src(%dma_wait3A_173 : memref<64x512xf32, #tpu.memory_space<hbm>>) dst(%arg7 : memref<64x512xf32, #tpu.memory_space<vmem>>)
    %dma_wait3A_174 = arith.constant 0 : i32
    %dma_wait3A_175 = tpu.memref_slice %arg4[%add3A_125, %dma_wait3A_174] : memref<16384x128xf32, #tpu.memory_space<hbm>> -> memref<64x128xf32, #tpu.memory_space<hbm>>
    %dma_wait3A_176 = arith.constant 0 : i32
    %dma_wait3A_177 = tpu.memref_slice %arg4[%add3A_125, %dma_wait3A_176] : memref<16384x128xf32, #tpu.memory_space<hbm>> -> memref<64x128xf32, #tpu.memory_space<hbm>>
    tpu.wait_dma2 semaphore(%arg16 : memref<!tpu.dma_semaphore, #tpu.memory_space<semaphore_mem>>) src(%arg10 : memref<64x128xf32, #tpu.memory_space<vmem>>) dst(%dma_wait3A_177 : memref<64x128xf32, #tpu.memory_space<hbm>>)
    %parallel_loop3A_178 = arith.constant 0 : i32
    %parallel_loop3A_179 = arith.constant 64 : i32
    %parallel_loop3A_180 = arith.constant 1 : i32
    scf.for %parallel_loop3A_199 = %parallel_loop3A_178 to %parallel_loop3A_179 step %parallel_loop3A_180  : i32 {
      %parallel_loop3A_200 = vector.broadcast %parallel_loop3A_199 : i32 to vector<16xi32>
      %parallel_loop3A_201 = tpu.vector_load_idx %arg7[%parallel_loop3A_200, %get3A_20] : memref<64x512xf32, #tpu.memory_space<vmem>>[vector<16xi32>, vector<16xi32>], vector<16xf32>,
      %parallel_loop3A_202 = arith.index_cast %parallel_loop3A_199 : i32 to index
      %parallel_loop3A_203 = arith.constant 0 : index
      %parallel_loop3A_204 = tpu.vector_load %arg10[%parallel_loop3A_202, %parallel_loop3A_203] {strides = array<i32>} : memref<64x128xf32, #tpu.memory_space<vmem>>, vector<16xf32>,
      tpu.vector_store %arg10[%parallel_loop3A_202, %parallel_loop3A_203], %parallel_loop3A_201 {strides = array<i32>} : memref<64x128xf32, #tpu.memory_space<vmem>>, vector<16xf32>,
      %parallel_loop3A_205 = tpu.vector_load_idx %arg7[%parallel_loop3A_200, %get3A_22] : memref<64x512xf32, #tpu.memory_space<vmem>>[vector<16xi32>, vector<16xi32>], vector<16xf32>,
      %parallel_loop3A_206 = arith.index_cast %parallel_loop3A_199 : i32 to index
      %parallel_loop3A_207 = arith.constant 16 : index
      %parallel_loop3A_208 = tpu.vector_load %arg10[%parallel_loop3A_206, %parallel_loop3A_207] {strides = array<i32>} : memref<64x128xf32, #tpu.memory_space<vmem>>, vector<16xf32>,
      tpu.vector_store %arg10[%parallel_loop3A_206, %parallel_loop3A_207], %parallel_loop3A_205 {strides = array<i32>} : memref<64x128xf32, #tpu.memory_space<vmem>>, vector<16xf32>,
      %parallel_loop3A_209 = tpu.vector_load_idx %arg7[%parallel_loop3A_200, %get3A_24] : memref<64x512xf32, #tpu.memory_space<vmem>>[vector<16xi32>, vector<16xi32>], vector<16xf32>,
      %parallel_loop3A_210 = arith.index_cast %parallel_loop3A_199 : i32 to index
      %parallel_loop3A_211 = arith.constant 32 : index
      %parallel_loop3A_212 = tpu.vector_load %arg10[%parallel_loop3A_210, %parallel_loop3A_211] {strides = array<i32>} : memref<64x128xf32, #tpu.memory_space<vmem>>, vector<16xf32>,
      tpu.vector_store %arg10[%parallel_loop3A_210, %parallel_loop3A_211], %parallel_loop3A_209 {strides = array<i32>} : memref<64x128xf32, #tpu.memory_space<vmem>>, vector<16xf32>,
      %parallel_loop3A_213 = tpu.vector_load_idx %arg7[%parallel_loop3A_200, %get3A_26] : memref<64x512xf32, #tpu.memory_space<vmem>>[vector<16xi32>, vector<16xi32>], vector<16xf32>,
      %parallel_loop3A_214 = arith.index_cast %parallel_loop3A_199 : i32 to index
      %parallel_loop3A_215 = arith.constant 48 : index
      %parallel_loop3A_216 = tpu.vector_load %arg10[%parallel_loop3A_214, %parallel_loop3A_215] {strides = array<i32>} : memref<64x128xf32, #tpu.memory_space<vmem>>, vector<16xf32>,
      tpu.vector_store %arg10[%parallel_loop3A_214, %parallel_loop3A_215], %parallel_loop3A_213 {strides = array<i32>} : memref<64x128xf32, #tpu.memory_space<vmem>>, vector<16xf32>,
      %parallel_loop3A_217 = tpu.vector_load_idx %arg7[%parallel_loop3A_200, %get3A_28] : memref<64x512xf32, #tpu.memory_space<vmem>>[vector<16xi32>, vector<16xi32>], vector<16xf32>,
      %parallel_loop3A_218 = arith.index_cast %parallel_loop3A_199 : i32 to index
      %parallel_loop3A_219 = arith.constant 64 : index
      %parallel_loop3A_220 = tpu.vector_load %arg10[%parallel_loop3A_218, %parallel_loop3A_219] {strides = array<i32>} : memref<64x128xf32, #tpu.memory_space<vmem>>, vector<16xf32>,
      tpu.vector_store %arg10[%parallel_loop3A_218, %parallel_loop3A_219], %parallel_loop3A_217 {strides = array<i32>} : memref<64x128xf32, #tpu.memory_space<vmem>>, vector<16xf32>,
      %parallel_loop3A_221 = tpu.vector_load_idx %arg7[%parallel_loop3A_200, %get3A_30] : memref<64x512xf32, #tpu.memory_space<vmem>>[vector<16xi32>, vector<16xi32>], vector<16xf32>,
      %parallel_loop3A_222 = arith.index_cast %parallel_loop3A_199 : i32 to index
      %parallel_loop3A_223 = arith.constant 80 : index
      %parallel_loop3A_224 = tpu.vector_load %arg10[%parallel_loop3A_222, %parallel_loop3A_223] {strides = array<i32>} : memref<64x128xf32, #tpu.memory_space<vmem>>, vector<16xf32>,
      tpu.vector_store %arg10[%parallel_loop3A_222, %parallel_loop3A_223], %parallel_loop3A_221 {strides = array<i32>} : memref<64x128xf32, #tpu.memory_space<vmem>>, vector<16xf32>,
      %parallel_loop3A_225 = tpu.vector_load_idx %arg7[%parallel_loop3A_200, %get3A_32] : memref<64x512xf32, #tpu.memory_space<vmem>>[vector<16xi32>, vector<16xi32>], vector<16xf32>,
      %parallel_loop3A_226 = arith.index_cast %parallel_loop3A_199 : i32 to index
      %parallel_loop3A_227 = arith.constant 96 : index
      %parallel_loop3A_228 = tpu.vector_load %arg10[%parallel_loop3A_226, %parallel_loop3A_227] {strides = array<i32>} : memref<64x128xf32, #tpu.memory_space<vmem>>, vector<16xf32>,
      tpu.vector_store %arg10[%parallel_loop3A_226, %parallel_loop3A_227], %parallel_loop3A_225 {strides = array<i32>} : memref<64x128xf32, #tpu.memory_space<vmem>>, vector<16xf32>,
      %parallel_loop3A_229 = tpu.vector_load_idx %arg7[%parallel_loop3A_200, %get3A_34] : memref<64x512xf32, #tpu.memory_space<vmem>>[vector<16xi32>, vector<16xi32>], vector<16xf32>,
      %parallel_loop3A_230 = arith.index_cast %parallel_loop3A_199 : i32 to index
      %parallel_loop3A_231 = arith.constant 112 : index
      %parallel_loop3A_232 = tpu.vector_load %arg10[%parallel_loop3A_230, %parallel_loop3A_231] {strides = array<i32>} : memref<64x128xf32, #tpu.memory_space<vmem>>, vector<16xf32>,
      tpu.vector_store %arg10[%parallel_loop3A_230, %parallel_loop3A_231], %parallel_loop3A_229 {strides = array<i32>} : memref<64x128xf32, #tpu.memory_space<vmem>>, vector<16xf32>,
    } {sc.loop_unroll_factor = 2 : i64, sc.parallel_access}
    %add3A_181 = arith.constant 448 : i32
    %add3A_182 = arith.addi %mul3A_2, %add3A_181 : i32
    %dma_start3A_183 = arith.constant 0 : i32
    %dma_start3A_184 = tpu.memref_slice %arg4[%add3A_182, %dma_start3A_183] : memref<16384x128xf32, #tpu.memory_space<hbm>> -> memref<64x128xf32, #tpu.memory_space<hbm>>
    %dma_start3A_185 = arith.constant 0 : i32
    %dma_start3A_186 = tpu.memref_slice %arg4[%add3A_182, %dma_start3A_185] : memref<16384x128xf32, #tpu.memory_space<hbm>> -> memref<64x128xf32, #tpu.memory_space<hbm>>
    tpu.enqueue_dma source(%arg10 : memref<64x128xf32, #tpu.memory_space<vmem>>) target(%dma_start3A_186 : memref<64x128xf32, #tpu.memory_space<hbm>>) target_semaphore(%arg16 : memref<!tpu.dma_semaphore, #tpu.memory_space<semaphore_mem>>)
    %dma_wait3A_187 = arith.constant 0 : i32
    %dma_wait3A_188 = tpu.memref_slice %arg4[%add3A_148, %dma_wait3A_187] : memref<16384x128xf32, #tpu.memory_space<hbm>> -> memref<64x128xf32, #tpu.memory_space<hbm>>
    %dma_wait3A_189 = arith.constant 0 : i32
    %dma_wait3A_190 = tpu.memref_slice %arg4[%add3A_148, %dma_wait3A_189] : memref<16384x128xf32, #tpu.memory_space<hbm>> -> memref<64x128xf32, #tpu.memory_space<hbm>>
    tpu.wait_dma2 semaphore(%arg17 : memref<!tpu.dma_semaphore, #tpu.memory_space<semaphore_mem>>) src(%arg11 : memref<64x128xf32, #tpu.memory_space<vmem>>) dst(%dma_wait3A_190 : memref<64x128xf32, #tpu.memory_space<hbm>>)
    %dma_wait3A_191 = arith.constant 0 : i32
    %dma_wait3A_192 = tpu.memref_slice %arg4[%add3A_165, %dma_wait3A_191] : memref<16384x128xf32, #tpu.memory_space<hbm>> -> memref<64x128xf32, #tpu.memory_space<hbm>>
    %dma_wait3A_193 = arith.constant 0 : i32
    %dma_wait3A_194 = tpu.memref_slice %arg4[%add3A_165, %dma_wait3A_193] : memref<16384x128xf32, #tpu.memory_space<hbm>> -> memref<64x128xf32, #tpu.memory_space<hbm>>
    tpu.wait_dma2 semaphore(%arg15 : memref<!tpu.dma_semaphore, #tpu.memory_space<semaphore_mem>>) src(%arg9 : memref<64x128xf32, #tpu.memory_space<vmem>>) dst(%dma_wait3A_194 : memref<64x128xf32, #tpu.memory_space<hbm>>)
    %dma_wait3A_195 = arith.constant 0 : i32
    %dma_wait3A_196 = tpu.memref_slice %arg4[%add3A_182, %dma_wait3A_195] : memref<16384x128xf32, #tpu.memory_space<hbm>> -> memref<64x128xf32, #tpu.memory_space<hbm>>
    %dma_wait3A_197 = arith.constant 0 : i32
    %dma_wait3A_198 = tpu.memref_slice %arg4[%add3A_182, %dma_wait3A_197] : memref<16384x128xf32, #tpu.memory_space<hbm>> -> memref<64x128xf32, #tpu.memory_space<hbm>>
    tpu.wait_dma2 semaphore(%arg16 : memref<!tpu.dma_semaphore, #tpu.memory_space<semaphore_mem>>) src(%arg10 : memref<64x128xf32, #tpu.memory_space<vmem>>) dst(%dma_wait3A_198 : memref<64x128xf32, #tpu.memory_space<hbm>>)
    return
  }
}

</mosaic_0001>

<sc_bundles>
// kernel: _sc_gather.3.cloned.1.call-start
scs
__scs_entry_jumppad:
0x0: {  	(pc) =	sbr.rel $0x88, $3  }
0x1: {  	(tag) =	ssettag $0x0;
	lr =	simm.s32 $0x1  }
0x2: {  	[smem:$0x3F9F] =	sst lr;
	_ =	strace $0xD0000000  }
0x3: {  	_ = 	snop  }
0x4: {  	_ = 	snop  }
0x5: {  	_ = 	snop  }
0x6: {  	_ = 	snop  }
0x7: {  	_ = 	snop  }
__scs_overlays_trampoline_lowered:
0x8: {  	[smem:$0x3FAE] =	sst s0  }
0x9: {  	[smem:$0x3FAF] =	sst s1  }
0xa: {  	[smem:$0x3FB0] =	sst s2  }
0xb: {  	[smem:$0x3FB1] =	sst s3  }
0xc: {  	[smem:$0x3FB2] =	sst s4  }
0xd: {  	[smem:$0x3FB3] =	sst s5  }
0xe: {  	[smem:$0x3FB4] =	sst s6  }
0xf: {  	[smem:$0x3FB5] =	sst s7  }
0x10: {  	[smem:$0x3FB6] =	sst s8  }
0x11: {  	[smem:$0x3FB7] =	sst s9;
	s0 =	simm.s32 @!p0 $0x0  }
0x12: {  	s1 =	sld [smem:$0x3F9D];
	s0 =	simm.s32 @p0 $0x1  }
0x13: {  	[smem:$0x3FB8] =	sst s0;
	s0 =	simm.s32 @!p1 $0x0  }
0x14: {  	s2 =	sld [smem:$0x3F9C];
	s0 =	simm.s32 @p1 $0x1  }
0x15: {  	[smem:$0x3FB9] =	sst s0;
	s0 =	simm.s32 @!p2 $0x0  }
0x16: {  	s3 =	sld [smem:$0x3FDB];
	s0 =	simm.s32 @p2 $0x1  }
0x17: {  	s4 =	simm.s32 $0x1BF5;
	[smem:$0x3FBB] =	sst s0  }
0x18: {  	s0 =	sld [smem:$0x3F9E];
	_ =	swait.ge [sflag:s4], $0x0  }
0x19: {  	s7 =	sld [smem:$0x3F9F]  }
0x1a: {  	s8 =	sadd.s32 $0xFFFFE003, lr  }
0x1b: {  	s9 =	sadd.s32 $0xFFFFFEF7, lr;
	s5 =	simm.s32 $0xFFFFFFFF;
	p2 =	slt.u32 s8, $0xFFFFF086  }
0x1c: {  	p1 =	slt.u32 s9, $0xF7A;
	s5 =	simm.s32 @!p2 $0x0  }
0x1d: {  	s5 =	simm.s32 @p1 $0x1;
	p0 =	seq.s32 s7, s2  }
0x1e: {  	s7 =	smul.u32 @!p0 $0xF7A, s2;
	p2 =	seq.s32 @!p0 s5, $0x0  }
0x1f: {  	s9 =	smul.u32 $0xF7A, s1;
	s8 =	simm.s32 @!p0 $0x1BF5;
	p2 =	por !p2, p0  }
0x20: {  	[sflag:s8] =	ssyncset.s32 @!p0 $0xFFFFF086;
	s6 =	sadd.s32 @!p0 s3, s7;
	s7 =	simm.s32 @!p0 $0x108  }
0x21: {  	s3 =	sadd.s32 s3, s9;
	s6 =	sadd.s32 @!p0 $0x88, s6;
	s7 =	simm.s32 @p2 $0x1082  }
0x22: {  	[simem:s7], [sflag:s8] =	dma.local @!p0 [hbm:s6], $0xF7A  }
0x23: {  	s9 =	sor.u32 $0xD0000000, s2;
	s6 =	simm.s32 $0x108;
	_ =	swait.ge @!p0 [sflag:s8], $0x0  }
0x24: {  	s3 =	sadd.s32 $0x88, s3;
	s6 =	simm.s32 @!p1 $0x1082;
	[sflag:s4] =	ssyncset.s32 $0xFFFFF086  }
0x25: {  	[simem:s6], [sflag:s4] =	dma.local [hbm:s3], $0xF7A  }
0x26: {  	[smem:$0x3F9F] =	sst s1;
	(tag) =	ssettag s2;
	_ =	strace s9  }
0x27: {  	s1 =	sld [smem:$0x3FAF]  }
0x28: {  	s2 =	sld [smem:$0x3FB0]  }
0x29: {  	s4 =	sld [smem:$0x3FB2]  }
0x2a: {  	p0 =	seq.s32 s5, $0x0;
	s5 =	sld [smem:$0x3FB3]  }
0x2b: {  	s6 =	sld [smem:$0x3FB4]  }
0x2c: {  	s7 =	sld [smem:$0x3FB5]  }
0x2d: {  	s3 =	simm.s32 $0x108;
	s8 =	sld [smem:$0x3FB6]  }
0x2e: {  	s3 =	simm.s32 @!p0 $0x1082;
	s9 =	sld [smem:$0x3FB7]  }
0x2f: {  	lr =	sadd.s32 s0, s3;
	s0 =	sld [smem:$0x3FAE]  }
0x30: {  	s3 =	sld [smem:$0x3FB1]  }
0x31: {  	[smem:$0x3FBA] =	sst s10  }
0x32: {  	s10 =	sld [smem:$0x3FB8];
	_ =	sdelay $0x3  }
0x33: {  	p0 =	seq.s32 s10, $0x1;
	s10 =	sld [smem:$0x3FBA];
	_ =	sdelay $0x3  }
0x34: {  	[smem:$0x3FBA] =	sst s10  }
0x35: {  	s10 =	sld [smem:$0x3FB9];
	_ =	sdelay $0x3  }
0x36: {  	p1 =	seq.s32 s10, $0x1;
	s10 =	sld [smem:$0x3FBA];
	_ =	sdelay $0x3  }
0x37: {  	[smem:$0x3FBA] =	sst s10  }
0x38: {  	s10 =	sld [smem:$0x3FBB]  }
0x39: {  	_ = 	snop;
	(pc) =	sbr.ind lr, $3  }
0x3a: {  	_ = 	snop  }
0x3b: {  	_ = 	snop  }
0x3c: {  	p2 =	seq.s32 s10, $0x1;
	s10 =	sld [smem:$0x3FBA]  }
0x3d: {  	_ =	shalt  }
0x3e: {  	_ =	shalt  }
0x3f: {  	_ =	shalt  }
0x40: {  	_ =	shalt  }
0x41: {  	_ =	shalt  }
0x42: {  	_ =	shalt  }
0x43: {  	_ =	shalt  }
0x44: {  	_ =	shalt  }
0x45: {  	_ =	shalt  }
0x46: {  	_ =	shalt  }
0x47: {  	_ =	shalt  }
0x48: {  	_ =	shalt  }
0x49: {  	_ =	shalt  }
0x4a: {  	_ =	shalt  }
0x4b: {  	_ =	shalt  }
0x4c: {  	_ =	shalt  }
0x4d: {  	_ =	shalt  }
0x4e: {  	_ =	shalt  }
0x4f: {  	_ =	shalt  }
0x50: {  	_ =	shalt  }
0x51: {  	_ =	shalt  }
0x52: {  	_ =	shalt  }
0x53: {  	_ =	shalt  }
0x54: {  	_ =	shalt  }
0x55: {  	_ =	shalt  }
0x56: {  	_ =	shalt  }
0x57: {  	_ =	shalt  }
0x58: {  	_ =	shalt  }
0x59: {  	_ =	shalt  }
0x5a: {  	_ =	shalt  }
0x5b: {  	_ =	shalt  }
0x5c: {  	_ =	shalt  }
0x5d: {  	_ =	shalt  }
0x5e: {  	_ =	shalt  }
0x5f: {  	_ =	shalt  }
0x60: {  	_ =	shalt  }
0x61: {  	_ =	shalt  }
0x62: {  	_ =	shalt  }
0x63: {  	_ =	shalt  }
0x64: {  	_ =	shalt  }
0x65: {  	_ =	shalt  }
0x66: {  	_ =	shalt  }
0x67: {  	_ =	shalt  }
0x68: {  	_ =	shalt  }
0x69: {  	_ =	shalt  }
0x6a: {  	_ =	shalt  }
0x6b: {  	_ =	shalt  }
0x6c: {  	_ =	shalt  }
0x6d: {  	_ =	shalt  }
0x6e: {  	_ =	shalt  }
0x6f: {  	_ =	shalt  }
0x70: {  	_ =	shalt  }
0x71: {  	_ =	shalt  }
0x72: {  	_ =	shalt  }
0x73: {  	_ =	shalt  }
0x74: {  	_ =	shalt  }
0x75: {  	_ =	shalt  }
0x76: {  	_ =	shalt  }
0x77: {  	_ =	shalt  }
0x78: {  	_ =	shalt  }
0x79: {  	_ =	shalt  }
0x7a: {  	_ =	shalt  }
0x7b: {  	_ =	shalt  }
0x7c: {  	_ =	shalt  }
0x7d: {  	_ =	shalt  }
0x7e: {  	_ =	shalt  }
0x7f: {  	_ =	shalt  }
0x80: {  	_ =	shalt  }
0x81: {  	_ =	shalt  }
0x82: {  	_ =	shalt  }
0x83: {  	_ =	shalt  }
0x84: {  	_ =	shalt  }
0x85: {  	_ =	shalt  }
0x86: {  	_ =	shalt  }
0x87: {  	_ =	shalt  }
.Lfunc_end0:
.L_simem_size_0:
called_computation_lowered:
.L_overlay_start_0:
0x88: {  	s2 =	sld [smem:$0x3FD9]  }
0x89: {  	s3 =	sld [smem:$0x3FFE];
	_ =	sdelay $0x1  }
0x8a: {  	s1 =	srdreg.scid  }
0x8b: {  	s0 =	sand.u32 $0x1, s1  }
0x8c: {  	s18 =	sshll.u32 s0, $0xA;
	s2 =	sadd.s32 s3, s2  }
0x8d: {  	s2 =	sadd.s32 s2, s18  }
0x8e: {  	[smem:$0x3FC6] =	sst s2  }
0x8f: {  	_ = 	snop  }
0x90: {  	s2 =	sld [smem:$0x3FC9]  }
0x91: {  	s19 =	sld [smem:$0x3FC8]  }
0x92: {  	s4 =	sld [smem:$0x3FD0];
	(tm) =	ssettm $0x1  }
0x93: {  	s5 =	sld [smem:$0x3FFB];
	_ =	sdelay $0x3  }
0x94: {  	_ =	strace s5  }
0x95: {  	s5 =	sld [smem:$0x3FFC];
	_ =	sdelay $0x3  }
0x96: {  	_ =	strace s5  }
0x97: {  	s5 =	sld [smem:$0x3FFD];
	_ =	sdelay $0x3  }
0x98: {  	_ =	strace s5  }
0x99: {  	_ =	strace $0x8FFFFFFF  }
0x9a: {  	s20 =	sld [smem:$0x3FDB];
	_ =	sdelay $0x1  }
0x9b: {  	s6 =	simm.s32 $_scs_section_size  }
0x9c: {  	s7 =	simm.s32 $_size__tile_overlayer_lowered;
	s8 =	simm.s32 $_tile_overlayer_lowered  }
0x9d: {  	s23 =	simm.s32 $0x1BFF;
	s22 =	sshll.u32 s8, $0x1;
	s5 =	sadd.s32 s6, s20  }
0x9e: {  	s9 =	simm.s32 $0x0;
	s21 =	sshll.u32 s7, $0x1;
	s7 =	sadd.s32 s22, s5  }
0x9f: {  	[timem:s9], [sflag:s23] =	dma.local [hbm:s7], s21  }
0xa0: {  	_ =	swait.ge [sflag:s23], s21  }
0xa1: {  	s6 =	ssub.s32 $0x0, s21;
	[sflag:s23] =	ssyncset.done $0x0  }
0xa2: {  	[sflag:s23] =	ssyncadd.s32 s6;
	_ =	sdelay $0x1  }
0xa3: {  	s24 =	simm.s32 $0x1B8B  }
0xa4: {  	_ =	swait.ge [sflag:s24], $0x1  }
0xa5: {  	[sflag:s24] =	ssyncset.done $0x0  }
0xa6: {  	s25 =	simm.s32 $0x1B8E;
	[sflag:s24] =	ssyncadd.s32 $0xFFFFFFFF  }
0xa7: {  	s26 =	simm.s32 $execute0_lowered;
	[smem:$0x3FD2] =	sst s25  }
0xa8: {  	s6 =	sshll.u32 s26, $0x1;
	_ =	strace $0x80000046;
	[dreg:$0x1] =	wrdreg $0xFFFFFFFF  }
0xa9: {  	s28 =	simm.s32 $_size_execute0_lowered;
	s5 =	sadd.s32 s5, s6;
	[dreg:$0x0] =	wrdreg $0x0  }
0xaa: {  	s6 =	sshll.u32 s28, $0x1;
	[dreg:$0x2] =	wrdreg s5  }
0xab: {  	[dreg:$0x3] =	wrdreg s6  }
0xac: {  	[dreg:$0x4] =	wrdreg $0xC0  }
0xad: {  	_ =	task [dreg:s9], $0x5FFFF  }
0xae: {  	[dreg:$0x1] =	wrdreg $0xFFFFFFFF  }
0xaf: {  	[dreg:$0x0] =	wrdreg $0x60  }
0xb0: {  	[dreg:$0x2] =	wrdreg s2  }
0xb1: {  	[dreg:$0x3] =	wrdreg s19  }
0xb2: {  	[dreg:$0x4] =	wrdreg s4  }
0xb3: {  	[dreg:$0x5] =	wrdreg $0x9  }
0xb4: {  	_ =	task.clear_ibuf [dreg:s9], $0x6FFFF;
	_ =	strace $0x90000046  }
0xb5: {  	s29 =	simm.s32 $0x9;
	_ =	strace $0x80000048  }
0xb6: {  	_ =	swait.ge [sflag:s29], $0x1  }
0xb7: {  	[sflag:s29] =	ssyncadd.s32 $0xFFFFFFFF  }
0xb8: {  	_ =	strace $0x90000048  }
0xb9: {  	_ =	sfence  }
0xba: {  	s30 =	sld [smem:$0x0];
	_ =	sdelay $0x2  }
0xbb: {  	s31 =	sshll.u32 s1, $0xD;
	s1 =	sshrl.u32 s1, $0x2  }
0xbc: {  	s3 =	sand.u32 $0x4000, s31;
	s1 =	sadd.s32 s1, s30  }
0xbd: {  	s0 =	sor.u32 s3, s0;
	s1 =	sshll.u32 s1, $0x11  }
0xbe: {  	s0 =	sor.u32 s1, s0  }
0xbf: {  	s0 =	sadd.s32 $0x8F2B, s0  }
0xc0: {  	[sflag:s0] =	ssyncadd.remote.s32 $0x1  }
0xc1: {  	_ =	sfence.sel $0xFFFF  }
0xc2: {  	[dreg:$0x0] =	wrdreg $0xFFFFFFFF;
	(pc) =	sbr.abs _section_cstart, $3  }
0xc3: {  	[dreg:$0x1] =	wrdreg $0xFFFFFFFF  }
0xc4: {  	_ =	task.clear_ibuf [dreg:s9], $0x2FFFF;
	_ =	strace $0x9FFFFFFF  }
0xc5: {  	(tm) =	ssettm $0x7FFFFFFF  }
tec
execute0_lowered:
.L_overlay_start_1:
0x0: {  	(tag) =	ssettag $0x1  }
0x1: {  	s0 =	rddreg [dreg:$0x0]  }
0x2: {  	s1 =	srdreg.scid;
	s3 =	stileid.u32  }
0x3: {  	s2 =	rddreg [dreg:$0x2];
	s28 =	simm.s32 $0x2;
	s29 =	simm.s32 $0x1A080  }
0x4: {  	s30 =	simm.s32 $0x3;
	s31 =	simm.s32 $0x0;
	s1 =	sand.u32 $0x1, s1  }
0x5: {  	s4 =	sshll.u32 s3, $0xA;
	s3 =	simm.s32 $0x0;
	s5 =	sshll.u32 s1, $0x9  }
0x6: {  	[smem:$0x7FF] =	sst s3;
	s1 =	ssub.s32 $0x2, s1;
	s4 =	sor.u32 s5, s4  }
0x7: {  	_ =	strace $0x80000047;
	s6 =	sshrl.u32 s1, $0x1;
	s5 =	sshrl.u32 s4, $0x3  }
0x8: {  	s1 =	ssub.s32 s1, s6;
	s11 =	sshll.u32 s4, $0x6;
	s4 =	sshll.u32 s4, $0x4  }
0x9: {  	s7 =	sor.u32 $0x8, s5;
	s6 =	sadd.s32 s0, s11;
	s13 =	sor.u32 $0x10, s5  }
0xa: {  	s9 =	sor.u32 $0x18, s5;
	s4 =	sadd.s32 s2, s4;
	s17 =	sor.u32 $0x20, s5  }
0xb: {  	s19 =	sor.u32 $0x28, s5;
	s23 =	sor.u32 $0x30, s5;
	s5 =	sor.u32 $0x38, s5  }
0xc: {  	s8 =	sshll.u32 s7, $0x9;
	[dreg:$0x4] =	wrdreg s6;
	s14 =	sshll.u32 s13, $0x9  }
0xd: {  	[dreg:$0x7] =	wrdreg s4;
	s15 =	sshll.u32 s9, $0x9;
	s16 =	sshll.u32 s7, $0x7  }
0xe: {  	s18 =	sshll.u32 s17, $0x9;
	s20 =	sshll.u32 s13, $0x7;
	s21 =	sshll.u32 s19, $0x9  }
0xf: {  	s22 =	sshll.u32 s9, $0x7;
	s24 =	sshll.u32 s23, $0x9;
	s7 =	sshll.u32 s17, $0x7  }
0x10: {  	s25 =	sshll.u32 s5, $0x9;
	s26 =	sshll.u32 s19, $0x7;
	s5 =	sshll.u32 s5, $0x7  }
0x11: {  	s12 =	sadd.s32 s0, s8;
	s8 =	sadd.s32 s0, s14;
	s4 =	sadd.s32 s0, s15  }
0x12: {  	s11 =	sadd.s32 s2, s20;
	s13 =	sadd.s32 s2, s22;
	s14 =	sadd.s32 s0, s24  }
0x13: {  	s15 =	sadd.s32 s2, s7;
	s17 =	sadd.s32 s2, s26;
	s19 =	sadd.s32 s2, s5  }
0x14: {  	s20 =	smax.u32 s1, $0x1;
	s22 =	simm.s32 $0x8080;
	[dreg:$0x5] =	wrdreg s12  }
0x15: {  	s24 =	simm.s32 $0x7;
	s26 =	simm.s32 $0x18080;
	[dreg:$0x6] =	wrdreg s8  }
0x16: {  	s1 =	simm.s32 $0x4;
	[dreg:$0x8] =	wrdreg s4;
	s4 =	sadd.s32 s2, s16  }
0x17: {  	s12 =	sadd.s32 s0, s21;
	s16 =	sadd.s32 s0, s25;
	s21 =	simm.s32 $0x80  }
0x18: {  	s25 =	simm.s32 $0x1;
	[dreg:$0x9] =	wrdreg s4;
	s4 =	sadd.s32 s0, s18  }
0x19: {  	s0 =	simm.s32 $0x5;
	[dreg:$0xa] =	wrdreg s4;
	s4 =	sshll.u32 s23, $0x7  }
0x1a: {  	s23 =	simm.s32 $0x10080;
	s18 =	sadd.s32 s2, s4;
	s2 =	simm.s32 $0x6  }
.LBB2_1:
0x1b: {  	s4 =	rddreg [dreg:$0x4]  }
0x1c: {  	[tilespmem:s21], [sflag:$0x1] =	stream.linear.gather [hbm4b:s4+s3], $0x8000, $0x38;
	[tilespmem:$0x1E080] =	vst v63  }
0x1d: {  	s5 =	rddreg [dreg:$0x5]  }
0x1e: {  	[tilespmem:s22], [sflag:$0x2] =	stream.linear.gather [hbm4b:s5+s3], $0x8000, $0x38;
	[tilespmem:$0x1E080] =	vst v63  }
0x1f: {  	s6 =	rddreg [dreg:$0x6]  }
0x20: {  	[tilespmem:s23], [sflag:$0x3] =	stream.linear.gather [hbm4b:s6+s3], $0x8000, $0x38;
	[tilespmem:$0x1E080] =	vst v63  }
0x21: {  	s7 =	rddreg [dreg:$0x1]  }
0x22: {  	[tilespmem:s3], [sflag:$0x7] =	stream.linear.gather [hbm4b:s7+s3], $0x80, $0x38;
	[tilespmem:$0x1E080] =	vst v63  }
0x23: {  	_ =	swait.ge [sflag:s24], $0x80  }
0x24: {  	[sflag:s24] =	ssyncset.done $0x0  }
0x25: {  	[sflag:s24] =	ssyncadd.s32 $0xFFFFFF80  }
0x26: {  	v0 =	vld [tilespmem:$0x0]  }
0x27: {  	v1 =	vld [tilespmem:$0x10]  }
0x28: {  	v2 =	vld [tilespmem:$0x20];
	_ =	sdelay $0x1  }
0x29: {  	v4 =	vld [tilespmem:$0x30]  }
0x2a: {  	v25 =	vmov s3;
	v3 =	vshll.u32 v0, $0x3  }
0x2b: {  	s8 =	simm.s32 $0x1;
	v6 =	vld [tilespmem:$0x50];
	v7 =	vand.u32 $0x7F, v0;
	v8 =	vand.u32 $0x7F, v1;
	v1 =	vshll.u32 v1, $0x3  }
0x2c: {  	v0 =	vld [tilespmem:$0x40];
	v9 =	vand.u32 $0x7F, v2;
	v11 =	vand.u32 $0xFFFFFC00, v3;
	v3 =	vmov s8  }
0x2d: {  	v2 =	vshll.u32 v2, $0x3;
	v13 =	vand.u32 $0xFFFFFC00, v1;
	v1 =	vshll.u32 v3, $0x9  }
0x2e: {  	v16 =	vld [tilespmem:$0x60];
	v10 =	vand.u32 $0x7F, v4;
	v17 =	vand.u32 $0x7000, v1;
	v1 =	vshll.u32 v3, $0x7  }
0x2f: {  	v18 =	vld [tilespmem:$0x70];
	v15 =	vand.u32 $0xFFFFFC00, v2;
	v2 =	vadd.s32 v11, v17;
	v19 =	vand.u32 $0x380, v1  }
0x30: {  	v1 =	vshll.u32 v4, $0x3;
	v4 =	vand.u32 $0x7F, v6;
	v2 =	vor.u32 v19, v2  }
0x31: {  	v14 =	vand.u32 $0xFFFFFC00, v1;
	v1 =	vshll.u32 v0, $0x3;
	v5 =	vand.u32 $0x7F, v0  }
0x32: {  	v0 =	vshll.u32 v6, $0x3;
	v20 =	vor.u32 v7, v2;
	v12 =	vand.u32 $0xFFFFFC00, v1  }
0x33: {  	v6 =	vand.u32 $0xFFFFFC00, v0;
	v0 =	vshll.u32 v16, $0x3;
	v2 =	vand.u32 $0x7F, v16  }
0x34: {  	_ =	swait.ge [sflag:s25], $0x8000;
	v1 =	vshll.u32 v18, $0x3;
	v16 =	vadd.s32 v15, v17;
	v21 =	vadd.s32 v14, v17  }
0x35: {  	[sflag:s25] =	ssyncset.done $0x0;
	v3 =	vand.u32 $0xFFFFFC00, v0;
	v0 =	vand.u32 $0x7F, v18;
	v18 =	vadd.s32 v13, v17  }
0x36: {  	[sflag:s25] =	ssyncadd.s32 $0xFFFF8000;
	v1 =	vand.u32 $0xFFFFFC00, v1;
	v16 =	vor.u32 v19, v16;
	v21 =	vor.u32 v19, v21  }
0x37: {  	v22 =	vadd.s32 v12, v17;
	v23 =	vadd.s32 v6, v17;
	v18 =	vor.u32 v19, v18;
	v20 =	vld.idx.msk [tilespmem:v20+s21+$0x0], $0xffff  }
0x38: {  	v16 =	vor.u32 v9, v16;
	v22 =	vor.u32 v19, v22;
	v18 =	vor.u32 v8, v18  }
0x39: {  	v24 =	vadd.s32 v3, v17;
	v23 =	vor.u32 v19, v23;
	v17 =	vadd.s32 v1, v17  }
0x3a: {  	v24 =	vor.u32 v19, v24;
	v17 =	vor.u32 v19, v17;
	v19 =	vshll.u32 v25, $0x9  }
0x3b: {  	s4 =	simm.s32 $0x18100;
	v21 =	vor.u32 v10, v21;
	v23 =	vor.u32 v4, v23;
	v19 =	vand.u32 $0x7000, v19  }
0x3c: {  	v24 =	vor.u32 v2, v24;
	v26 =	vadd.s32 v11, v19;
	v27 =	vadd.s32 v13, v19;
	[tilespmem:s4+$0x0] =	vst v20  }
0x3d: {  	v29 =	vadd.s32 v15, v19;
	v32 =	vadd.s32 v14, v19;
	v20 =	vshll.u32 v25, $0x7;
	v18 =	vld.idx.msk [tilespmem:v18+s21+$0x0], $0xffff  }
0x3e: {  	s5 =	simm.s32 $0x3;
	v34 =	vadd.s32 v12, v19;
	v36 =	vadd.s32 v6, v19;
	v20 =	vand.u32 $0x300, v20  }
0x3f: {  	v38 =	vadd.s32 v3, v19;
	v25 =	vmov s5;
	v26 =	vor.u32 v20, v26  }
0x40: {  	v28 =	vshll.u32 v25, $0x9;
	v25 =	vshll.u32 v25, $0x7;
	v26 =	vor.u32 v7, v26  }
0x41: {  	v28 =	vand.u32 $0x7000, v28;
	v29 =	vor.u32 v20, v29;
	v25 =	vand.u32 $0x380, v25  }
0x42: {  	v32 =	vor.u32 v20, v32;
	v34 =	vor.u32 v20, v34;
	[tilespmem:s4+$0x10] =	vst v18;
	v18 =	vadd.s32 v11, v28  }
0x43: {  	v27 =	vor.u32 v20, v27;
	v36 =	vor.u32 v20, v36;
	v18 =	vor.u32 v25, v18  }
0x44: {  	v38 =	vor.u32 v20, v38;
	v30 =	vadd.s32 v15, v28;
	v16 =	vld.idx.msk [tilespmem:v16+s21+$0x0], $0xffff;
	v18 =	vor.u32 v7, v18  }
0x45: {  	v31 =	vadd.s32 v14, v28;
	v33 =	vadd.s32 v13, v28;
	v35 =	vadd.s32 v12, v28;
	v26 =	vld.idx.msk [tilespmem:v26+s21+$0x0], $0xffff  }
0x46: {  	v27 =	vor.u32 v8, v27;
	v37 =	vadd.s32 v3, v28;
	v53 =	vor.u32 v2, v38  }
0x47: {  	v33 =	vor.u32 v25, v33;
	v30 =	vor.u32 v25, v30;
	v31 =	vor.u32 v25, v31  }
0x48: {  	v35 =	vor.u32 v25, v35;
	v37 =	vor.u32 v25, v37;
	v33 =	vor.u32 v8, v33  }
0x49: {  	v30 =	vor.u32 v9, v30;
	[tilespmem:s4+$0x20] =	vst v16;
	v16 =	vadd.s32 v6, v28;
	v18 =	vld.idx.msk [tilespmem:v18+s21+$0x0], $0xffff  }
0x4a: {  	v39 =	vor.u32 v25, v16;
	v21 =	vld.idx.msk [tilespmem:v21+s21+$0x0], $0xffff;
	v16 =	vadd.s32 v1, v19;
	[tilespmem:s4+$0xFFFFFF80] =	vst v26  }
0x4b: {  	s6 =	simm.s32 $0x2;
	v19 =	vor.u32 v5, v22;
	v22 =	vadd.s32 v1, v28;
	v16 =	vor.u32 v20, v16;
	v20 =	vld.idx.msk [tilespmem:v27+s21+$0x0], $0xffff  }
0x4c: {  	s9 =	simm.s32 $0x5;
	v26 =	vmov s6;
	v22 =	vor.u32 v25, v22;
	v25 =	vor.u32 v9, v29  }
0x4d: {  	s5 =	simm.s32 $0x18200;
	v27 =	vor.u32 v10, v31;
	v29 =	vmov s9;
	v52 =	vor.u32 v4, v39  }
0x4e: {  	v16 =	vor.u32 v0, v16;
	[tilespmem:s5+$0x0] =	vst v18;
	v18 =	vshll.u32 v26, $0x9;
	v26 =	vshll.u32 v26, $0x7  }
0x4f: {  	[tilespmem:s4+$0x30] =	vst v21;
	v18 =	vand.u32 $0x7000, v18;
	v21 =	vand.u32 $0x300, v26;
	v26 =	vor.u32 v10, v32  }
0x50: {  	[tilespmem:s4+$0xFFFFFF90] =	vst v20;
	v20 =	vshll.u32 v29, $0x9;
	v29 =	vshll.u32 v29, $0x7;
	v31 =	vadd.s32 v11, v18  }
0x51: {  	v60 =	vadd.s32 v13, v18;
	v61 =	vadd.s32 v15, v18;
	v20 =	vand.u32 $0x7000, v20  }
0x52: {  	v28 =	vld.idx.msk [tilespmem:v33+s21+$0x0], $0xffff;
	v29 =	vand.u32 $0x380, v29;
	v43 =	vadd.s32 v12, v18;
	v44 =	vadd.s32 v6, v18  }
0x53: {  	v45 =	vadd.s32 v3, v18;
	v31 =	vor.u32 v21, v31;
	v33 =	vor.u32 v21, v61  }
0x54: {  	v19 =	vld.idx.msk [tilespmem:v19+s21+$0x0], $0xffff;
	v40 =	vadd.s32 v11, v20;
	v41 =	vadd.s32 v15, v20;
	v42 =	vadd.s32 v14, v20  }
0x55: {  	v62 =	vor.u32 v21, v43;
	v32 =	vor.u32 v21, v60;
	v49 =	vadd.s32 v12, v20  }
0x56: {  	v25 =	vld.idx.msk [tilespmem:v25+s21+$0x0], $0xffff;
	v43 =	vor.u32 v21, v44;
	v51 =	vadd.s32 v3, v20;
	v31 =	vor.u32 v7, v31  }
0x57: {  	v45 =	vor.u32 v21, v45;
	v40 =	vor.u32 v29, v40;
	v42 =	vor.u32 v29, v42;
	[tilespmem:s5+$0x10] =	vst v28  }
0x58: {  	v32 =	vor.u32 v8, v32;
	v44 =	vor.u32 v29, v51;
	v40 =	vor.u32 v7, v40;
	v30 =	vld.idx.msk [tilespmem:v30+s21+$0x0], $0xffff  }
0x59: {  	v55 =	vor.u32 v10, v42;
	v28 =	vadd.s32 v14, v18;
	[tilespmem:s4+$0x40] =	vst v19;
	v19 =	vadd.s32 v13, v20  }
0x5a: {  	v18 =	vadd.s32 v1, v18;
	v28 =	vor.u32 v21, v28;
	v23 =	vld.idx.msk [tilespmem:v23+s21+$0x0], $0xffff;
	v19 =	vor.u32 v29, v19  }
0x5b: {  	[tilespmem:s4+$0xFFFFFFA0] =	vst v25;
	v25 =	vor.u32 v29, v41;
	v18 =	vor.u32 v21, v18;
	v31 =	vld.idx.msk [tilespmem:v31+s21+$0x0], $0xffff  }
0x5c: {  	v21 =	vor.u32 v4, v36;
	v41 =	vor.u32 v5, v62;
	v36 =	vor.u32 v4, v43;
	v26 =	vld.idx.msk [tilespmem:v26+s21+$0x0], $0xffff  }
0x5d: {  	v19 =	vor.u32 v8, v19;
	v50 =	vld.idx.msk [tilespmem:v40+s21+$0x0], $0xffff;
	[tilespmem:s5+$0x20] =	vst v30;
	v30 =	vor.u32 v5, v34  }
0x5e: {  	v25 =	vor.u32 v9, v25;
	v18 =	vor.u32 v0, v18;
	v28 =	vor.u32 v10, v28  }
0x5f: {  	v40 =	vor.u32 v29, v49;
	[tilespmem:s4+$0x50] =	vst v23;
	v23 =	vadd.s32 v6, v20;
	v27 =	vld.idx.msk [tilespmem:v27+s21+$0x0], $0xffff  }
0x60: {  	v46 =	vor.u32 v29, v23;
	v23 =	vor.u32 v5, v35;
	v24 =	vld.idx.msk [tilespmem:v24+s21+$0x0], $0xffff;
	[tilespmem:s5+$0xFFFFFF80] =	vst v31  }
0x61: {  	s7 =	simm.s32 $0x4;
	s6 =	simm.s32 $0x18300;
	v20 =	vadd.s32 v1, v20;
	[tilespmem:s4+$0xFFFFFFB0] =	vst v26;
	v31 =	vor.u32 v0, v17;
	v32 =	vld.idx.msk [tilespmem:v32+s21+$0x0], $0xffff  }
0x62: {  	v17 =	vor.u32 v29, v20;
	v20 =	vor.u32 v9, v33;
	[tilespmem:s6+$0x0] =	vst v50;
	v26 =	vld.idx.msk [tilespmem:v30+s21+$0x0], $0xffff;
	v30 =	vmov s7  }
0x63: {  	s10 =	simm.s32 $0x7;
	v29 =	vor.u32 v2, v37;
	v19 =	vld.idx.msk [tilespmem:v19+s21+$0x0], $0xffff;
	v54 =	vshll.u32 v30, $0x9;
	v30 =	vshll.u32 v30, $0x7  }
0x64: {  	[tilespmem:s5+$0x30] =	vst v27;
	v27 =	vmov s10;
	v35 =	vand.u32 $0x7000, v54;
	v63 =	vand.u32 $0x300, v30  }
0x65: {  	[tilespmem:s4+$0x60] =	vst v24;
	v23 =	vld.idx.msk [tilespmem:v23+s21+$0x0], $0xffff;
	v24 =	vshll.u32 v27, $0x9;
	v27 =	vshll.u32 v27, $0x7;
	v30 =	vadd.s32 v11, v35  }
0x66: {  	v58 =	vld.idx.msk [tilespmem:v31+s21+$0x0], $0xffff;
	[tilespmem:s5+$0xFFFFFF90] =	vst v32;
	v56 =	vadd.s32 v13, v35;
	v57 =	vadd.s32 v15, v35;
	v24 =	vand.u32 $0x7000, v24  }
0x67: {  	v47 =	vand.u32 $0x380, v27;
	v27 =	vadd.s32 v14, v35;
	v62 =	vadd.s32 v3, v35;
	v20 =	vld.idx.msk [tilespmem:v20+s21+$0x0], $0xffff  }
0x68: {  	v30 =	vor.u32 v63, v30;
	v59 =	vor.u32 v63, v57;
	v31 =	vadd.s32 v14, v24;
	[tilespmem:s6+$0x10] =	vst v19  }
0x69: {  	v19 =	vadd.s32 v11, v24;
	v27 =	vor.u32 v63, v27;
	[tilespmem:s4+$0xFFFFFFC0] =	vst v26;
	v26 =	vor.u32 v7, v30  }
0x6a: {  	v61 =	vadd.s32 v3, v24;
	v32 =	vor.u32 v63, v62;
	v19 =	vor.u32 v47, v19  }
0x6b: {  	v30 =	vadd.s32 v15, v24;
	v60 =	vld.idx.msk [tilespmem:v25+s21+$0x0], $0xffff;
	v50 =	vor.u32 v47, v31;
	v48 =	vor.u32 v7, v19  }
0x6c: {  	v39 =	vor.u32 v9, v59;
	v21 =	vld.idx.msk [tilespmem:v21+s21+$0x0], $0xffff;
	[tilespmem:s5+$0x40] =	vst v23;
	v23 =	vadd.s32 v13, v24  }
0x6d: {  	[tilespmem:s4+$0x70] =	vst v58;
	v33 =	vld.idx.msk [tilespmem:v52+s21+$0x0], $0xffff;
	v19 =	vor.u32 v47, v23;
	v23 =	vadd.s32 v12, v35  }
0x6e: {  	[tilespmem:s5+$0xFFFFFFA0] =	vst v20;
	v49 =	vor.u32 v8, v19;
	v20 =	vor.u32 v47, v30;
	v30 =	vld.idx.msk [tilespmem:v26+s21+$0x0], $0xffff  }
0x6f: {  	v19 =	vor.u32 v63, v23;
	v25 =	vor.u32 v9, v20;
	v20 =	vor.u32 v63, v56;
	v28 =	vld.idx.msk [tilespmem:v28+s21+$0x0], $0xffff  }
0x70: {  	v23 =	vadd.s32 v6, v24;
	[tilespmem:s6+$0x20] =	vst v60;
	v31 =	vor.u32 v8, v20;
	v48 =	vld.idx.msk [tilespmem:v48+s21+$0x0], $0xffff  }
0x71: {  	v23 =	vor.u32 v47, v23;
	[tilespmem:s4+$0xFFFFFFD0] =	vst v21;
	v21 =	vadd.s32 v12, v24;
	v51 =	vld.idx.msk [tilespmem:v55+s21+$0x0], $0xffff  }
0x72: {  	v20 =	vadd.s32 v6, v35;
	v24 =	vadd.s32 v1, v24;
	v26 =	vld.idx.msk [tilespmem:v53+s21+$0x0], $0xffff;
	[tilespmem:s5+$0x50] =	vst v33  }
0x73: {  	v21 =	vor.u32 v47, v21;
	v20 =	vor.u32 v63, v20;
	v53 =	vor.u32 v5, v40;
	v52 =	vld.idx.msk [tilespmem:v29+s21+$0x0], $0xffff  }
0x74: {  	v33 =	vor.u32 v10, v50;
	v29 =	vor.u32 v0, v22;
	[tilespmem:s6+$0xFFFFFF80] =	vst v30;
	v30 =	vor.u32 v47, v61  }
0x75: {  	s7 =	simm.s32 $0x18400;
	[tilespmem:s5+$0xFFFFFFB0] =	vst v28;
	v28 =	vadd.s32 v1, v35;
	v35 =	vor.u32 v4, v46;
	v38 =	vld.idx.msk [tilespmem:v31+s21+$0x0], $0xffff  }
0x76: {  	s8 =	simm.s32 $0x6;
	v34 =	vld.idx.msk [tilespmem:v41+s21+$0x0], $0xffff;
	v31 =	vor.u32 v47, v24;
	v22 =	vor.u32 v63, v28;
	[tilespmem:s7+$0x0] =	vst v48  }
0x77: {  	v24 =	vor.u32 v2, v44;
	v63 =	vmov s8;
	[tilespmem:s6+$0x30] =	vst v51;
	v28 =	vor.u32 v2, v45;
	v40 =	vld.idx.msk [tilespmem:v49+s21+$0x0], $0xffff  }
0x78: {  	s8 =	simm.s32 $0x8;
	v22 =	vor.u32 v0, v22;
	v41 =	vshll.u32 v63, $0x9;
	v42 =	vshll.u32 v63, $0x7;
	v37 =	vld.idx.msk [tilespmem:v53+s21+$0x0], $0xffff;
	[tilespmem:s5+$0x60] =	vst v52  }
.LBB2_2:
0x79: {  	s10 =	sadd.s32 $0x1, s8;
	v41 =	vand.u32 $0x7000, v41;
	v42 =	vand.u32 $0x300, v42  }
0x7a: {  	p0 =	slt.u32 s8, $0x3E;
	[tilespmem:s6+$0xFFFFFF90] =	vst v38;
	v38 =	vor.u32 v10, v27;
	v43 =	vmovc v32;
	v44 =	vmovc v30;
	v45 =	vmov v17;
	v17 =	vmov v31;
	s9 =	smov.u32 s8;
	s8 =	sadd.s32 $0x2, s8  }
0x7b: {  	v27 =	vmov s10;
	v30 =	vadd.s32 v11, v41;
	v31 =	vadd.s32 v13, v41;
	v32 =	vld.idx.msk [tilespmem:v39+s21+$0x0], $0xffff;
	[tilespmem:s5+$0xFFFFFFC0] =	vst v34  }
0x7c: {  	v39 =	vadd.s32 v15, v41;
	v34 =	vshll.u32 v27, $0x9;
	v30 =	vor.u32 v42, v30;
	v46 =	vld.idx.msk [tilespmem:v29+s21+$0x0], $0xffff;
	[tilespmem:s4+$0xFFFFFFE0] =	vst v26  }
0x7d: {  	v39 =	vor.u32 v42, v39;
	v29 =	vand.u32 $0x7000, v34;
	v26 =	vor.u32 v7, v30;
	v30 =	vld.idx.msk [tilespmem:v36+s21+$0x0], $0xffff  }
0x7e: {  	v27 =	vshll.u32 v27, $0x7;
	v34 =	vadd.s32 v15, v29;
	v36 =	vadd.s32 v14, v29;
	[tilespmem:s7+$0x10] =	vst v40;
	v40 =	vld.idx.msk [tilespmem:v16+s21+$0x0], $0xffff  }
0x7f: {  	v47 =	vand.u32 $0x380, v27;
	v27 =	vadd.s32 v14, v41;
	v16 =	vadd.s32 v11, v29;
	v48 =	vld.idx.msk [tilespmem:v25+s21+$0x0], $0xffff;
	[tilespmem:s6+$0x40] =	vst v37  }
0x80: {  	v27 =	vor.u32 v42, v27;
	v16 =	vor.u32 v47, v16;
	v25 =	vadd.s32 v13, v29;
	v35 =	vld.idx.msk [tilespmem:v35+s21+$0x0], $0xffff  }
0x81: {  	v37 =	vor.u32 v7, v16;
	v51 =	vor.u32 v47, v25;
	v25 =	vadd.s32 v12, v41;
	[tilespmem:s6+$0xFFFFFFA0] =	vst v32  }
0x82: {  	v50 =	vor.u32 v47, v34;
	v49 =	vor.u32 v8, v51;
	v34 =	vor.u32 v42, v25;
	v32 =	vld.idx.msk [tilespmem:v26+s21+$0x0], $0xffff  }
0x83: {  	v25 =	vor.u32 v9, v50;
	v26 =	vor.u32 v42, v31;
	v16 =	vmov v18;
	v31 =	vld.idx.msk [tilespmem:v38+s21+$0x0], $0xffff;
	[tilespmem:s5+$0xFFFFFFD0] =	vst v30  }
0x84: {  	v50 =	vor.u32 v47, v36;
	v38 =	vadd.s32 v12, v29;
	v36 =	vor.u32 v8, v26;
	[tilespmem:s4+$0xFFFFFFF0] =	vst v40;
	s4 =	smov.u32 s5;
	s5 =	smov.u32 s6;
	s6 =	smov.u32 s7  }
0x85: {  	v30 =	vadd.s32 v6, v41;
	v40 =	vor.u32 v5, v19;
	v19 =	vmov v34;
	[tilespmem:s7+$0x20] =	vst v48;
	v26 =	vld.idx.msk [tilespmem:v28+s21+$0x0], $0xffff  }
0x86: {  	v18 =	vmov v22;
	v34 =	vor.u32 v47, v38;
	v28 =	vld.idx.msk [tilespmem:v37+s21+$0x0], $0xffff;
	v37 =	vor.u32 v42, v30;
	[tilespmem:s5+$0x50] =	vst v35  }
0x87: {  	v22 =	vadd.s32 v6, v29;
	v30 =	vadd.s32 v3, v29;
	v35 =	vadd.s32 v3, v41;
	v33 =	vld.idx.msk [tilespmem:v33+s21+$0x0], $0xffff  }
0x88: {  	v48 =	vor.u32 v47, v22;
	[tilespmem:s7+$0xFFFFFF80] =	vst v32;
	v32 =	vor.u32 v42, v35;
	v51 =	vld.idx.msk [tilespmem:v24+s21+$0x0], $0xffff  }
0x89: {  	v52 =	vor.u32 v5, v21;
	v21 =	vmov v34;
	v30 =	vor.u32 v47, v30;
	v38 =	vld.idx.msk [tilespmem:v36+s21+$0x0], $0xffff;
	[tilespmem:s5+$0xFFFFFFB0] =	vst v31  }
.Ltmp0:
0x8a: {  	v22 =	vadd.s32 v1, v29;
	v29 =	vor.u32 v0, v45;
	v24 =	vadd.s32 v1, v41;
	v34 =	vld.idx.msk [tilespmem:v40+s21+$0x0], $0xffff;
	(pc) =	sbr.rel @p0 .LBB2_2-.Ltmp0, $4  }
0x8b: {  	v39 =	vor.u32 v9, v39;
	s7 =	sadd.s32 $0x100, s7;
	v31 =	vor.u32 v47, v22;
	v22 =	vor.u32 v42, v24;
	[tilespmem:s4+$0x70] =	vst v46  }
0x8c: {  	v24 =	vor.u32 v2, v44;
	v36 =	vor.u32 v4, v20;
	v22 =	vor.u32 v0, v22;
	[tilespmem:s7+$0x0] =	vst v28  }
0x8d: {  	v35 =	vor.u32 v4, v23;
	v42 =	vmov s9;
	v20 =	vmovc v37;
	v28 =	vor.u32 v2, v43;
	v40 =	vld.idx.msk [tilespmem:v49+s21+$0x0], $0xffff;
	[tilespmem:s6+$0x30] =	vst v33  }
0x8e: {  	v23 =	vmovc v48;
	v41 =	vshll.u32 v42, $0x9;
	v42 =	vshll.u32 v42, $0x7;
	v33 =	vor.u32 v10, v50;
	v37 =	vld.idx.msk [tilespmem:v52+s21+$0x0], $0xffff;
	[tilespmem:s5+$0x60] =	vst v51  }
0x8f: {  	v41 =	vand.u32 $0x7000, v41  }
0x90: {  	v42 =	vand.u32 $0x300, v42;
	v43 =	vadd.s32 v11, v41  }
0x91: {  	v43 =	vor.u32 v42, v43  }
0x92: {  	v43 =	vor.u32 v7, v43;
	_ =	sdelay $0x3  }
0x93: {  	v44 =	vadd.s32 v13, v41  }
0x94: {  	v44 =	vor.u32 v42, v44;
	v43 =	vld.idx.msk [tilespmem:v43+s21+$0x0], $0xffff  }
0x95: {  	v44 =	vor.u32 v8, v44;
	_ =	sdelay $0x3  }
0x96: {  	v45 =	vadd.s32 v15, v41;
	[tilespmem:s7+$0xFFFFFF80] =	vst v43  }
0x97: {  	v52 =	vor.u32 v42, v45;
	v44 =	vld.idx.msk [tilespmem:v44+s21+$0x0], $0xffff  }
0x98: {  	v43 =	vor.u32 v9, v52;
	_ =	sdelay $0x1  }
0x99: {  	[tilespmem:s6+$0xFFFFFF90] =	vst v38  }
0x9a: {  	v38 =	vld.idx.msk [tilespmem:v39+s21+$0x0], $0xffff;
	[tilespmem:s7+$0x10] =	vst v40  }
0x9b: {  	v27 =	vor.u32 v10, v27;
	v53 =	vadd.s32 v14, v41;
	v25 =	vld.idx.msk [tilespmem:v25+s21+$0x0], $0xffff;
	[tilespmem:s7+$0xFFFFFF90] =	vst v44  }
0x9c: {  	v39 =	vor.u32 v42, v53;
	v54 =	vld.idx.msk [tilespmem:v43+s21+$0x0], $0xffff  }
0x9d: {  	v39 =	vor.u32 v10, v39;
	_ =	sdelay $0x1  }
0x9e: {  	[tilespmem:s6+$0xFFFFFFA0] =	vst v38  }
0x9f: {  	v27 =	vld.idx.msk [tilespmem:v27+s21+$0x0], $0xffff;
	[tilespmem:s7+$0x20] =	vst v25  }
0xa0: {  	v19 =	vor.u32 v5, v19;
	v25 =	vadd.s32 v12, v41;
	v33 =	vld.idx.msk [tilespmem:v33+s21+$0x0], $0xffff;
	[tilespmem:s7+$0xFFFFFFA0] =	vst v54  }
0xa1: {  	v21 =	vor.u32 v5, v21;
	v25 =	vor.u32 v42, v25;
	v55 =	vld.idx.msk [tilespmem:v39+s21+$0x0], $0xffff  }
0xa2: {  	v25 =	vor.u32 v5, v25;
	_ =	sdelay $0x1  }
0xa3: {  	[tilespmem:s6+$0xFFFFFFB0] =	vst v27  }
0xa4: {  	v19 =	vld.idx.msk [tilespmem:v19+s21+$0x0], $0xffff;
	[tilespmem:s7+$0x30] =	vst v33  }
0xa5: {  	v20 =	vor.u32 v4, v20;
	v27 =	vadd.s32 v6, v41;
	v21 =	vld.idx.msk [tilespmem:v21+s21+$0x0], $0xffff;
	[tilespmem:s7+$0xFFFFFFB0] =	vst v55  }
0xa6: {  	v23 =	vor.u32 v4, v23;
	[tilespmem:s6+$0x40] =	vst v37;
	v27 =	vor.u32 v42, v27;
	v25 =	vld.idx.msk [tilespmem:v25+s21+$0x0], $0xffff  }
0xa7: {  	[tilespmem:s5+$0xFFFFFFC0] =	vst v34;
	v57 =	vld.idx.msk [tilespmem:v35+s21+$0x0], $0xffff;
	v27 =	vor.u32 v4, v27  }
0xa8: {  	[tilespmem:s4+$0xFFFFFFE0] =	vst v26;
	v56 =	vld.idx.msk [tilespmem:v36+s21+$0x0], $0xffff  }
0xa9: {  	v16 =	vld.idx.msk [tilespmem:v16+s21+$0x0], $0xffff;
	[tilespmem:s6+$0xFFFFFFC0] =	vst v19  }
0xaa: {  	v19 =	vld.idx.msk [tilespmem:v20+s21+$0x0], $0xffff;
	[tilespmem:s7+$0x40] =	vst v21  }
0xab: {  	v20 =	vadd.s32 v3, v41;
	v21 =	vor.u32 v2, v32;
	v23 =	vld.idx.msk [tilespmem:v23+s21+$0x0], $0xffff;
	[tilespmem:s7+$0xFFFFFFC0] =	vst v25  }
0xac: {  	[tilespmem:s6+$0x50] =	vst v57;
	v20 =	vor.u32 v42, v20;
	v25 =	vor.u32 v2, v30;
	v26 =	vld.idx.msk [tilespmem:v27+s21+$0x0], $0xffff  }
0xad: {  	[tilespmem:s5+$0xFFFFFFD0] =	vst v56;
	v24 =	vld.idx.msk [tilespmem:v24+s21+$0x0], $0xffff;
	v20 =	vor.u32 v2, v20  }
0xae: {  	v17 =	vor.u32 v0, v17;
	[tilespmem:s4+$0xFFFFFFF0] =	vst v16  }
0xaf: {  	[tilespmem:s6+$0xFFFFFFD0] =	vst v19;
	v27 =	vld.idx.msk [tilespmem:v28+s21+$0x0], $0xffff  }
0xb0: {  	v19 =	vld.idx.msk [tilespmem:v21+s21+$0x0], $0xffff;
	[tilespmem:s7+$0x50] =	vst v23  }
0xb1: {  	v21 =	vadd.s32 v1, v41;
	v23 =	vld.idx.msk [tilespmem:v25+s21+$0x0], $0xffff;
	[tilespmem:s7+$0xFFFFFFD0] =	vst v26  }
0xb2: {  	[tilespmem:s6+$0x60] =	vst v24;
	v16 =	vor.u32 v42, v21;
	v21 =	vor.u32 v0, v31;
	v20 =	vld.idx.msk [tilespmem:v20+s21+$0x0], $0xffff  }
0xb3: {  	v17 =	vld.idx.msk [tilespmem:v17+s21+$0x0], $0xffff;
	v16 =	vor.u32 v0, v16  }
0xb4: {  	v25 =	vld.idx.msk [tilespmem:v29+s21+$0x0], $0xffff;
	[tilespmem:s5+$0xFFFFFFE0] =	vst v27  }
0xb5: {  	[tilespmem:s6+$0xFFFFFFE0] =	vst v19;
	v18 =	vld.idx.msk [tilespmem:v18+s21+$0x0], $0xffff  }
0xb6: {  	v19 =	vld.idx.msk [tilespmem:v22+s21+$0x0], $0xffff;
	[tilespmem:s7+$0x60] =	vst v23  }
0xb7: {  	v21 =	vld.idx.msk [tilespmem:v21+s21+$0x0], $0xffff;
	[tilespmem:s7+$0xFFFFFFE0] =	vst v20  }
0xb8: {  	[tilespmem:s6+$0x70] =	vst v17;
	v16 =	vld.idx.msk [tilespmem:v16+s21+$0x0], $0xffff  }
0xb9: {  	[tilespmem:s5+$0x70] =	vst v25  }
0xba: {  	[tilespmem:s5+$0xFFFFFFF0] =	vst v18;
	s5 =	simm.s32 $0x1  }
0xbb: {  	[tilespmem:s6+$0xFFFFFFF0] =	vst v19;
	v17 =	vmov s5  }
0xbc: {  	v18 =	vshll.u32 v17, $0x9;
	[tilespmem:s7+$0x70] =	vst v21  }
0xbd: {  	v17 =	vshll.u32 v17, $0x7;
	v18 =	vand.u32 $0x7000, v18;
	[tilespmem:s7+$0xFFFFFFF0] =	vst v16  }
0xbe: {  	s8 =	simm.s32 $0x0;
	v17 =	vand.u32 $0x380, v17;
	v16 =	vadd.s32 v11, v18;
	s9 =	rddreg [dreg:$0x7]  }
0xbf: {  	v16 =	vor.u32 v17, v16;
	[hbm4b:s9+s8] =	stream.linear.scatter [tilespmem:s26], [sflag:$0x4], $0x2000, $0x38;
	[tilespmem:$0x1E080] =	vst v63  }
0xc0: {  	s10 =	rddreg [dreg:$0x8];
	v16 =	vor.u32 v7, v16  }
0xc1: {  	[tilespmem:s21], [sflag:$0x1] =	stream.linear.gather [hbm4b:s10+s8], $0x8000, $0x38;
	[tilespmem:$0x1E080] =	vst v63  }
0xc2: {  	_ =	swait.ge [sflag:s28], $0x8000  }
0xc3: {  	[sflag:s28] =	ssyncset.done $0x0  }
0xc4: {  	v25 =	vmov s8;
	v19 =	vadd.s32 v15, v18;
	v20 =	vadd.s32 v13, v18;
	[sflag:s28] =	ssyncadd.s32 $0xFFFF8000  }
0xc5: {  	v21 =	vadd.s32 v14, v18;
	v22 =	vadd.s32 v12, v18;
	v20 =	vor.u32 v17, v20;
	v16 =	vld.idx.msk [tilespmem:v16+s22+$0x0], $0xffff  }
0xc6: {  	v23 =	vadd.s32 v6, v18;
	v24 =	vadd.s32 v3, v18;
	v20 =	vor.u32 v8, v20  }
0xc7: {  	v19 =	vor.u32 v17, v19;
	v21 =	vor.u32 v17, v21;
	v22 =	vor.u32 v17, v22  }
0xc8: {  	v23 =	vor.u32 v17, v23;
	v24 =	vor.u32 v17, v24;
	v19 =	vor.u32 v9, v19  }
0xc9: {  	s4 =	simm.s32 $0x1A100;
	v18 =	vadd.s32 v1, v18;
	v21 =	vor.u32 v10, v21;
	v24 =	vor.u32 v2, v24  }
0xca: {  	s6 =	simm.s32 $0x3;
	v23 =	vor.u32 v4, v23;
	v17 =	vor.u32 v17, v18;
	v18 =	vshll.u32 v25, $0x7;
	[tilespmem:s4+$0x0] =	vst v16  }
0xcb: {  	v18 =	vand.u32 $0x300, v18;
	v16 =	vshll.u32 v25, $0x9;
	v25 =	vmov s6;
	v20 =	vld.idx.msk [tilespmem:v20+s22+$0x0], $0xffff  }
0xcc: {  	v16 =	vand.u32 $0x7000, v16;
	v28 =	vshll.u32 v25, $0x9;
	v25 =	vshll.u32 v25, $0x7  }
0xcd: {  	v26 =	vadd.s32 v11, v16;
	v27 =	vadd.s32 v13, v16;
	v29 =	vadd.s32 v15, v16  }
0xce: {  	v28 =	vand.u32 $0x7000, v28;
	v25 =	vand.u32 $0x380, v25;
	v26 =	vor.u32 v18, v26  }
0xcf: {  	v58 =	vadd.s32 v14, v16;
	v60 =	vadd.s32 v12, v16;
	v26 =	vor.u32 v7, v26  }
0xd0: {  	v62 =	vadd.s32 v6, v16;
	v49 =	vadd.s32 v3, v16;
	[tilespmem:s4+$0x10] =	vst v20;
	v20 =	vadd.s32 v11, v28  }
0xd1: {  	v16 =	vadd.s32 v1, v16;
	v29 =	vor.u32 v18, v29;
	v20 =	vor.u32 v25, v20  }
0xd2: {  	v30 =	vadd.s32 v15, v28;
	v31 =	vadd.s32 v14, v28;
	v19 =	vld.idx.msk [tilespmem:v19+s22+$0x0], $0xffff;
	v20 =	vor.u32 v7, v20  }
0xd3: {  	v59 =	vadd.s32 v13, v28;
	v32 =	vor.u32 v18, v58;
	v34 =	vor.u32 v18, v60  }
0xd4: {  	v27 =	vor.u32 v18, v27;
	v61 =	vadd.s32 v12, v28;
	v63 =	vor.u32 v18, v62;
	v26 =	vld.idx.msk [tilespmem:v26+s22+$0x0], $0xffff  }
0xd5: {  	v47 =	vadd.s32 v6, v28;
	v48 =	vadd.s32 v3, v28;
	v27 =	vor.u32 v8, v27  }
0xd6: {  	v38 =	vor.u32 v18, v49;
	v16 =	vor.u32 v18, v16;
	v33 =	vor.u32 v25, v59  }
0xd7: {  	v30 =	vor.u32 v25, v30;
	v31 =	vor.u32 v25, v31;
	[tilespmem:s4+$0x20] =	vst v19;
	v20 =	vld.idx.msk [tilespmem:v20+s22+$0x0], $0xffff  }
0xd8: {  	v36 =	vor.u32 v25, v47;
	v37 =	vor.u32 v25, v48;
	v16 =	vor.u32 v0, v16;
	v21 =	vld.idx.msk [tilespmem:v21+s22+$0x0], $0xffff  }
0xd9: {  	v33 =	vor.u32 v8, v33;
	v30 =	vor.u32 v9, v30;
	v19 =	vor.u32 v25, v61;
	[tilespmem:s4+$0xFFFFFF80] =	vst v26  }
0xda: {  	s7 =	simm.s32 $0x2;
	s8 =	simm.s32 $0x5;
	v19 =	vor.u32 v5, v19;
	v26 =	vor.u32 v5, v22;
	v22 =	vadd.s32 v1, v28;
	v18 =	vld.idx.msk [tilespmem:v27+s22+$0x0], $0xffff  }
0xdb: {  	s5 =	simm.s32 $0x1A200;
	v28 =	vor.u32 v10, v31;
	v31 =	vmov s8;
	v27 =	vmov s7  }
0xdc: {  	v22 =	vor.u32 v25, v22;
	[tilespmem:s5+$0x0] =	vst v20;
	v20 =	vshll.u32 v27, $0x9;
	v27 =	vshll.u32 v27, $0x7  }
0xdd: {  	v25 =	vor.u32 v9, v29;
	[tilespmem:s4+$0x30] =	vst v21;
	v20 =	vand.u32 $0x7000, v20;
	v21 =	vand.u32 $0x300, v27  }
0xde: {  	v27 =	vor.u32 v10, v32;
	v50 =	vadd.s32 v11, v20;
	v51 =	vadd.s32 v13, v20  }
0xdf: {  	[tilespmem:s4+$0xFFFFFF90] =	vst v18;
	v18 =	vshll.u32 v31, $0x9;
	v52 =	vadd.s32 v15, v20;
	v31 =	vshll.u32 v31, $0x7  }
0xe0: {  	v29 =	vld.idx.msk [tilespmem:v33+s22+$0x0], $0xffff;
	v56 =	vadd.s32 v12, v20;
	v58 =	vadd.s32 v6, v20;
	v61 =	vadd.s32 v3, v20  }
0xe1: {  	v26 =	vld.idx.msk [tilespmem:v26+s22+$0x0], $0xffff;
	v32 =	vor.u32 v21, v50;
	v18 =	vand.u32 $0x7000, v18;
	v39 =	vor.u32 v21, v52  }
0xe2: {  	v31 =	vand.u32 $0x380, v31;
	v41 =	vor.u32 v21, v56;
	v33 =	vor.u32 v21, v51  }
0xe3: {  	v43 =	vor.u32 v21, v58;
	v45 =	vor.u32 v21, v61;
	v32 =	vor.u32 v7, v32  }
0xe4: {  	v25 =	vld.idx.msk [tilespmem:v25+s22+$0x0], $0xffff;
	v53 =	vadd.s32 v11, v18;
	v54 =	vadd.s32 v15, v18;
	v55 =	vadd.s32 v14, v18  }
0xe5: {  	v57 =	vadd.s32 v12, v18;
	v33 =	vor.u32 v8, v33;
	v40 =	vor.u32 v31, v53;
	[tilespmem:s5+$0x10] =	vst v29  }
0xe6: {  	v60 =	vadd.s32 v3, v18;
	[tilespmem:s4+$0x40] =	vst v26;
	v40 =	vor.u32 v7, v40;
	v30 =	vld.idx.msk [tilespmem:v30+s22+$0x0], $0xffff  }
0xe7: {  	v41 =	vor.u32 v5, v41;
	v42 =	vor.u32 v31, v55;
	v44 =	vor.u32 v31, v60;
	v23 =	vld.idx.msk [tilespmem:v23+s22+$0x0], $0xffff  }
0xe8: {  	v29 =	vadd.s32 v14, v20;
	v26 =	vadd.s32 v13, v18;
	v20 =	vadd.s32 v1, v20  }
0xe9: {  	v29 =	vor.u32 v21, v29;
	v26 =	vor.u32 v31, v26;
	[tilespmem:s4+$0xFFFFFFA0] =	vst v25;
	v32 =	vld.idx.msk [tilespmem:v32+s22+$0x0], $0xffff  }
0xea: {  	v25 =	vor.u32 v8, v26;
	v26 =	vor.u32 v31, v54;
	v29 =	vor.u32 v10, v29;
	v27 =	vld.idx.msk [tilespmem:v27+s22+$0x0], $0xffff  }
0xeb: {  	v26 =	vor.u32 v9, v26;
	v59 =	vld.idx.msk [tilespmem:v40+s22+$0x0], $0xffff;
	v40 =	vor.u32 v31, v57;
	[tilespmem:s5+$0x20] =	vst v30  }
0xec: {  	v30 =	vor.u32 v5, v34;
	[tilespmem:s4+$0x50] =	vst v23;
	v23 =	vadd.s32 v6, v18;
	v18 =	vadd.s32 v1, v18  }
0xed: {  	v34 =	vor.u32 v2, v38;
	v51 =	vor.u32 v5, v40;
	v28 =	vld.idx.msk [tilespmem:v28+s22+$0x0], $0xffff;
	v46 =	vor.u32 v31, v23  }
0xee: {  	v23 =	vld.idx.msk [tilespmem:v24+s22+$0x0], $0xffff;
	v24 =	vor.u32 v0, v17;
	v17 =	vor.u32 v31, v18;
	[tilespmem:s5+$0xFFFFFF80] =	vst v32  }
0xef: {  	s9 =	simm.s32 $0x4;
	v31 =	vor.u32 v9, v39;
	v18 =	vor.u32 v21, v20;
	v20 =	vor.u32 v4, v63;
	v32 =	vld.idx.msk [tilespmem:v33+s22+$0x0], $0xffff  }
0xf0: {  	s6 =	simm.s32 $0x1A300;
	[tilespmem:s4+$0xFFFFFFB0] =	vst v27;
	v18 =	vor.u32 v0, v18;
	v27 =	vmov s9;
	v35 =	vor.u32 v4, v46  }
0xf1: {  	v33 =	vor.u32 v2, v37;
	v62 =	vshll.u32 v27, $0x9;
	v27 =	vshll.u32 v27, $0x7;
	[tilespmem:s6+$0x0] =	vst v59;
	v21 =	vld.idx.msk [tilespmem:v30+s22+$0x0], $0xffff  }
0xf2: {  	v30 =	vor.u32 v4, v36;
	v25 =	vld.idx.msk [tilespmem:v25+s22+$0x0], $0xffff;
	v36 =	vor.u32 v10, v42;
	[tilespmem:s5+$0x30] =	vst v28;
	v28 =	vand.u32 $0x7000, v62  }
0xf3: {  	s10 =	simm.s32 $0x7;
	v63 =	vand.u32 $0x300, v27;
	[tilespmem:s4+$0x60] =	vst v23;
	v19 =	vld.idx.msk [tilespmem:v19+s22+$0x0], $0xffff;
	v52 =	vadd.s32 v11, v28;
	v53 =	vadd.s32 v13, v28  }
0xf4: {  	v27 =	vmov s10;
	v54 =	vadd.s32 v15, v28;
	v24 =	vld.idx.msk [tilespmem:v24+s22+$0x0], $0xffff;
	v62 =	vadd.s32 v3, v28;
	[tilespmem:s5+$0xFFFFFF90] =	vst v32  }
0xf5: {  	v32 =	vor.u32 v63, v52;
	v55 =	vor.u32 v63, v54;
	v23 =	vld.idx.msk [tilespmem:v31+s22+$0x0], $0xffff;
	v31 =	vshll.u32 v27, $0x9  }
0xf6: {  	v27 =	vshll.u32 v27, $0x7;
	v39 =	vor.u32 v9, v55;
	[tilespmem:s4+$0xFFFFFFC0] =	vst v21;
	v31 =	vand.u32 $0x7000, v31  }
0xf7: {  	v21 =	vor.u32 v7, v32;
	[tilespmem:s6+$0x10] =	vst v25;
	v58 =	vand.u32 $0x380, v27;
	v27 =	vadd.s32 v14, v28  }
0xf8: {  	v32 =	vor.u32 v63, v62;
	v20 =	vld.idx.msk [tilespmem:v20+s22+$0x0], $0xffff;
	v56 =	vadd.s32 v15, v31;
	v57 =	vadd.s32 v14, v31  }
0xf9: {  	v25 =	vadd.s32 v11, v31;
	v26 =	vld.idx.msk [tilespmem:v26+s22+$0x0], $0xffff;
	v27 =	vor.u32 v63, v27;
	[tilespmem:s5+$0x40] =	vst v19  }
0xfa: {  	v19 =	vor.u32 v58, v25;
	v25 =	vadd.s32 v13, v31;
	v60 =	vor.u32 v58, v57;
	[tilespmem:s4+$0x70] =	vst v24  }
0xfb: {  	v24 =	vor.u32 v2, v44;
	v30 =	vld.idx.msk [tilespmem:v30+s22+$0x0], $0xffff;
	v47 =	vor.u32 v7, v19;
	v19 =	vor.u32 v58, v25  }
0xfc: {  	v25 =	vadd.s32 v12, v28;
	[tilespmem:s5+$0xFFFFFFA0] =	vst v23;
	v48 =	vor.u32 v8, v19;
	v59 =	vld.idx.msk [tilespmem:v21+s22+$0x0], $0xffff  }
0xfd: {  	v23 =	vor.u32 v58, v56;
	v21 =	vor.u32 v63, v53;
	v29 =	vld.idx.msk [tilespmem:v29+s22+$0x0], $0xffff;
	[tilespmem:s4+$0xFFFFFFD0] =	vst v20  }
0xfe: {  	v19 =	vor.u32 v63, v25;
	v61 =	vor.u32 v8, v21;
	[tilespmem:s6+$0x20] =	vst v26;
	v26 =	vld.idx.msk [tilespmem:v34+s22+$0x0], $0xffff  }
0xff: {  	v25 =	vor.u32 v9, v23;
	v23 =	vadd.s32 v6, v28;
	v20 =	vadd.s32 v12, v31;
	v49 =	vld.idx.msk [tilespmem:v36+s22+$0x0], $0xffff  }
0x100: {  	v28 =	vadd.s32 v1, v28;
	v21 =	vor.u32 v58, v20;
	v47 =	vld.idx.msk [tilespmem:v47+s22+$0x0], $0xffff;
	[tilespmem:s5+$0x50] =	vst v30  }
0x101: {  	v20 =	vor.u32 v63, v23;
	v23 =	vadd.s32 v6, v31;
	v36 =	vor.u32 v4, v43;
	v50 =	vld.idx.msk [tilespmem:v33+s22+$0x0], $0xffff  }
0x102: {  	v30 =	vadd.s32 v3, v31;
	v23 =	vor.u32 v58, v23;
	v31 =	vadd.s32 v1, v31;
	[tilespmem:s6+$0xFFFFFF80] =	vst v59  }
0x103: {  	v30 =	vor.u32 v58, v30;
	v31 =	vor.u32 v58, v31;
	[tilespmem:s5+$0xFFFFFFB0] =	vst v29;
	v38 =	vld.idx.msk [tilespmem:v61+s22+$0x0], $0xffff  }
0x104: {  	s8 =	simm.s32 $0x6;
	s7 =	simm.s32 $0x1A400;
	v33 =	vor.u32 v10, v60;
	v29 =	vor.u32 v0, v22;
	v34 =	vld.idx.msk [tilespmem:v41+s22+$0x0], $0xffff;
	[tilespmem:s6+$0x30] =	vst v49  }
0x105: {  	v22 =	vor.u32 v63, v28;
	v63 =	vmov s8;
	v28 =	vor.u32 v2, v45;
	[tilespmem:s7+$0x0] =	vst v47;
	v37 =	vld.idx.msk [tilespmem:v51+s22+$0x0], $0xffff  }
0x106: {  	s8 =	simm.s32 $0x8;
	v22 =	vor.u32 v0, v22;
	v41 =	vshll.u32 v63, $0x9;
	v42 =	vshll.u32 v63, $0x7;
	v40 =	vld.idx.msk [tilespmem:v48+s22+$0x0], $0xffff;
	[tilespmem:s5+$0x60] =	vst v50  }
.LBB2_4:
0x107: {  	s10 =	sadd.s32 $0x1, s8;
	v41 =	vand.u32 $0x7000, v41;
	v42 =	vand.u32 $0x300, v42  }
0x108: {  	p0 =	slt.u32 s8, $0x3E;
	[tilespmem:s6+$0xFFFFFF90] =	vst v38;
	v38 =	vor.u32 v10, v27;
	v43 =	vmovc v32;
	v44 =	vmovc v30;
	v45 =	vmov v17;
	v17 =	vmov v31;
	s9 =	smov.u32 s8;
	s8 =	sadd.s32 $0x2, s8  }
0x109: {  	v27 =	vmov s10;
	v30 =	vadd.s32 v11, v41;
	v31 =	vadd.s32 v13, v41;
	v32 =	vld.idx.msk [tilespmem:v39+s22+$0x0], $0xffff;
	[tilespmem:s5+$0xFFFFFFC0] =	vst v34  }
0x10a: {  	v39 =	vadd.s32 v15, v41;
	v34 =	vshll.u32 v27, $0x9;
	v30 =	vor.u32 v42, v30;
	v46 =	vld.idx.msk [tilespmem:v29+s22+$0x0], $0xffff;
	[tilespmem:s4+$0xFFFFFFE0] =	vst v26  }
0x10b: {  	v39 =	vor.u32 v42, v39;
	v29 =	vand.u32 $0x7000, v34;
	v26 =	vor.u32 v7, v30;
	v30 =	vld.idx.msk [tilespmem:v36+s22+$0x0], $0xffff  }
0x10c: {  	v27 =	vshll.u32 v27, $0x7;
	v34 =	vadd.s32 v15, v29;
	v36 =	vadd.s32 v14, v29;
	[tilespmem:s7+$0x10] =	vst v40;
	v40 =	vld.idx.msk [tilespmem:v16+s22+$0x0], $0xffff  }
0x10d: {  	v47 =	vand.u32 $0x380, v27;
	v27 =	vadd.s32 v14, v41;
	v16 =	vadd.s32 v11, v29;
	v48 =	vld.idx.msk [tilespmem:v25+s22+$0x0], $0xffff;
	[tilespmem:s6+$0x40] =	vst v37  }
0x10e: {  	v27 =	vor.u32 v42, v27;
	v16 =	vor.u32 v47, v16;
	v25 =	vadd.s32 v13, v29;
	v35 =	vld.idx.msk [tilespmem:v35+s22+$0x0], $0xffff  }
0x10f: {  	v37 =	vor.u32 v7, v16;
	v51 =	vor.u32 v47, v25;
	v25 =	vadd.s32 v12, v41;
	[tilespmem:s6+$0xFFFFFFA0] =	vst v32  }
0x110: {  	v50 =	vor.u32 v47, v34;
	v49 =	vor.u32 v8, v51;
	v34 =	vor.u32 v42, v25;
	v32 =	vld.idx.msk [tilespmem:v26+s22+$0x0], $0xffff  }
0x111: {  	v25 =	vor.u32 v9, v50;
	v26 =	vor.u32 v42, v31;
	v16 =	vmov v18;
	v31 =	vld.idx.msk [tilespmem:v38+s22+$0x0], $0xffff;
	[tilespmem:s5+$0xFFFFFFD0] =	vst v30  }
0x112: {  	v50 =	vor.u32 v47, v36;
	v38 =	vadd.s32 v12, v29;
	v36 =	vor.u32 v8, v26;
	[tilespmem:s4+$0xFFFFFFF0] =	vst v40;
	s4 =	smov.u32 s5;
	s5 =	smov.u32 s6;
	s6 =	smov.u32 s7  }
0x113: {  	v30 =	vadd.s32 v6, v41;
	v40 =	vor.u32 v5, v19;
	v19 =	vmov v34;
	[tilespmem:s7+$0x20] =	vst v48;
	v26 =	vld.idx.msk [tilespmem:v28+s22+$0x0], $0xffff  }
0x114: {  	v18 =	vmov v22;
	v34 =	vor.u32 v47, v38;
	v28 =	vld.idx.msk [tilespmem:v37+s22+$0x0], $0xffff;
	v37 =	vor.u32 v42, v30;
	[tilespmem:s5+$0x50] =	vst v35  }
0x115: {  	v22 =	vadd.s32 v6, v29;
	v30 =	vadd.s32 v3, v29;
	v35 =	vadd.s32 v3, v41;
	v33 =	vld.idx.msk [tilespmem:v33+s22+$0x0], $0xffff  }
0x116: {  	v48 =	vor.u32 v47, v22;
	[tilespmem:s7+$0xFFFFFF80] =	vst v32;
	v32 =	vor.u32 v42, v35;
	v51 =	vld.idx.msk [tilespmem:v24+s22+$0x0], $0xffff  }
0x117: {  	v52 =	vor.u32 v5, v21;
	v21 =	vmov v34;
	v30 =	vor.u32 v47, v30;
	v38 =	vld.idx.msk [tilespmem:v36+s22+$0x0], $0xffff;
	[tilespmem:s5+$0xFFFFFFB0] =	vst v31  }
.Ltmp1:
0x118: {  	v22 =	vadd.s32 v1, v29;
	v29 =	vor.u32 v0, v45;
	v24 =	vadd.s32 v1, v41;
	v34 =	vld.idx.msk [tilespmem:v40+s22+$0x0], $0xffff;
	(pc) =	sbr.rel @p0 .LBB2_4-.Ltmp1, $4  }
0x119: {  	v39 =	vor.u32 v9, v39;
	s7 =	sadd.s32 $0x100, s7;
	v31 =	vor.u32 v47, v22;
	v22 =	vor.u32 v42, v24;
	[tilespmem:s4+$0x70] =	vst v46  }
0x11a: {  	v24 =	vor.u32 v2, v44;
	v36 =	vor.u32 v4, v20;
	v22 =	vor.u32 v0, v22;
	[tilespmem:s7+$0x0] =	vst v28  }
0x11b: {  	v35 =	vor.u32 v4, v23;
	v42 =	vmov s9;
	v20 =	vmovc v37;
	v28 =	vor.u32 v2, v43;
	v40 =	vld.idx.msk [tilespmem:v49+s22+$0x0], $0xffff;
	[tilespmem:s6+$0x30] =	vst v33  }
0x11c: {  	v23 =	vmovc v48;
	v41 =	vshll.u32 v42, $0x9;
	v42 =	vshll.u32 v42, $0x7;
	v33 =	vor.u32 v10, v50;
	v37 =	vld.idx.msk [tilespmem:v52+s22+$0x0], $0xffff;
	[tilespmem:s5+$0x60] =	vst v51  }
0x11d: {  	v41 =	vand.u32 $0x7000, v41  }
0x11e: {  	v42 =	vand.u32 $0x300, v42;
	v43 =	vadd.s32 v11, v41  }
0x11f: {  	v43 =	vor.u32 v42, v43  }
0x120: {  	v43 =	vor.u32 v7, v43;
	_ =	sdelay $0x3  }
0x121: {  	v44 =	vadd.s32 v13, v41  }
0x122: {  	v44 =	vor.u32 v42, v44;
	v43 =	vld.idx.msk [tilespmem:v43+s22+$0x0], $0xffff  }
0x123: {  	v44 =	vor.u32 v8, v44;
	_ =	sdelay $0x3  }
0x124: {  	v45 =	vadd.s32 v15, v41;
	[tilespmem:s7+$0xFFFFFF80] =	vst v43  }
0x125: {  	v52 =	vor.u32 v42, v45;
	v44 =	vld.idx.msk [tilespmem:v44+s22+$0x0], $0xffff  }
0x126: {  	v43 =	vor.u32 v9, v52;
	_ =	sdelay $0x1  }
0x127: {  	[tilespmem:s6+$0xFFFFFF90] =	vst v38  }
0x128: {  	v38 =	vld.idx.msk [tilespmem:v39+s22+$0x0], $0xffff;
	[tilespmem:s7+$0x10] =	vst v40  }
0x129: {  	v27 =	vor.u32 v10, v27;
	v53 =	vadd.s32 v14, v41;
	v25 =	vld.idx.msk [tilespmem:v25+s22+$0x0], $0xffff;
	[tilespmem:s7+$0xFFFFFF90] =	vst v44  }
0x12a: {  	v39 =	vor.u32 v42, v53;
	v54 =	vld.idx.msk [tilespmem:v43+s22+$0x0], $0xffff  }
0x12b: {  	v39 =	vor.u32 v10, v39;
	_ =	sdelay $0x1  }
0x12c: {  	[tilespmem:s6+$0xFFFFFFA0] =	vst v38  }
0x12d: {  	v27 =	vld.idx.msk [tilespmem:v27+s22+$0x0], $0xffff;
	[tilespmem:s7+$0x20] =	vst v25  }
0x12e: {  	v19 =	vor.u32 v5, v19;
	v25 =	vadd.s32 v12, v41;
	v33 =	vld.idx.msk [tilespmem:v33+s22+$0x0], $0xffff;
	[tilespmem:s7+$0xFFFFFFA0] =	vst v54  }
0x12f: {  	v21 =	vor.u32 v5, v21;
	v25 =	vor.u32 v42, v25;
	v55 =	vld.idx.msk [tilespmem:v39+s22+$0x0], $0xffff  }
0x130: {  	v25 =	vor.u32 v5, v25;
	_ =	sdelay $0x1  }
0x131: {  	[tilespmem:s6+$0xFFFFFFB0] =	vst v27  }
0x132: {  	v19 =	vld.idx.msk [tilespmem:v19+s22+$0x0], $0xffff;
	[tilespmem:s7+$0x30] =	vst v33  }
0x133: {  	v20 =	vor.u32 v4, v20;
	v27 =	vadd.s32 v6, v41;
	v21 =	vld.idx.msk [tilespmem:v21+s22+$0x0], $0xffff;
	[tilespmem:s7+$0xFFFFFFB0] =	vst v55  }
0x134: {  	v23 =	vor.u32 v4, v23;
	[tilespmem:s6+$0x40] =	vst v37;
	v27 =	vor.u32 v42, v27;
	v25 =	vld.idx.msk [tilespmem:v25+s22+$0x0], $0xffff  }
0x135: {  	[tilespmem:s5+$0xFFFFFFC0] =	vst v34;
	v57 =	vld.idx.msk [tilespmem:v35+s22+$0x0], $0xffff;
	v27 =	vor.u32 v4, v27  }
0x136: {  	[tilespmem:s4+$0xFFFFFFE0] =	vst v26;
	v56 =	vld.idx.msk [tilespmem:v36+s22+$0x0], $0xffff  }
0x137: {  	v16 =	vld.idx.msk [tilespmem:v16+s22+$0x0], $0xffff;
	[tilespmem:s6+$0xFFFFFFC0] =	vst v19  }
0x138: {  	v19 =	vld.idx.msk [tilespmem:v20+s22+$0x0], $0xffff;
	[tilespmem:s7+$0x40] =	vst v21  }
0x139: {  	v20 =	vadd.s32 v3, v41;
	v21 =	vor.u32 v2, v32;
	v23 =	vld.idx.msk [tilespmem:v23+s22+$0x0], $0xffff;
	[tilespmem:s7+$0xFFFFFFC0] =	vst v25  }
0x13a: {  	[tilespmem:s6+$0x50] =	vst v57;
	v20 =	vor.u32 v42, v20;
	v25 =	vor.u32 v2, v30;
	v26 =	vld.idx.msk [tilespmem:v27+s22+$0x0], $0xffff  }
0x13b: {  	[tilespmem:s5+$0xFFFFFFD0] =	vst v56;
	v24 =	vld.idx.msk [tilespmem:v24+s22+$0x0], $0xffff;
	v20 =	vor.u32 v2, v20  }
0x13c: {  	v17 =	vor.u32 v0, v17;
	[tilespmem:s4+$0xFFFFFFF0] =	vst v16  }
0x13d: {  	[tilespmem:s6+$0xFFFFFFD0] =	vst v19;
	v27 =	vld.idx.msk [tilespmem:v28+s22+$0x0], $0xffff  }
0x13e: {  	v19 =	vld.idx.msk [tilespmem:v21+s22+$0x0], $0xffff;
	[tilespmem:s7+$0x50] =	vst v23  }
0x13f: {  	v21 =	vadd.s32 v1, v41;
	v23 =	vld.idx.msk [tilespmem:v25+s22+$0x0], $0xffff;
	[tilespmem:s7+$0xFFFFFFD0] =	vst v26  }
0x140: {  	[tilespmem:s6+$0x60] =	vst v24;
	v16 =	vor.u32 v42, v21;
	v21 =	vor.u32 v0, v31;
	v20 =	vld.idx.msk [tilespmem:v20+s22+$0x0], $0xffff  }
0x141: {  	v17 =	vld.idx.msk [tilespmem:v17+s22+$0x0], $0xffff;
	v16 =	vor.u32 v0, v16  }
0x142: {  	v25 =	vld.idx.msk [tilespmem:v29+s22+$0x0], $0xffff;
	[tilespmem:s5+$0xFFFFFFE0] =	vst v27  }
0x143: {  	[tilespmem:s6+$0xFFFFFFE0] =	vst v19;
	v18 =	vld.idx.msk [tilespmem:v18+s22+$0x0], $0xffff  }
0x144: {  	v19 =	vld.idx.msk [tilespmem:v22+s22+$0x0], $0xffff;
	[tilespmem:s7+$0x60] =	vst v23  }
0x145: {  	v21 =	vld.idx.msk [tilespmem:v21+s22+$0x0], $0xffff;
	[tilespmem:s7+$0xFFFFFFE0] =	vst v20  }
0x146: {  	[tilespmem:s6+$0x70] =	vst v17;
	v16 =	vld.idx.msk [tilespmem:v16+s22+$0x0], $0xffff  }
0x147: {  	[tilespmem:s5+$0x70] =	vst v25  }
0x148: {  	[tilespmem:s5+$0xFFFFFFF0] =	vst v18;
	s5 =	simm.s32 $0x1  }
0x149: {  	[tilespmem:s6+$0xFFFFFFF0] =	vst v19;
	v17 =	vmov s5  }
0x14a: {  	v18 =	vshll.u32 v17, $0x9;
	[tilespmem:s7+$0x70] =	vst v21  }
0x14b: {  	v17 =	vshll.u32 v17, $0x7;
	v18 =	vand.u32 $0x7000, v18;
	[tilespmem:s7+$0xFFFFFFF0] =	vst v16  }
0x14c: {  	s8 =	simm.s32 $0x0;
	v17 =	vand.u32 $0x380, v17;
	v16 =	vadd.s32 v11, v18;
	s9 =	rddreg [dreg:$0x9]  }
0x14d: {  	v16 =	vor.u32 v17, v16;
	[hbm4b:s9+s8] =	stream.linear.scatter [tilespmem:s29], [sflag:$0x5], $0x2000, $0x38;
	[tilespmem:$0x1E080] =	vst v63  }
0x14e: {  	s10 =	rddreg [dreg:$0xa];
	v16 =	vor.u32 v7, v16  }
0x14f: {  	[tilespmem:s22], [sflag:$0x2] =	stream.linear.gather [hbm4b:s10+s8], $0x8000, $0x38;
	[tilespmem:$0x1E080] =	vst v63  }
0x150: {  	_ =	swait.ge [sflag:s30], $0x8000  }
0x151: {  	[sflag:s30] =	ssyncset.done $0x0  }
0x152: {  	v25 =	vmov s8;
	v19 =	vadd.s32 v15, v18;
	v20 =	vadd.s32 v13, v18;
	[sflag:s30] =	ssyncadd.s32 $0xFFFF8000  }
0x153: {  	v21 =	vadd.s32 v14, v18;
	v22 =	vadd.s32 v12, v18;
	v20 =	vor.u32 v17, v20;
	v16 =	vld.idx.msk [tilespmem:v16+s23+$0x0], $0xffff  }
0x154: {  	v23 =	vadd.s32 v6, v18;
	v24 =	vadd.s32 v3, v18;
	v20 =	vor.u32 v8, v20  }
0x155: {  	v19 =	vor.u32 v17, v19;
	v21 =	vor.u32 v17, v21;
	v22 =	vor.u32 v17, v22  }
0x156: {  	v23 =	vor.u32 v17, v23;
	v24 =	vor.u32 v17, v24;
	v19 =	vor.u32 v9, v19  }
0x157: {  	s4 =	simm.s32 $0x1C100;
	v18 =	vadd.s32 v1, v18;
	v21 =	vor.u32 v10, v21;
	v24 =	vor.u32 v2, v24  }
0x158: {  	s6 =	simm.s32 $0x3;
	v23 =	vor.u32 v4, v23;
	v17 =	vor.u32 v17, v18;
	v18 =	vshll.u32 v25, $0x7;
	[tilespmem:s4+$0x0] =	vst v16  }
0x159: {  	v18 =	vand.u32 $0x300, v18;
	v16 =	vshll.u32 v25, $0x9;
	v25 =	vmov s6;
	v20 =	vld.idx.msk [tilespmem:v20+s23+$0x0], $0xffff  }
0x15a: {  	v16 =	vand.u32 $0x7000, v16;
	v28 =	vshll.u32 v25, $0x9;
	v25 =	vshll.u32 v25, $0x7  }
0x15b: {  	v26 =	vadd.s32 v11, v16;
	v27 =	vadd.s32 v13, v16;
	v29 =	vadd.s32 v15, v16  }
0x15c: {  	v28 =	vand.u32 $0x7000, v28;
	v25 =	vand.u32 $0x380, v25;
	v26 =	vor.u32 v18, v26  }
0x15d: {  	v58 =	vadd.s32 v14, v16;
	v60 =	vadd.s32 v12, v16;
	v26 =	vor.u32 v7, v26  }
0x15e: {  	v62 =	vadd.s32 v6, v16;
	v49 =	vadd.s32 v3, v16;
	[tilespmem:s4+$0x10] =	vst v20;
	v20 =	vadd.s32 v11, v28  }
0x15f: {  	v16 =	vadd.s32 v1, v16;
	v29 =	vor.u32 v18, v29;
	v20 =	vor.u32 v25, v20  }
0x160: {  	v30 =	vadd.s32 v15, v28;
	v31 =	vadd.s32 v14, v28;
	v19 =	vld.idx.msk [tilespmem:v19+s23+$0x0], $0xffff;
	v20 =	vor.u32 v7, v20  }
0x161: {  	v59 =	vadd.s32 v13, v28;
	v32 =	vor.u32 v18, v58;
	v34 =	vor.u32 v18, v60  }
0x162: {  	v27 =	vor.u32 v18, v27;
	v61 =	vadd.s32 v12, v28;
	v63 =	vor.u32 v18, v62;
	v26 =	vld.idx.msk [tilespmem:v26+s23+$0x0], $0xffff  }
0x163: {  	v47 =	vadd.s32 v6, v28;
	v48 =	vadd.s32 v3, v28;
	v27 =	vor.u32 v8, v27  }
0x164: {  	v38 =	vor.u32 v18, v49;
	v16 =	vor.u32 v18, v16;
	v33 =	vor.u32 v25, v59  }
0x165: {  	v30 =	vor.u32 v25, v30;
	v31 =	vor.u32 v25, v31;
	[tilespmem:s4+$0x20] =	vst v19;
	v20 =	vld.idx.msk [tilespmem:v20+s23+$0x0], $0xffff  }
0x166: {  	v36 =	vor.u32 v25, v47;
	v37 =	vor.u32 v25, v48;
	v16 =	vor.u32 v0, v16;
	v21 =	vld.idx.msk [tilespmem:v21+s23+$0x0], $0xffff  }
0x167: {  	v33 =	vor.u32 v8, v33;
	v30 =	vor.u32 v9, v30;
	v19 =	vor.u32 v25, v61;
	[tilespmem:s4+$0xFFFFFF80] =	vst v26  }
0x168: {  	s7 =	simm.s32 $0x2;
	s8 =	simm.s32 $0x5;
	v19 =	vor.u32 v5, v19;
	v26 =	vor.u32 v5, v22;
	v22 =	vadd.s32 v1, v28;
	v18 =	vld.idx.msk [tilespmem:v27+s23+$0x0], $0xffff  }
0x169: {  	s5 =	simm.s32 $0x1C200;
	v28 =	vor.u32 v10, v31;
	v31 =	vmov s8;
	v27 =	vmov s7  }
0x16a: {  	v22 =	vor.u32 v25, v22;
	[tilespmem:s5+$0x0] =	vst v20;
	v20 =	vshll.u32 v27, $0x9;
	v27 =	vshll.u32 v27, $0x7  }
0x16b: {  	v25 =	vor.u32 v9, v29;
	[tilespmem:s4+$0x30] =	vst v21;
	v20 =	vand.u32 $0x7000, v20;
	v21 =	vand.u32 $0x300, v27  }
0x16c: {  	v27 =	vor.u32 v10, v32;
	v50 =	vadd.s32 v11, v20;
	v51 =	vadd.s32 v13, v20  }
0x16d: {  	[tilespmem:s4+$0xFFFFFF90] =	vst v18;
	v18 =	vshll.u32 v31, $0x9;
	v52 =	vadd.s32 v15, v20;
	v31 =	vshll.u32 v31, $0x7  }
0x16e: {  	v29 =	vld.idx.msk [tilespmem:v33+s23+$0x0], $0xffff;
	v56 =	vadd.s32 v12, v20;
	v58 =	vadd.s32 v6, v20;
	v61 =	vadd.s32 v3, v20  }
0x16f: {  	v26 =	vld.idx.msk [tilespmem:v26+s23+$0x0], $0xffff;
	v32 =	vor.u32 v21, v50;
	v18 =	vand.u32 $0x7000, v18;
	v39 =	vor.u32 v21, v52  }
0x170: {  	v31 =	vand.u32 $0x380, v31;
	v41 =	vor.u32 v21, v56;
	v33 =	vor.u32 v21, v51  }
0x171: {  	v43 =	vor.u32 v21, v58;
	v45 =	vor.u32 v21, v61;
	v32 =	vor.u32 v7, v32  }
0x172: {  	v25 =	vld.idx.msk [tilespmem:v25+s23+$0x0], $0xffff;
	v53 =	vadd.s32 v11, v18;
	v54 =	vadd.s32 v15, v18;
	v55 =	vadd.s32 v14, v18  }
0x173: {  	v57 =	vadd.s32 v12, v18;
	v33 =	vor.u32 v8, v33;
	v40 =	vor.u32 v31, v53;
	[tilespmem:s5+$0x10] =	vst v29  }
0x174: {  	v60 =	vadd.s32 v3, v18;
	[tilespmem:s4+$0x40] =	vst v26;
	v40 =	vor.u32 v7, v40;
	v30 =	vld.idx.msk [tilespmem:v30+s23+$0x0], $0xffff  }
0x175: {  	v41 =	vor.u32 v5, v41;
	v42 =	vor.u32 v31, v55;
	v44 =	vor.u32 v31, v60;
	v23 =	vld.idx.msk [tilespmem:v23+s23+$0x0], $0xffff  }
0x176: {  	v29 =	vadd.s32 v14, v20;
	v26 =	vadd.s32 v13, v18;
	v20 =	vadd.s32 v1, v20  }
0x177: {  	v29 =	vor.u32 v21, v29;
	v26 =	vor.u32 v31, v26;
	[tilespmem:s4+$0xFFFFFFA0] =	vst v25;
	v32 =	vld.idx.msk [tilespmem:v32+s23+$0x0], $0xffff  }
0x178: {  	v25 =	vor.u32 v8, v26;
	v26 =	vor.u32 v31, v54;
	v29 =	vor.u32 v10, v29;
	v27 =	vld.idx.msk [tilespmem:v27+s23+$0x0], $0xffff  }
0x179: {  	v26 =	vor.u32 v9, v26;
	v59 =	vld.idx.msk [tilespmem:v40+s23+$0x0], $0xffff;
	v40 =	vor.u32 v31, v57;
	[tilespmem:s5+$0x20] =	vst v30  }
0x17a: {  	v30 =	vor.u32 v5, v34;
	[tilespmem:s4+$0x50] =	vst v23;
	v23 =	vadd.s32 v6, v18;
	v18 =	vadd.s32 v1, v18  }
0x17b: {  	v34 =	vor.u32 v2, v38;
	v51 =	vor.u32 v5, v40;
	v28 =	vld.idx.msk [tilespmem:v28+s23+$0x0], $0xffff;
	v46 =	vor.u32 v31, v23  }
0x17c: {  	v23 =	vld.idx.msk [tilespmem:v24+s23+$0x0], $0xffff;
	v24 =	vor.u32 v0, v17;
	v17 =	vor.u32 v31, v18;
	[tilespmem:s5+$0xFFFFFF80] =	vst v32  }
0x17d: {  	s9 =	simm.s32 $0x4;
	v31 =	vor.u32 v9, v39;
	v18 =	vor.u32 v21, v20;
	v20 =	vor.u32 v4, v63;
	v32 =	vld.idx.msk [tilespmem:v33+s23+$0x0], $0xffff  }
0x17e: {  	s6 =	simm.s32 $0x1C300;
	[tilespmem:s4+$0xFFFFFFB0] =	vst v27;
	v18 =	vor.u32 v0, v18;
	v27 =	vmov s9;
	v35 =	vor.u32 v4, v46  }
0x17f: {  	v33 =	vor.u32 v2, v37;
	v62 =	vshll.u32 v27, $0x9;
	v27 =	vshll.u32 v27, $0x7;
	[tilespmem:s6+$0x0] =	vst v59;
	v21 =	vld.idx.msk [tilespmem:v30+s23+$0x0], $0xffff  }
0x180: {  	v30 =	vor.u32 v4, v36;
	v25 =	vld.idx.msk [tilespmem:v25+s23+$0x0], $0xffff;
	v36 =	vor.u32 v10, v42;
	[tilespmem:s5+$0x30] =	vst v28;
	v28 =	vand.u32 $0x7000, v62  }
0x181: {  	s10 =	simm.s32 $0x7;
	v63 =	vand.u32 $0x300, v27;
	[tilespmem:s4+$0x60] =	vst v23;
	v19 =	vld.idx.msk [tilespmem:v19+s23+$0x0], $0xffff;
	v52 =	vadd.s32 v11, v28;
	v53 =	vadd.s32 v13, v28  }
0x182: {  	v27 =	vmov s10;
	v54 =	vadd.s32 v15, v28;
	v24 =	vld.idx.msk [tilespmem:v24+s23+$0x0], $0xffff;
	v62 =	vadd.s32 v3, v28;
	[tilespmem:s5+$0xFFFFFF90] =	vst v32  }
0x183: {  	v32 =	vor.u32 v63, v52;
	v55 =	vor.u32 v63, v54;
	v23 =	vld.idx.msk [tilespmem:v31+s23+$0x0], $0xffff;
	v31 =	vshll.u32 v27, $0x9  }
0x184: {  	v27 =	vshll.u32 v27, $0x7;
	v39 =	vor.u32 v9, v55;
	[tilespmem:s4+$0xFFFFFFC0] =	vst v21;
	v31 =	vand.u32 $0x7000, v31  }
0x185: {  	v21 =	vor.u32 v7, v32;
	[tilespmem:s6+$0x10] =	vst v25;
	v58 =	vand.u32 $0x380, v27;
	v27 =	vadd.s32 v14, v28  }
0x186: {  	v32 =	vor.u32 v63, v62;
	v20 =	vld.idx.msk [tilespmem:v20+s23+$0x0], $0xffff;
	v56 =	vadd.s32 v15, v31;
	v57 =	vadd.s32 v14, v31  }
0x187: {  	v25 =	vadd.s32 v11, v31;
	v26 =	vld.idx.msk [tilespmem:v26+s23+$0x0], $0xffff;
	v27 =	vor.u32 v63, v27;
	[tilespmem:s5+$0x40] =	vst v19  }
0x188: {  	v19 =	vor.u32 v58, v25;
	v25 =	vadd.s32 v13, v31;
	v60 =	vor.u32 v58, v57;
	[tilespmem:s4+$0x70] =	vst v24  }
0x189: {  	v24 =	vor.u32 v2, v44;
	v30 =	vld.idx.msk [tilespmem:v30+s23+$0x0], $0xffff;
	v47 =	vor.u32 v7, v19;
	v19 =	vor.u32 v58, v25  }
0x18a: {  	v25 =	vadd.s32 v12, v28;
	[tilespmem:s5+$0xFFFFFFA0] =	vst v23;
	v48 =	vor.u32 v8, v19;
	v59 =	vld.idx.msk [tilespmem:v21+s23+$0x0], $0xffff  }
0x18b: {  	v23 =	vor.u32 v58, v56;
	v21 =	vor.u32 v63, v53;
	v29 =	vld.idx.msk [tilespmem:v29+s23+$0x0], $0xffff;
	[tilespmem:s4+$0xFFFFFFD0] =	vst v20  }
0x18c: {  	v19 =	vor.u32 v63, v25;
	v61 =	vor.u32 v8, v21;
	[tilespmem:s6+$0x20] =	vst v26;
	v26 =	vld.idx.msk [tilespmem:v34+s23+$0x0], $0xffff  }
0x18d: {  	v25 =	vor.u32 v9, v23;
	v23 =	vadd.s32 v6, v28;
	v20 =	vadd.s32 v12, v31;
	v49 =	vld.idx.msk [tilespmem:v36+s23+$0x0], $0xffff  }
0x18e: {  	v28 =	vadd.s32 v1, v28;
	v21 =	vor.u32 v58, v20;
	v47 =	vld.idx.msk [tilespmem:v47+s23+$0x0], $0xffff;
	[tilespmem:s5+$0x50] =	vst v30  }
0x18f: {  	v20 =	vor.u32 v63, v23;
	v23 =	vadd.s32 v6, v31;
	v36 =	vor.u32 v4, v43;
	v50 =	vld.idx.msk [tilespmem:v33+s23+$0x0], $0xffff  }
0x190: {  	v30 =	vadd.s32 v3, v31;
	v23 =	vor.u32 v58, v23;
	v31 =	vadd.s32 v1, v31;
	[tilespmem:s6+$0xFFFFFF80] =	vst v59  }
0x191: {  	v30 =	vor.u32 v58, v30;
	v31 =	vor.u32 v58, v31;
	[tilespmem:s5+$0xFFFFFFB0] =	vst v29;
	v38 =	vld.idx.msk [tilespmem:v61+s23+$0x0], $0xffff  }
0x192: {  	s8 =	simm.s32 $0x6;
	s7 =	simm.s32 $0x1C400;
	v33 =	vor.u32 v10, v60;
	v29 =	vor.u32 v0, v22;
	v34 =	vld.idx.msk [tilespmem:v41+s23+$0x0], $0xffff;
	[tilespmem:s6+$0x30] =	vst v49  }
0x193: {  	v22 =	vor.u32 v63, v28;
	v63 =	vmov s8;
	v28 =	vor.u32 v2, v45;
	[tilespmem:s7+$0x0] =	vst v47;
	v37 =	vld.idx.msk [tilespmem:v51+s23+$0x0], $0xffff  }
0x194: {  	s8 =	simm.s32 $0x8;
	v22 =	vor.u32 v0, v22;
	v41 =	vshll.u32 v63, $0x9;
	v42 =	vshll.u32 v63, $0x7;
	v40 =	vld.idx.msk [tilespmem:v48+s23+$0x0], $0xffff;
	[tilespmem:s5+$0x60] =	vst v50  }
.LBB2_6:
0x195: {  	s10 =	sadd.s32 $0x1, s8;
	v41 =	vand.u32 $0x7000, v41;
	v42 =	vand.u32 $0x300, v42  }
0x196: {  	p0 =	slt.u32 s8, $0x3E;
	[tilespmem:s6+$0xFFFFFF90] =	vst v38;
	v38 =	vor.u32 v10, v27;
	v43 =	vmovc v32;
	v44 =	vmovc v30;
	v45 =	vmov v17;
	v17 =	vmov v31;
	s9 =	smov.u32 s8;
	s8 =	sadd.s32 $0x2, s8  }
0x197: {  	v27 =	vmov s10;
	v30 =	vadd.s32 v11, v41;
	v31 =	vadd.s32 v13, v41;
	v32 =	vld.idx.msk [tilespmem:v39+s23+$0x0], $0xffff;
	[tilespmem:s5+$0xFFFFFFC0] =	vst v34  }
0x198: {  	v39 =	vadd.s32 v15, v41;
	v34 =	vshll.u32 v27, $0x9;
	v30 =	vor.u32 v42, v30;
	v46 =	vld.idx.msk [tilespmem:v29+s23+$0x0], $0xffff;
	[tilespmem:s4+$0xFFFFFFE0] =	vst v26  }
0x199: {  	v39 =	vor.u32 v42, v39;
	v29 =	vand.u32 $0x7000, v34;
	v26 =	vor.u32 v7, v30;
	v30 =	vld.idx.msk [tilespmem:v36+s23+$0x0], $0xffff  }
0x19a: {  	v27 =	vshll.u32 v27, $0x7;
	v34 =	vadd.s32 v15, v29;
	v36 =	vadd.s32 v14, v29;
	[tilespmem:s7+$0x10] =	vst v40;
	v40 =	vld.idx.msk [tilespmem:v16+s23+$0x0], $0xffff  }
0x19b: {  	v47 =	vand.u32 $0x380, v27;
	v27 =	vadd.s32 v14, v41;
	v16 =	vadd.s32 v11, v29;
	v48 =	vld.idx.msk [tilespmem:v25+s23+$0x0], $0xffff;
	[tilespmem:s6+$0x40] =	vst v37  }
0x19c: {  	v27 =	vor.u32 v42, v27;
	v16 =	vor.u32 v47, v16;
	v25 =	vadd.s32 v13, v29;
	v35 =	vld.idx.msk [tilespmem:v35+s23+$0x0], $0xffff  }
0x19d: {  	v37 =	vor.u32 v7, v16;
	v51 =	vor.u32 v47, v25;
	v25 =	vadd.s32 v12, v41;
	[tilespmem:s6+$0xFFFFFFA0] =	vst v32  }
0x19e: {  	v50 =	vor.u32 v47, v34;
	v49 =	vor.u32 v8, v51;
	v34 =	vor.u32 v42, v25;
	v32 =	vld.idx.msk [tilespmem:v26+s23+$0x0], $0xffff  }
0x19f: {  	v25 =	vor.u32 v9, v50;
	v26 =	vor.u32 v42, v31;
	v16 =	vmov v18;
	v31 =	vld.idx.msk [tilespmem:v38+s23+$0x0], $0xffff;
	[tilespmem:s5+$0xFFFFFFD0] =	vst v30  }
0x1a0: {  	v50 =	vor.u32 v47, v36;
	v38 =	vadd.s32 v12, v29;
	v36 =	vor.u32 v8, v26;
	[tilespmem:s4+$0xFFFFFFF0] =	vst v40;
	s4 =	smov.u32 s5;
	s5 =	smov.u32 s6;
	s6 =	smov.u32 s7  }
0x1a1: {  	v30 =	vadd.s32 v6, v41;
	v40 =	vor.u32 v5, v19;
	v19 =	vmov v34;
	[tilespmem:s7+$0x20] =	vst v48;
	v26 =	vld.idx.msk [tilespmem:v28+s23+$0x0], $0xffff  }
0x1a2: {  	v18 =	vmov v22;
	v34 =	vor.u32 v47, v38;
	v28 =	vld.idx.msk [tilespmem:v37+s23+$0x0], $0xffff;
	v37 =	vor.u32 v42, v30;
	[tilespmem:s5+$0x50] =	vst v35  }
0x1a3: {  	v22 =	vadd.s32 v6, v29;
	v30 =	vadd.s32 v3, v29;
	v35 =	vadd.s32 v3, v41;
	v33 =	vld.idx.msk [tilespmem:v33+s23+$0x0], $0xffff  }
0x1a4: {  	v48 =	vor.u32 v47, v22;
	[tilespmem:s7+$0xFFFFFF80] =	vst v32;
	v32 =	vor.u32 v42, v35;
	v51 =	vld.idx.msk [tilespmem:v24+s23+$0x0], $0xffff  }
0x1a5: {  	v52 =	vor.u32 v5, v21;
	v21 =	vmov v34;
	v30 =	vor.u32 v47, v30;
	v38 =	vld.idx.msk [tilespmem:v36+s23+$0x0], $0xffff;
	[tilespmem:s5+$0xFFFFFFB0] =	vst v31  }
.Ltmp2:
0x1a6: {  	v22 =	vadd.s32 v1, v29;
	v29 =	vor.u32 v0, v45;
	v24 =	vadd.s32 v1, v41;
	v34 =	vld.idx.msk [tilespmem:v40+s23+$0x0], $0xffff;
	(pc) =	sbr.rel @p0 .LBB2_6-.Ltmp2, $4  }
0x1a7: {  	v39 =	vor.u32 v9, v39;
	s7 =	sadd.s32 $0x100, s7;
	v31 =	vor.u32 v47, v22;
	v22 =	vor.u32 v42, v24;
	[tilespmem:s4+$0x70] =	vst v46  }
0x1a8: {  	v24 =	vor.u32 v2, v44;
	v36 =	vor.u32 v4, v20;
	v22 =	vor.u32 v0, v22;
	[tilespmem:s7+$0x0] =	vst v28  }
0x1a9: {  	v35 =	vor.u32 v4, v23;
	v42 =	vmov s9;
	v20 =	vmovc v37;
	v28 =	vor.u32 v2, v43;
	v40 =	vld.idx.msk [tilespmem:v49+s23+$0x0], $0xffff;
	[tilespmem:s6+$0x30] =	vst v33  }
0x1aa: {  	v23 =	vmovc v48;
	v41 =	vshll.u32 v42, $0x9;
	v42 =	vshll.u32 v42, $0x7;
	v33 =	vor.u32 v10, v50;
	v37 =	vld.idx.msk [tilespmem:v52+s23+$0x0], $0xffff;
	[tilespmem:s5+$0x60] =	vst v51  }
0x1ab: {  	v41 =	vand.u32 $0x7000, v41  }
0x1ac: {  	v42 =	vand.u32 $0x300, v42;
	v43 =	vadd.s32 v11, v41  }
0x1ad: {  	v43 =	vor.u32 v42, v43  }
0x1ae: {  	v43 =	vor.u32 v7, v43;
	_ =	sdelay $0x3  }
0x1af: {  	v44 =	vadd.s32 v13, v41  }
0x1b0: {  	v44 =	vor.u32 v42, v44;
	v43 =	vld.idx.msk [tilespmem:v43+s23+$0x0], $0xffff  }
0x1b1: {  	v44 =	vor.u32 v8, v44;
	_ =	sdelay $0x3  }
0x1b2: {  	v45 =	vadd.s32 v15, v41;
	[tilespmem:s7+$0xFFFFFF80] =	vst v43  }
0x1b3: {  	v52 =	vor.u32 v42, v45;
	v44 =	vld.idx.msk [tilespmem:v44+s23+$0x0], $0xffff  }
0x1b4: {  	[tilespmem:s6+$0xFFFFFF90] =	vst v38;
	v43 =	vor.u32 v9, v52  }
0x1b5: {  	v38 =	vld.idx.msk [tilespmem:v39+s23+$0x0], $0xffff  }
0x1b6: {  	v27 =	vor.u32 v10, v27;
	[tilespmem:s7+$0x10] =	vst v40  }
0x1b7: {  	v25 =	vld.idx.msk [tilespmem:v25+s23+$0x0], $0xffff  }
0x1b8: {  	v53 =	vadd.s32 v14, v41;
	[tilespmem:s7+$0xFFFFFF90] =	vst v44  }
0x1b9: {  	v39 =	vor.u32 v42, v53;
	v54 =	vld.idx.msk [tilespmem:v43+s23+$0x0], $0xffff  }
0x1ba: {  	v39 =	vor.u32 v10, v39;
	[tilespmem:s6+$0xFFFFFFA0] =	vst v38  }
0x1bb: {  	v27 =	vld.idx.msk [tilespmem:v27+s23+$0x0], $0xffff  }
0x1bc: {  	v19 =	vor.u32 v5, v19;
	[tilespmem:s7+$0x20] =	vst v25  }
0x1bd: {  	v33 =	vld.idx.msk [tilespmem:v33+s23+$0x0], $0xffff  }
0x1be: {  	v21 =	vor.u32 v5, v21;
	v25 =	vadd.s32 v12, v41;
	[tilespmem:s7+$0xFFFFFFA0] =	vst v54  }
0x1bf: {  	v25 =	vor.u32 v42, v25;
	v55 =	vld.idx.msk [tilespmem:v39+s23+$0x0], $0xffff  }
0x1c0: {  	v25 =	vor.u32 v5, v25;
	[tilespmem:s6+$0xFFFFFFB0] =	vst v27  }
0x1c1: {  	v19 =	vld.idx.msk [tilespmem:v19+s23+$0x0], $0xffff  }
0x1c2: {  	v20 =	vor.u32 v4, v20;
	[tilespmem:s7+$0x30] =	vst v33  }
0x1c3: {  	[tilespmem:s5+$0xFFFFFFC0] =	vst v34;
	v21 =	vld.idx.msk [tilespmem:v21+s23+$0x0], $0xffff  }
0x1c4: {  	v27 =	vadd.s32 v6, v41;
	[tilespmem:s7+$0xFFFFFFB0] =	vst v55  }
0x1c5: {  	v23 =	vor.u32 v4, v23;
	[tilespmem:s6+$0x40] =	vst v37;
	v27 =	vor.u32 v42, v27;
	v25 =	vld.idx.msk [tilespmem:v25+s23+$0x0], $0xffff  }
0x1c6: {  	v57 =	vld.idx.msk [tilespmem:v35+s23+$0x0], $0xffff;
	v27 =	vor.u32 v4, v27;
	[tilespmem:s6+$0xFFFFFFC0] =	vst v19  }
0x1c7: {  	[tilespmem:s4+$0xFFFFFFE0] =	vst v26;
	v19 =	vld.idx.msk [tilespmem:v20+s23+$0x0], $0xffff  }
0x1c8: {  	v56 =	vld.idx.msk [tilespmem:v36+s23+$0x0], $0xffff;
	[tilespmem:s7+$0x40] =	vst v21;
	v21 =	vor.u32 v2, v32  }
0x1c9: {  	v16 =	vld.idx.msk [tilespmem:v16+s23+$0x0], $0xffff  }
0x1ca: {  	v20 =	vadd.s32 v3, v41;
	v23 =	vld.idx.msk [tilespmem:v23+s23+$0x0], $0xffff;
	[tilespmem:s7+$0xFFFFFFC0] =	vst v25  }
0x1cb: {  	[tilespmem:s6+$0x50] =	vst v57;
	v20 =	vor.u32 v42, v20;
	v25 =	vor.u32 v2, v30;
	v26 =	vld.idx.msk [tilespmem:v27+s23+$0x0], $0xffff  }
0x1cc: {  	v24 =	vld.idx.msk [tilespmem:v24+s23+$0x0], $0xffff;
	v20 =	vor.u32 v2, v20;
	[tilespmem:s6+$0xFFFFFFD0] =	vst v19  }
0x1cd: {  	v17 =	vor.u32 v0, v17;
	[tilespmem:s5+$0xFFFFFFD0] =	vst v56;
	v19 =	vld.idx.msk [tilespmem:v21+s23+$0x0], $0xffff  }
0x1ce: {  	[tilespmem:s4+$0xFFFFFFF0] =	vst v16  }
0x1cf: {  	[tilespmem:s7+$0x50] =	vst v23;
	v27 =	vld.idx.msk [tilespmem:v28+s23+$0x0], $0xffff  }
0x1d0: {  	v21 =	vadd.s32 v1, v41;
	v23 =	vld.idx.msk [tilespmem:v25+s23+$0x0], $0xffff;
	[tilespmem:s7+$0xFFFFFFD0] =	vst v26  }
0x1d1: {  	[tilespmem:s6+$0x60] =	vst v24;
	v16 =	vor.u32 v42, v21;
	v21 =	vor.u32 v0, v31;
	v20 =	vld.idx.msk [tilespmem:v20+s23+$0x0], $0xffff  }
0x1d2: {  	v17 =	vld.idx.msk [tilespmem:v17+s23+$0x0], $0xffff;
	v16 =	vor.u32 v0, v16;
	[tilespmem:s6+$0xFFFFFFE0] =	vst v19  }
0x1d3: {  	v19 =	vld.idx.msk [tilespmem:v22+s23+$0x0], $0xffff  }
0x1d4: {  	v25 =	vld.idx.msk [tilespmem:v29+s23+$0x0], $0xffff;
	[tilespmem:s5+$0xFFFFFFE0] =	vst v27  }
0x1d5: {  	v18 =	vld.idx.msk [tilespmem:v18+s23+$0x0], $0xffff;
	[tilespmem:s7+$0x60] =	vst v23  }
0x1d6: {  	v21 =	vld.idx.msk [tilespmem:v21+s23+$0x0], $0xffff;
	[tilespmem:s7+$0xFFFFFFE0] =	vst v20  }
0x1d7: {  	[tilespmem:s6+$0x70] =	vst v17;
	v16 =	vld.idx.msk [tilespmem:v16+s23+$0x0], $0xffff  }
0x1d8: {  	[tilespmem:s6+$0xFFFFFFF0] =	vst v19  }
0x1d9: {  	[tilespmem:s5+$0x70] =	vst v25  }
0x1da: {  	[tilespmem:s5+$0xFFFFFFF0] =	vst v18  }
0x1db: {  	s8 =	simm.s32 $0x1;
	[tilespmem:s7+$0x70] =	vst v21  }
0x1dc: {  	s9 =	simm.s32 $0x0;
	s10 =	simm.s32 $0x1C080;
	[tilespmem:s7+$0xFFFFFFF0] =	vst v16;
	v16 =	vmov s8  }
0x1dd: {  	[hbm4b:s11+s9] =	stream.linear.scatter [tilespmem:s10], [sflag:$0x6], $0x2000, $0x38;
	v17 =	vshll.u32 v16, $0x9;
	[tilespmem:$0x1E080] =	vst v63  }
0x1de: {  	v16 =	vshll.u32 v16, $0x7;
	v17 =	vand.u32 $0x7000, v17  }
0x1df: {  	v16 =	vand.u32 $0x380, v16;
	[tilespmem:s23], [sflag:$0x3] =	stream.linear.gather [hbm4b:s12+s9], $0x8000, $0x38;
	v18 =	vadd.s32 v11, v17;
	[tilespmem:$0x1E080] =	vst v63  }
0x1e0: {  	_ =	swait.ge [sflag:s25], $0x8000;
	v18 =	vor.u32 v16, v18  }
0x1e1: {  	[sflag:s25] =	ssyncset.done $0x0;
	v18 =	vor.u32 v7, v18  }
0x1e2: {  	[sflag:s25] =	ssyncadd.s32 $0xFFFF8000  }
0x1e3: {  	_ =	swait.ge [sflag:s1], $0x2000  }
0x1e4: {  	v25 =	vmov s9;
	v19 =	vadd.s32 v15, v17;
	[sflag:s1] =	ssyncset.done $0x0  }
0x1e5: {  	v20 =	vadd.s32 v13, v17;
	v21 =	vadd.s32 v14, v17;
	v22 =	vadd.s32 v12, v17;
	[sflag:s1] =	ssyncadd.s32 $0xFFFFE000  }
0x1e6: {  	v23 =	vadd.s32 v6, v17;
	v24 =	vadd.s32 v3, v17;
	v20 =	vor.u32 v16, v20;
	v18 =	vld.idx.msk [tilespmem:v18+s21+$0x0], $0xffff  }
0x1e7: {  	v17 =	vadd.s32 v1, v17;
	v19 =	vor.u32 v16, v19;
	v20 =	vor.u32 v8, v20  }
0x1e8: {  	v21 =	vor.u32 v16, v21;
	v22 =	vor.u32 v16, v22;
	v23 =	vor.u32 v16, v23  }
0x1e9: {  	v24 =	vor.u32 v16, v24;
	v17 =	vor.u32 v16, v17;
	v16 =	vshll.u32 v25, $0x9  }
0x1ea: {  	s4 =	simm.s32 $0x18100;
	v19 =	vor.u32 v9, v19;
	v21 =	vor.u32 v10, v21;
	v16 =	vand.u32 $0x7000, v16  }
0x1eb: {  	v24 =	vor.u32 v2, v24;
	v23 =	vor.u32 v4, v23;
	v26 =	vadd.s32 v11, v16;
	[tilespmem:s4+$0x0] =	vst v18  }
0x1ec: {  	v27 =	vadd.s32 v13, v16;
	v29 =	vadd.s32 v15, v16;
	v18 =	vshll.u32 v25, $0x7;
	v20 =	vld.idx.msk [tilespmem:v20+s21+$0x0], $0xffff  }
0x1ed: {  	s6 =	simm.s32 $0x3;
	v58 =	vadd.s32 v14, v16;
	v60 =	vadd.s32 v12, v16;
	v18 =	vand.u32 $0x300, v18  }
0x1ee: {  	v62 =	vadd.s32 v6, v16;
	v25 =	vmov s6;
	v26 =	vor.u32 v18, v26  }
0x1ef: {  	v49 =	vadd.s32 v3, v16;
	v28 =	vshll.u32 v25, $0x9;
	v26 =	vor.u32 v7, v26  }
0x1f0: {  	v16 =	vadd.s32 v1, v16;
	v25 =	vshll.u32 v25, $0x7;
	v28 =	vand.u32 $0x7000, v28  }
0x1f1: {  	v29 =	vor.u32 v18, v29;
	v25 =	vand.u32 $0x380, v25;
	[tilespmem:s4+$0x10] =	vst v20;
	v20 =	vadd.s32 v11, v28  }
0x1f2: {  	v32 =	vor.u32 v18, v58;
	v34 =	vor.u32 v18, v60;
	v20 =	vor.u32 v25, v20  }
0x1f3: {  	v27 =	vor.u32 v18, v27;
	v63 =	vor.u32 v18, v62;
	v19 =	vld.idx.msk [tilespmem:v19+s21+$0x0], $0xffff;
	v20 =	vor.u32 v7, v20  }
0x1f4: {  	v38 =	vor.u32 v18, v49;
	v16 =	vor.u32 v18, v16;
	v30 =	vadd.s32 v15, v28;
	v26 =	vld.idx.msk [tilespmem:v26+s21+$0x0], $0xffff  }
0x1f5: {  	v31 =	vadd.s32 v14, v28;
	v59 =	vadd.s32 v13, v28;
	v27 =	vor.u32 v8, v27  }
0x1f6: {  	v61 =	vadd.s32 v12, v28;
	v47 =	vadd.s32 v6, v28;
	v48 =	vadd.s32 v3, v28  }
0x1f7: {  	v16 =	vor.u32 v0, v16;
	v33 =	vor.u32 v25, v59;
	v30 =	vor.u32 v25, v30  }
0x1f8: {  	v31 =	vor.u32 v25, v31;
	v36 =	vor.u32 v25, v47;
	[tilespmem:s4+$0x20] =	vst v19;
	v20 =	vld.idx.msk [tilespmem:v20+s21+$0x0], $0xffff  }
0x1f9: {  	v37 =	vor.u32 v25, v48;
	v33 =	vor.u32 v8, v33;
	v21 =	vld.idx.msk [tilespmem:v21+s21+$0x0], $0xffff;
	[tilespmem:s4+$0xFFFFFF80] =	vst v26  }
0x1fa: {  	s8 =	simm.s32 $0x5;
	v30 =	vor.u32 v9, v30;
	v19 =	vor.u32 v25, v61;
	v26 =	vor.u32 v5, v22;
	v18 =	vld.idx.msk [tilespmem:v27+s21+$0x0], $0xffff  }
0x1fb: {  	s7 =	simm.s32 $0x2;
	v22 =	vadd.s32 v1, v28;
	v28 =	vor.u32 v10, v31;
	v31 =	vmov s8  }
0x1fc: {  	s5 =	simm.s32 $0x18200;
	v19 =	vor.u32 v5, v19;
	v22 =	vor.u32 v25, v22;
	v27 =	vmov s7  }
0x1fd: {  	v25 =	vor.u32 v9, v29;
	[tilespmem:s5+$0x0] =	vst v20;
	v20 =	vshll.u32 v27, $0x9;
	v27 =	vshll.u32 v27, $0x7  }
0x1fe: {  	[tilespmem:s4+$0x30] =	vst v21;
	v20 =	vand.u32 $0x7000, v20;
	v21 =	vand.u32 $0x300, v27;
	v27 =	vor.u32 v10, v32  }
0x1ff: {  	[tilespmem:s4+$0xFFFFFF90] =	vst v18;
	v18 =	vshll.u32 v31, $0x9;
	v31 =	vshll.u32 v31, $0x7;
	v50 =	vadd.s32 v11, v20  }
0x200: {  	v29 =	vld.idx.msk [tilespmem:v33+s21+$0x0], $0xffff;
	v51 =	vadd.s32 v13, v20;
	v52 =	vadd.s32 v15, v20;
	v18 =	vand.u32 $0x7000, v18  }
0x201: {  	v26 =	vld.idx.msk [tilespmem:v26+s21+$0x0], $0xffff;
	v31 =	vand.u32 $0x380, v31;
	v56 =	vadd.s32 v12, v20;
	v58 =	vadd.s32 v6, v20  }
0x202: {  	v61 =	vadd.s32 v3, v20;
	v32 =	vor.u32 v21, v50;
	v39 =	vor.u32 v21, v52  }
0x203: {  	v25 =	vld.idx.msk [tilespmem:v25+s21+$0x0], $0xffff;
	v53 =	vadd.s32 v11, v18;
	v54 =	vadd.s32 v15, v18;
	v55 =	vadd.s32 v14, v18  }
0x204: {  	v41 =	vor.u32 v21, v56;
	v33 =	vor.u32 v21, v51;
	v57 =	vadd.s32 v12, v18  }
0x205: {  	v43 =	vor.u32 v21, v58;
	v32 =	vor.u32 v7, v32;
	v40 =	vor.u32 v31, v53;
	[tilespmem:s5+$0x10] =	vst v29  }
0x206: {  	v60 =	vadd.s32 v3, v18;
	v40 =	vor.u32 v7, v40;
	[tilespmem:s4+$0x40] =	vst v26;
	v30 =	vld.idx.msk [tilespmem:v30+s21+$0x0], $0xffff  }
0x207: {  	v45 =	vor.u32 v21, v61;
	v42 =	vor.u32 v31, v55;
	v33 =	vor.u32 v8, v33;
	v23 =	vld.idx.msk [tilespmem:v23+s21+$0x0], $0xffff  }
0x208: {  	v44 =	vor.u32 v31, v60;
	v41 =	vor.u32 v5, v41;
	v26 =	vadd.s32 v13, v18;
	[tilespmem:s4+$0xFFFFFFA0] =	vst v25  }
0x209: {  	v29 =	vadd.s32 v14, v20;
	v20 =	vadd.s32 v1, v20;
	v26 =	vor.u32 v31, v26;
	v27 =	vld.idx.msk [tilespmem:v27+s21+$0x0], $0xffff  }
0x20a: {  	v29 =	vor.u32 v21, v29;
	v25 =	vor.u32 v8, v26;
	v26 =	vor.u32 v31, v54;
	v32 =	vld.idx.msk [tilespmem:v32+s21+$0x0], $0xffff  }
0x20b: {  	v29 =	vor.u32 v10, v29;
	v59 =	vld.idx.msk [tilespmem:v40+s21+$0x0], $0xffff;
	v40 =	vor.u32 v31, v57;
	[tilespmem:s5+$0x20] =	vst v30  }
0x20c: {  	v26 =	vor.u32 v9, v26;
	v51 =	vor.u32 v5, v40;
	v30 =	vor.u32 v5, v34;
	[tilespmem:s4+$0x50] =	vst v23  }
0x20d: {  	v23 =	vadd.s32 v6, v18;
	v18 =	vadd.s32 v1, v18;
	v34 =	vor.u32 v2, v38;
	v28 =	vld.idx.msk [tilespmem:v28+s21+$0x0], $0xffff  }
0x20e: {  	v46 =	vor.u32 v31, v23;
	v23 =	vld.idx.msk [tilespmem:v24+s21+$0x0], $0xffff;
	v24 =	vor.u32 v0, v17;
	[tilespmem:s4+$0xFFFFFFB0] =	vst v27  }
0x20f: {  	s9 =	simm.s32 $0x4;
	s6 =	simm.s32 $0x18300;
	v17 =	vor.u32 v31, v18;
	v31 =	vor.u32 v9, v39;
	v18 =	vor.u32 v21, v20;
	[tilespmem:s5+$0xFFFFFF80] =	vst v32  }
0x210: {  	v20 =	vor.u32 v4, v63;
	v27 =	vmov s9;
	v18 =	vor.u32 v0, v18;
	v32 =	vld.idx.msk [tilespmem:v33+s21+$0x0], $0xffff;
	[tilespmem:s6+$0x0] =	vst v59  }
0x211: {  	s10 =	simm.s32 $0x7;
	v62 =	vshll.u32 v27, $0x9;
	v27 =	vshll.u32 v27, $0x7;
	v35 =	vor.u32 v4, v46;
	v25 =	vld.idx.msk [tilespmem:v25+s21+$0x0], $0xffff  }
0x212: {  	v33 =	vor.u32 v2, v37;
	v63 =	vand.u32 $0x300, v27;
	v27 =	vmov s10;
	v21 =	vld.idx.msk [tilespmem:v30+s21+$0x0], $0xffff;
	[tilespmem:s5+$0x30] =	vst v28  }
0x213: {  	v30 =	vor.u32 v4, v36;
	v36 =	vor.u32 v10, v42;
	v28 =	vand.u32 $0x7000, v62;
	[tilespmem:s4+$0x60] =	vst v23;
	v19 =	vld.idx.msk [tilespmem:v19+s21+$0x0], $0xffff  }
0x214: {  	v52 =	vadd.s32 v11, v28;
	v53 =	vadd.s32 v13, v28;
	v54 =	vadd.s32 v15, v28;
	v24 =	vld.idx.msk [tilespmem:v24+s21+$0x0], $0xffff  }
0x215: {  	v62 =	vadd.s32 v3, v28;
	[tilespmem:s5+$0xFFFFFF90] =	vst v32;
	v32 =	vor.u32 v63, v52;
	v55 =	vor.u32 v63, v54  }
0x216: {  	v23 =	vld.idx.msk [tilespmem:v31+s21+$0x0], $0xffff;
	v31 =	vshll.u32 v27, $0x9;
	v27 =	vshll.u32 v27, $0x7;
	[tilespmem:s6+$0x10] =	vst v25;
	v39 =	vor.u32 v9, v55  }
0x217: {  	[tilespmem:s4+$0xFFFFFFC0] =	vst v21;
	v31 =	vand.u32 $0x7000, v31;
	v21 =	vor.u32 v7, v32;
	v58 =	vand.u32 $0x380, v27;
	v26 =	vld.idx.msk [tilespmem:v26+s21+$0x0], $0xffff  }
0x218: {  	v27 =	vadd.s32 v14, v28;
	v32 =	vor.u32 v63, v62;
	v20 =	vld.idx.msk [tilespmem:v20+s21+$0x0], $0xffff;
	v56 =	vadd.s32 v15, v31  }
0x219: {  	v57 =	vadd.s32 v14, v31;
	v25 =	vadd.s32 v11, v31;
	v27 =	vor.u32 v63, v27;
	[tilespmem:s5+$0x40] =	vst v19  }
0x21a: {  	v19 =	vor.u32 v58, v25;
	v25 =	vadd.s32 v13, v31;
	v60 =	vor.u32 v58, v57;
	[tilespmem:s4+$0x70] =	vst v24  }
0x21b: {  	v24 =	vor.u32 v2, v44;
	v30 =	vld.idx.msk [tilespmem:v30+s21+$0x0], $0xffff;
	v47 =	vor.u32 v7, v19;
	v19 =	vor.u32 v58, v25  }
0x21c: {  	v25 =	vadd.s32 v12, v28;
	[tilespmem:s5+$0xFFFFFFA0] =	vst v23;
	v48 =	vor.u32 v8, v19;
	v59 =	vld.idx.msk [tilespmem:v21+s21+$0x0], $0xffff  }
0x21d: {  	v23 =	vor.u32 v58, v56;
	v21 =	vor.u32 v63, v53;
	v29 =	vld.idx.msk [tilespmem:v29+s21+$0x0], $0xffff;
	[tilespmem:s6+$0x20] =	vst v26  }
0x21e: {  	v19 =	vor.u32 v63, v25;
	[tilespmem:s4+$0xFFFFFFD0] =	vst v20;
	v61 =	vor.u32 v8, v21;
	v49 =	vld.idx.msk [tilespmem:v36+s21+$0x0], $0xffff  }
0x21f: {  	v25 =	vor.u32 v9, v23;
	v23 =	vadd.s32 v6, v28;
	v28 =	vadd.s32 v1, v28;
	v26 =	vld.idx.msk [tilespmem:v34+s21+$0x0], $0xffff  }
0x220: {  	v20 =	vadd.s32 v12, v31;
	v36 =	vor.u32 v4, v43;
	v47 =	vld.idx.msk [tilespmem:v47+s21+$0x0], $0xffff;
	[tilespmem:s5+$0x50] =	vst v30  }
0x221: {  	v21 =	vor.u32 v58, v20;
	v20 =	vor.u32 v63, v23;
	v23 =	vadd.s32 v6, v31;
	v50 =	vld.idx.msk [tilespmem:v33+s21+$0x0], $0xffff  }
0x222: {  	v30 =	vadd.s32 v3, v31;
	v23 =	vor.u32 v58, v23;
	v31 =	vadd.s32 v1, v31;
	[tilespmem:s6+$0xFFFFFF80] =	vst v59  }
0x223: {  	v30 =	vor.u32 v58, v30;
	v31 =	vor.u32 v58, v31;
	[tilespmem:s5+$0xFFFFFFB0] =	vst v29;
	v38 =	vld.idx.msk [tilespmem:v61+s21+$0x0], $0xffff  }
0x224: {  	s8 =	simm.s32 $0x6;
	s7 =	simm.s32 $0x18400;
	v33 =	vor.u32 v10, v60;
	v29 =	vor.u32 v0, v22;
	v34 =	vld.idx.msk [tilespmem:v41+s21+$0x0], $0xffff;
	[tilespmem:s6+$0x30] =	vst v49  }
0x225: {  	v22 =	vor.u32 v63, v28;
	v63 =	vmov s8;
	v28 =	vor.u32 v2, v45;
	v37 =	vld.idx.msk [tilespmem:v51+s21+$0x0], $0xffff;
	[tilespmem:s7+$0x0] =	vst v47  }
0x226: {  	s8 =	simm.s32 $0x8;
	v22 =	vor.u32 v0, v22;
	v41 =	vshll.u32 v63, $0x9;
	v42 =	vshll.u32 v63, $0x7;
	v40 =	vld.idx.msk [tilespmem:v48+s21+$0x0], $0xffff;
	[tilespmem:s5+$0x60] =	vst v50  }
.LBB2_8:
0x227: {  	s10 =	sadd.s32 $0x1, s8;
	v41 =	vand.u32 $0x7000, v41;
	v42 =	vand.u32 $0x300, v42  }
0x228: {  	p0 =	slt.u32 s8, $0x3E;
	[tilespmem:s6+$0xFFFFFF90] =	vst v38;
	v38 =	vor.u32 v10, v27;
	v43 =	vmovc v32;
	v44 =	vmovc v30;
	v45 =	vmov v17;
	v17 =	vmov v31;
	s9 =	smov.u32 s8;
	s8 =	sadd.s32 $0x2, s8  }
0x229: {  	v27 =	vmov s10;
	v30 =	vadd.s32 v11, v41;
	v31 =	vadd.s32 v13, v41;
	v32 =	vld.idx.msk [tilespmem:v39+s21+$0x0], $0xffff;
	[tilespmem:s5+$0xFFFFFFC0] =	vst v34  }
0x22a: {  	v39 =	vadd.s32 v15, v41;
	v34 =	vshll.u32 v27, $0x9;
	v30 =	vor.u32 v42, v30;
	v46 =	vld.idx.msk [tilespmem:v29+s21+$0x0], $0xffff;
	[tilespmem:s4+$0xFFFFFFE0] =	vst v26  }
0x22b: {  	v39 =	vor.u32 v42, v39;
	v29 =	vand.u32 $0x7000, v34;
	v26 =	vor.u32 v7, v30;
	v30 =	vld.idx.msk [tilespmem:v36+s21+$0x0], $0xffff  }
0x22c: {  	v27 =	vshll.u32 v27, $0x7;
	v34 =	vadd.s32 v15, v29;
	v36 =	vadd.s32 v14, v29;
	[tilespmem:s7+$0x10] =	vst v40;
	v40 =	vld.idx.msk [tilespmem:v16+s21+$0x0], $0xffff  }
0x22d: {  	v47 =	vand.u32 $0x380, v27;
	v27 =	vadd.s32 v14, v41;
	v16 =	vadd.s32 v11, v29;
	v48 =	vld.idx.msk [tilespmem:v25+s21+$0x0], $0xffff;
	[tilespmem:s6+$0x40] =	vst v37  }
0x22e: {  	v27 =	vor.u32 v42, v27;
	v16 =	vor.u32 v47, v16;
	v25 =	vadd.s32 v13, v29;
	v35 =	vld.idx.msk [tilespmem:v35+s21+$0x0], $0xffff  }
0x22f: {  	v37 =	vor.u32 v7, v16;
	v51 =	vor.u32 v47, v25;
	v25 =	vadd.s32 v12, v41;
	[tilespmem:s6+$0xFFFFFFA0] =	vst v32  }
0x230: {  	v50 =	vor.u32 v47, v34;
	v49 =	vor.u32 v8, v51;
	v34 =	vor.u32 v42, v25;
	v32 =	vld.idx.msk [tilespmem:v26+s21+$0x0], $0xffff  }
0x231: {  	v25 =	vor.u32 v9, v50;
	v26 =	vor.u32 v42, v31;
	v16 =	vmov v18;
	v31 =	vld.idx.msk [tilespmem:v38+s21+$0x0], $0xffff;
	[tilespmem:s5+$0xFFFFFFD0] =	vst v30  }
0x232: {  	v50 =	vor.u32 v47, v36;
	v38 =	vadd.s32 v12, v29;
	v36 =	vor.u32 v8, v26;
	[tilespmem:s4+$0xFFFFFFF0] =	vst v40;
	s4 =	smov.u32 s5;
	s5 =	smov.u32 s6;
	s6 =	smov.u32 s7  }
0x233: {  	v30 =	vadd.s32 v6, v41;
	v40 =	vor.u32 v5, v19;
	v19 =	vmov v34;
	[tilespmem:s7+$0x20] =	vst v48;
	v26 =	vld.idx.msk [tilespmem:v28+s21+$0x0], $0xffff  }
0x234: {  	v18 =	vmov v22;
	v34 =	vor.u32 v47, v38;
	v28 =	vld.idx.msk [tilespmem:v37+s21+$0x0], $0xffff;
	v37 =	vor.u32 v42, v30;
	[tilespmem:s5+$0x50] =	vst v35  }
0x235: {  	v22 =	vadd.s32 v6, v29;
	v30 =	vadd.s32 v3, v29;
	v35 =	vadd.s32 v3, v41;
	v33 =	vld.idx.msk [tilespmem:v33+s21+$0x0], $0xffff  }
0x236: {  	v48 =	vor.u32 v47, v22;
	[tilespmem:s7+$0xFFFFFF80] =	vst v32;
	v32 =	vor.u32 v42, v35;
	v51 =	vld.idx.msk [tilespmem:v24+s21+$0x0], $0xffff  }
0x237: {  	v52 =	vor.u32 v5, v21;
	v21 =	vmov v34;
	v30 =	vor.u32 v47, v30;
	v38 =	vld.idx.msk [tilespmem:v36+s21+$0x0], $0xffff;
	[tilespmem:s5+$0xFFFFFFB0] =	vst v31  }
.Ltmp3:
0x238: {  	v22 =	vadd.s32 v1, v29;
	v29 =	vor.u32 v0, v45;
	v24 =	vadd.s32 v1, v41;
	v34 =	vld.idx.msk [tilespmem:v40+s21+$0x0], $0xffff;
	(pc) =	sbr.rel @p0 .LBB2_8-.Ltmp3, $4  }
0x239: {  	v39 =	vor.u32 v9, v39;
	s7 =	sadd.s32 $0x100, s7;
	v31 =	vor.u32 v47, v22;
	v22 =	vor.u32 v42, v24;
	[tilespmem:s4+$0x70] =	vst v46  }
0x23a: {  	v24 =	vor.u32 v2, v44;
	v36 =	vor.u32 v4, v20;
	v22 =	vor.u32 v0, v22;
	[tilespmem:s7+$0x0] =	vst v28  }
0x23b: {  	v35 =	vor.u32 v4, v23;
	v42 =	vmov s9;
	v20 =	vmovc v37;
	v28 =	vor.u32 v2, v43;
	v40 =	vld.idx.msk [tilespmem:v49+s21+$0x0], $0xffff;
	[tilespmem:s6+$0x30] =	vst v33  }
0x23c: {  	v23 =	vmovc v48;
	v41 =	vshll.u32 v42, $0x9;
	v42 =	vshll.u32 v42, $0x7;
	v33 =	vor.u32 v10, v50;
	v37 =	vld.idx.msk [tilespmem:v52+s21+$0x0], $0xffff;
	[tilespmem:s5+$0x60] =	vst v51  }
0x23d: {  	v41 =	vand.u32 $0x7000, v41  }
0x23e: {  	v42 =	vand.u32 $0x300, v42;
	v43 =	vadd.s32 v11, v41  }
0x23f: {  	v43 =	vor.u32 v42, v43  }
0x240: {  	v43 =	vor.u32 v7, v43;
	_ =	sdelay $0x3  }
0x241: {  	v44 =	vadd.s32 v13, v41  }
0x242: {  	v44 =	vor.u32 v42, v44;
	v43 =	vld.idx.msk [tilespmem:v43+s21+$0x0], $0xffff  }
0x243: {  	v44 =	vor.u32 v8, v44;
	_ =	sdelay $0x3  }
0x244: {  	v45 =	vadd.s32 v15, v41;
	[tilespmem:s7+$0xFFFFFF80] =	vst v43  }
0x245: {  	v52 =	vor.u32 v42, v45;
	v44 =	vld.idx.msk [tilespmem:v44+s21+$0x0], $0xffff  }
0x246: {  	[tilespmem:s6+$0xFFFFFF90] =	vst v38;
	v43 =	vor.u32 v9, v52  }
0x247: {  	v38 =	vld.idx.msk [tilespmem:v39+s21+$0x0], $0xffff  }
0x248: {  	v27 =	vor.u32 v10, v27;
	[tilespmem:s7+$0x10] =	vst v40  }
0x249: {  	v25 =	vld.idx.msk [tilespmem:v25+s21+$0x0], $0xffff  }
0x24a: {  	v53 =	vadd.s32 v14, v41;
	[tilespmem:s7+$0xFFFFFF90] =	vst v44  }
0x24b: {  	v39 =	vor.u32 v42, v53;
	v54 =	vld.idx.msk [tilespmem:v43+s21+$0x0], $0xffff  }
0x24c: {  	v39 =	vor.u32 v10, v39;
	[tilespmem:s6+$0xFFFFFFA0] =	vst v38  }
0x24d: {  	v27 =	vld.idx.msk [tilespmem:v27+s21+$0x0], $0xffff  }
0x24e: {  	v19 =	vor.u32 v5, v19;
	[tilespmem:s7+$0x20] =	vst v25  }
0x24f: {  	v33 =	vld.idx.msk [tilespmem:v33+s21+$0x0], $0xffff  }
0x250: {  	v21 =	vor.u32 v5, v21;
	v25 =	vadd.s32 v12, v41;
	[tilespmem:s7+$0xFFFFFFA0] =	vst v54  }
0x251: {  	v25 =	vor.u32 v42, v25;
	v55 =	vld.idx.msk [tilespmem:v39+s21+$0x0], $0xffff  }
0x252: {  	v25 =	vor.u32 v5, v25;
	[tilespmem:s6+$0xFFFFFFB0] =	vst v27  }
0x253: {  	v19 =	vld.idx.msk [tilespmem:v19+s21+$0x0], $0xffff  }
0x254: {  	v20 =	vor.u32 v4, v20;
	[tilespmem:s7+$0x30] =	vst v33  }
0x255: {  	[tilespmem:s5+$0xFFFFFFC0] =	vst v34;
	v21 =	vld.idx.msk [tilespmem:v21+s21+$0x0], $0xffff  }
0x256: {  	v27 =	vadd.s32 v6, v41;
	[tilespmem:s7+$0xFFFFFFB0] =	vst v55  }
0x257: {  	v23 =	vor.u32 v4, v23;
	[tilespmem:s6+$0x40] =	vst v37;
	v27 =	vor.u32 v42, v27;
	v25 =	vld.idx.msk [tilespmem:v25+s21+$0x0], $0xffff  }
0x258: {  	v57 =	vld.idx.msk [tilespmem:v35+s21+$0x0], $0xffff;
	v27 =	vor.u32 v4, v27;
	[tilespmem:s6+$0xFFFFFFC0] =	vst v19  }
0x259: {  	[tilespmem:s4+$0xFFFFFFE0] =	vst v26;
	v19 =	vld.idx.msk [tilespmem:v20+s21+$0x0], $0xffff  }
0x25a: {  	v56 =	vld.idx.msk [tilespmem:v36+s21+$0x0], $0xffff;
	[tilespmem:s7+$0x40] =	vst v21;
	v21 =	vor.u32 v2, v32  }
0x25b: {  	v16 =	vld.idx.msk [tilespmem:v16+s21+$0x0], $0xffff  }
0x25c: {  	v20 =	vadd.s32 v3, v41;
	v23 =	vld.idx.msk [tilespmem:v23+s21+$0x0], $0xffff;
	[tilespmem:s7+$0xFFFFFFC0] =	vst v25  }
0x25d: {  	[tilespmem:s6+$0x50] =	vst v57;
	v20 =	vor.u32 v42, v20;
	v25 =	vor.u32 v2, v30;
	v26 =	vld.idx.msk [tilespmem:v27+s21+$0x0], $0xffff  }
0x25e: {  	v24 =	vld.idx.msk [tilespmem:v24+s21+$0x0], $0xffff;
	v20 =	vor.u32 v2, v20;
	[tilespmem:s6+$0xFFFFFFD0] =	vst v19  }
0x25f: {  	v17 =	vor.u32 v0, v17;
	[tilespmem:s5+$0xFFFFFFD0] =	vst v56;
	v19 =	vld.idx.msk [tilespmem:v21+s21+$0x0], $0xffff  }
0x260: {  	[tilespmem:s4+$0xFFFFFFF0] =	vst v16  }
0x261: {  	[tilespmem:s7+$0x50] =	vst v23;
	v27 =	vld.idx.msk [tilespmem:v28+s21+$0x0], $0xffff  }
0x262: {  	v21 =	vadd.s32 v1, v41;
	v23 =	vld.idx.msk [tilespmem:v25+s21+$0x0], $0xffff;
	[tilespmem:s7+$0xFFFFFFD0] =	vst v26  }
0x263: {  	[tilespmem:s6+$0x60] =	vst v24;
	v16 =	vor.u32 v42, v21;
	v21 =	vor.u32 v0, v31;
	v20 =	vld.idx.msk [tilespmem:v20+s21+$0x0], $0xffff  }
0x264: {  	v17 =	vld.idx.msk [tilespmem:v17+s21+$0x0], $0xffff;
	v16 =	vor.u32 v0, v16;
	[tilespmem:s6+$0xFFFFFFE0] =	vst v19  }
0x265: {  	v19 =	vld.idx.msk [tilespmem:v22+s21+$0x0], $0xffff  }
0x266: {  	v25 =	vld.idx.msk [tilespmem:v29+s21+$0x0], $0xffff;
	[tilespmem:s5+$0xFFFFFFE0] =	vst v27  }
0x267: {  	v18 =	vld.idx.msk [tilespmem:v18+s21+$0x0], $0xffff;
	[tilespmem:s7+$0x60] =	vst v23  }
0x268: {  	v21 =	vld.idx.msk [tilespmem:v21+s21+$0x0], $0xffff;
	[tilespmem:s7+$0xFFFFFFE0] =	vst v20  }
0x269: {  	[tilespmem:s6+$0x70] =	vst v17;
	v16 =	vld.idx.msk [tilespmem:v16+s21+$0x0], $0xffff  }
0x26a: {  	[tilespmem:s6+$0xFFFFFFF0] =	vst v19  }
0x26b: {  	[tilespmem:s5+$0x70] =	vst v25  }
0x26c: {  	[tilespmem:s5+$0xFFFFFFF0] =	vst v18  }
0x26d: {  	s9 =	simm.s32 $0x1;
	[tilespmem:s7+$0x70] =	vst v21  }
0x26e: {  	s10 =	simm.s32 $0x0;
	[tilespmem:s7+$0xFFFFFFF0] =	vst v16;
	v16 =	vmov s9  }
0x26f: {  	[hbm4b:s13+s10] =	stream.linear.scatter [tilespmem:s26], [sflag:$0x4], $0x2000, $0x38;
	v17 =	vshll.u32 v16, $0x9;
	[tilespmem:$0x1E080] =	vst v63  }
0x270: {  	v16 =	vshll.u32 v16, $0x7;
	v17 =	vand.u32 $0x7000, v17  }
0x271: {  	v16 =	vand.u32 $0x380, v16;
	[tilespmem:s21], [sflag:$0x1] =	stream.linear.gather [hbm4b:s14+s10], $0x8000, $0x38;
	v18 =	vadd.s32 v11, v17;
	[tilespmem:$0x1E080] =	vst v63  }
0x272: {  	_ =	swait.ge [sflag:s28], $0x8000;
	v18 =	vor.u32 v16, v18  }
0x273: {  	[sflag:s28] =	ssyncset.done $0x0;
	v18 =	vor.u32 v7, v18  }
0x274: {  	[sflag:s28] =	ssyncadd.s32 $0xFFFF8000  }
0x275: {  	_ =	swait.ge [sflag:s0], $0x2000  }
0x276: {  	v25 =	vmov s10;
	v19 =	vadd.s32 v15, v17;
	[sflag:s0] =	ssyncset.done $0x0  }
0x277: {  	v20 =	vadd.s32 v13, v17;
	v21 =	vadd.s32 v14, v17;
	v22 =	vadd.s32 v12, v17;
	[sflag:s0] =	ssyncadd.s32 $0xFFFFE000  }
0x278: {  	v23 =	vadd.s32 v6, v17;
	v24 =	vadd.s32 v3, v17;
	v20 =	vor.u32 v16, v20;
	v18 =	vld.idx.msk [tilespmem:v18+s22+$0x0], $0xffff  }
0x279: {  	v17 =	vadd.s32 v1, v17;
	v19 =	vor.u32 v16, v19;
	v20 =	vor.u32 v8, v20  }
0x27a: {  	v21 =	vor.u32 v16, v21;
	v22 =	vor.u32 v16, v22;
	v23 =	vor.u32 v16, v23  }
0x27b: {  	v24 =	vor.u32 v16, v24;
	v17 =	vor.u32 v16, v17;
	v16 =	vshll.u32 v25, $0x9  }
0x27c: {  	s4 =	simm.s32 $0x1A100;
	v19 =	vor.u32 v9, v19;
	v21 =	vor.u32 v10, v21;
	v16 =	vand.u32 $0x7000, v16  }
0x27d: {  	v24 =	vor.u32 v2, v24;
	v23 =	vor.u32 v4, v23;
	v26 =	vadd.s32 v11, v16;
	[tilespmem:s4+$0x0] =	vst v18  }
0x27e: {  	v27 =	vadd.s32 v13, v16;
	v29 =	vadd.s32 v15, v16;
	v18 =	vshll.u32 v25, $0x7;
	v20 =	vld.idx.msk [tilespmem:v20+s22+$0x0], $0xffff  }
0x27f: {  	s6 =	simm.s32 $0x3;
	v58 =	vadd.s32 v14, v16;
	v60 =	vadd.s32 v12, v16;
	v18 =	vand.u32 $0x300, v18  }
0x280: {  	v62 =	vadd.s32 v6, v16;
	v25 =	vmov s6;
	v26 =	vor.u32 v18, v26  }
0x281: {  	v49 =	vadd.s32 v3, v16;
	v28 =	vshll.u32 v25, $0x9;
	v26 =	vor.u32 v7, v26  }
0x282: {  	v16 =	vadd.s32 v1, v16;
	v25 =	vshll.u32 v25, $0x7;
	v28 =	vand.u32 $0x7000, v28  }
0x283: {  	v29 =	vor.u32 v18, v29;
	v25 =	vand.u32 $0x380, v25;
	[tilespmem:s4+$0x10] =	vst v20;
	v20 =	vadd.s32 v11, v28  }
0x284: {  	v32 =	vor.u32 v18, v58;
	v34 =	vor.u32 v18, v60;
	v20 =	vor.u32 v25, v20  }
0x285: {  	v27 =	vor.u32 v18, v27;
	v63 =	vor.u32 v18, v62;
	v19 =	vld.idx.msk [tilespmem:v19+s22+$0x0], $0xffff;
	v20 =	vor.u32 v7, v20  }
0x286: {  	v38 =	vor.u32 v18, v49;
	v16 =	vor.u32 v18, v16;
	v30 =	vadd.s32 v15, v28;
	v26 =	vld.idx.msk [tilespmem:v26+s22+$0x0], $0xffff  }
0x287: {  	v31 =	vadd.s32 v14, v28;
	v59 =	vadd.s32 v13, v28;
	v27 =	vor.u32 v8, v27  }
0x288: {  	v61 =	vadd.s32 v12, v28;
	v47 =	vadd.s32 v6, v28;
	v48 =	vadd.s32 v3, v28  }
0x289: {  	v16 =	vor.u32 v0, v16;
	v33 =	vor.u32 v25, v59;
	v30 =	vor.u32 v25, v30  }
0x28a: {  	v31 =	vor.u32 v25, v31;
	v36 =	vor.u32 v25, v47;
	[tilespmem:s4+$0x20] =	vst v19;
	v20 =	vld.idx.msk [tilespmem:v20+s22+$0x0], $0xffff  }
0x28b: {  	v37 =	vor.u32 v25, v48;
	v33 =	vor.u32 v8, v33;
	v21 =	vld.idx.msk [tilespmem:v21+s22+$0x0], $0xffff;
	[tilespmem:s4+$0xFFFFFF80] =	vst v26  }
0x28c: {  	s8 =	simm.s32 $0x5;
	v30 =	vor.u32 v9, v30;
	v19 =	vor.u32 v25, v61;
	v26 =	vor.u32 v5, v22;
	v18 =	vld.idx.msk [tilespmem:v27+s22+$0x0], $0xffff  }
0x28d: {  	s7 =	simm.s32 $0x2;
	v22 =	vadd.s32 v1, v28;
	v28 =	vor.u32 v10, v31;
	v31 =	vmov s8  }
0x28e: {  	s5 =	simm.s32 $0x1A200;
	v19 =	vor.u32 v5, v19;
	v22 =	vor.u32 v25, v22;
	v27 =	vmov s7  }
0x28f: {  	v25 =	vor.u32 v9, v29;
	[tilespmem:s5+$0x0] =	vst v20;
	v20 =	vshll.u32 v27, $0x9;
	v27 =	vshll.u32 v27, $0x7  }
0x290: {  	[tilespmem:s4+$0x30] =	vst v21;
	v20 =	vand.u32 $0x7000, v20;
	v21 =	vand.u32 $0x300, v27;
	v27 =	vor.u32 v10, v32  }
0x291: {  	[tilespmem:s4+$0xFFFFFF90] =	vst v18;
	v18 =	vshll.u32 v31, $0x9;
	v31 =	vshll.u32 v31, $0x7;
	v50 =	vadd.s32 v11, v20  }
0x292: {  	v29 =	vld.idx.msk [tilespmem:v33+s22+$0x0], $0xffff;
	v51 =	vadd.s32 v13, v20;
	v52 =	vadd.s32 v15, v20;
	v18 =	vand.u32 $0x7000, v18  }
0x293: {  	v26 =	vld.idx.msk [tilespmem:v26+s22+$0x0], $0xffff;
	v31 =	vand.u32 $0x380, v31;
	v56 =	vadd.s32 v12, v20;
	v58 =	vadd.s32 v6, v20  }
0x294: {  	v61 =	vadd.s32 v3, v20;
	v32 =	vor.u32 v21, v50;
	v39 =	vor.u32 v21, v52  }
0x295: {  	v25 =	vld.idx.msk [tilespmem:v25+s22+$0x0], $0xffff;
	v53 =	vadd.s32 v11, v18;
	v54 =	vadd.s32 v15, v18;
	v55 =	vadd.s32 v14, v18  }
0x296: {  	v41 =	vor.u32 v21, v56;
	v33 =	vor.u32 v21, v51;
	v57 =	vadd.s32 v12, v18  }
0x297: {  	v43 =	vor.u32 v21, v58;
	v32 =	vor.u32 v7, v32;
	v40 =	vor.u32 v31, v53;
	[tilespmem:s5+$0x10] =	vst v29  }
0x298: {  	v60 =	vadd.s32 v3, v18;
	v40 =	vor.u32 v7, v40;
	[tilespmem:s4+$0x40] =	vst v26;
	v30 =	vld.idx.msk [tilespmem:v30+s22+$0x0], $0xffff  }
0x299: {  	v45 =	vor.u32 v21, v61;
	v42 =	vor.u32 v31, v55;
	v33 =	vor.u32 v8, v33;
	v23 =	vld.idx.msk [tilespmem:v23+s22+$0x0], $0xffff  }
0x29a: {  	v44 =	vor.u32 v31, v60;
	v41 =	vor.u32 v5, v41;
	v26 =	vadd.s32 v13, v18;
	[tilespmem:s4+$0xFFFFFFA0] =	vst v25  }
0x29b: {  	v29 =	vadd.s32 v14, v20;
	v20 =	vadd.s32 v1, v20;
	v26 =	vor.u32 v31, v26;
	v27 =	vld.idx.msk [tilespmem:v27+s22+$0x0], $0xffff  }
0x29c: {  	v29 =	vor.u32 v21, v29;
	v25 =	vor.u32 v8, v26;
	v26 =	vor.u32 v31, v54;
	v32 =	vld.idx.msk [tilespmem:v32+s22+$0x0], $0xffff  }
0x29d: {  	v29 =	vor.u32 v10, v29;
	v59 =	vld.idx.msk [tilespmem:v40+s22+$0x0], $0xffff;
	v40 =	vor.u32 v31, v57;
	[tilespmem:s5+$0x20] =	vst v30  }
0x29e: {  	v26 =	vor.u32 v9, v26;
	v51 =	vor.u32 v5, v40;
	v30 =	vor.u32 v5, v34;
	[tilespmem:s4+$0x50] =	vst v23  }
0x29f: {  	v23 =	vadd.s32 v6, v18;
	v18 =	vadd.s32 v1, v18;
	v34 =	vor.u32 v2, v38;
	v28 =	vld.idx.msk [tilespmem:v28+s22+$0x0], $0xffff  }
0x2a0: {  	v46 =	vor.u32 v31, v23;
	v23 =	vld.idx.msk [tilespmem:v24+s22+$0x0], $0xffff;
	v24 =	vor.u32 v0, v17;
	[tilespmem:s4+$0xFFFFFFB0] =	vst v27  }
0x2a1: {  	s9 =	simm.s32 $0x4;
	s6 =	simm.s32 $0x1A300;
	v17 =	vor.u32 v31, v18;
	v31 =	vor.u32 v9, v39;
	v18 =	vor.u32 v21, v20;
	[tilespmem:s5+$0xFFFFFF80] =	vst v32  }
0x2a2: {  	v20 =	vor.u32 v4, v63;
	v27 =	vmov s9;
	v18 =	vor.u32 v0, v18;
	v32 =	vld.idx.msk [tilespmem:v33+s22+$0x0], $0xffff;
	[tilespmem:s6+$0x0] =	vst v59  }
0x2a3: {  	s10 =	simm.s32 $0x7;
	v62 =	vshll.u32 v27, $0x9;
	v27 =	vshll.u32 v27, $0x7;
	v35 =	vor.u32 v4, v46;
	v25 =	vld.idx.msk [tilespmem:v25+s22+$0x0], $0xffff  }
0x2a4: {  	v33 =	vor.u32 v2, v37;
	v63 =	vand.u32 $0x300, v27;
	v27 =	vmov s10;
	v21 =	vld.idx.msk [tilespmem:v30+s22+$0x0], $0xffff;
	[tilespmem:s5+$0x30] =	vst v28  }
0x2a5: {  	v30 =	vor.u32 v4, v36;
	v36 =	vor.u32 v10, v42;
	v28 =	vand.u32 $0x7000, v62;
	[tilespmem:s4+$0x60] =	vst v23;
	v19 =	vld.idx.msk [tilespmem:v19+s22+$0x0], $0xffff  }
0x2a6: {  	v52 =	vadd.s32 v11, v28;
	v53 =	vadd.s32 v13, v28;
	v54 =	vadd.s32 v15, v28;
	v24 =	vld.idx.msk [tilespmem:v24+s22+$0x0], $0xffff  }
0x2a7: {  	v62 =	vadd.s32 v3, v28;
	[tilespmem:s5+$0xFFFFFF90] =	vst v32;
	v32 =	vor.u32 v63, v52;
	v55 =	vor.u32 v63, v54  }
0x2a8: {  	v23 =	vld.idx.msk [tilespmem:v31+s22+$0x0], $0xffff;
	v31 =	vshll.u32 v27, $0x9;
	v27 =	vshll.u32 v27, $0x7;
	[tilespmem:s6+$0x10] =	vst v25;
	v39 =	vor.u32 v9, v55  }
0x2a9: {  	[tilespmem:s4+$0xFFFFFFC0] =	vst v21;
	v31 =	vand.u32 $0x7000, v31;
	v21 =	vor.u32 v7, v32;
	v58 =	vand.u32 $0x380, v27;
	v26 =	vld.idx.msk [tilespmem:v26+s22+$0x0], $0xffff  }
0x2aa: {  	v27 =	vadd.s32 v14, v28;
	v32 =	vor.u32 v63, v62;
	v20 =	vld.idx.msk [tilespmem:v20+s22+$0x0], $0xffff;
	v56 =	vadd.s32 v15, v31  }
0x2ab: {  	v57 =	vadd.s32 v14, v31;
	v25 =	vadd.s32 v11, v31;
	v27 =	vor.u32 v63, v27;
	[tilespmem:s5+$0x40] =	vst v19  }
0x2ac: {  	v19 =	vor.u32 v58, v25;
	v25 =	vadd.s32 v13, v31;
	v60 =	vor.u32 v58, v57;
	[tilespmem:s4+$0x70] =	vst v24  }
0x2ad: {  	v24 =	vor.u32 v2, v44;
	v30 =	vld.idx.msk [tilespmem:v30+s22+$0x0], $0xffff;
	v47 =	vor.u32 v7, v19;
	v19 =	vor.u32 v58, v25  }
0x2ae: {  	v25 =	vadd.s32 v12, v28;
	[tilespmem:s5+$0xFFFFFFA0] =	vst v23;
	v48 =	vor.u32 v8, v19;
	v59 =	vld.idx.msk [tilespmem:v21+s22+$0x0], $0xffff  }
0x2af: {  	v23 =	vor.u32 v58, v56;
	v21 =	vor.u32 v63, v53;
	v29 =	vld.idx.msk [tilespmem:v29+s22+$0x0], $0xffff;
	[tilespmem:s6+$0x20] =	vst v26  }
0x2b0: {  	v19 =	vor.u32 v63, v25;
	[tilespmem:s4+$0xFFFFFFD0] =	vst v20;
	v61 =	vor.u32 v8, v21;
	v49 =	vld.idx.msk [tilespmem:v36+s22+$0x0], $0xffff  }
0x2b1: {  	v25 =	vor.u32 v9, v23;
	v23 =	vadd.s32 v6, v28;
	v28 =	vadd.s32 v1, v28;
	v26 =	vld.idx.msk [tilespmem:v34+s22+$0x0], $0xffff  }
0x2b2: {  	v20 =	vadd.s32 v12, v31;
	v36 =	vor.u32 v4, v43;
	v47 =	vld.idx.msk [tilespmem:v47+s22+$0x0], $0xffff;
	[tilespmem:s5+$0x50] =	vst v30  }
0x2b3: {  	v21 =	vor.u32 v58, v20;
	v20 =	vor.u32 v63, v23;
	v23 =	vadd.s32 v6, v31;
	v50 =	vld.idx.msk [tilespmem:v33+s22+$0x0], $0xffff  }
0x2b4: {  	v30 =	vadd.s32 v3, v31;
	v23 =	vor.u32 v58, v23;
	v31 =	vadd.s32 v1, v31;
	[tilespmem:s6+$0xFFFFFF80] =	vst v59  }
0x2b5: {  	v30 =	vor.u32 v58, v30;
	v31 =	vor.u32 v58, v31;
	[tilespmem:s5+$0xFFFFFFB0] =	vst v29;
	v38 =	vld.idx.msk [tilespmem:v61+s22+$0x0], $0xffff  }
0x2b6: {  	s8 =	simm.s32 $0x6;
	s7 =	simm.s32 $0x1A400;
	v33 =	vor.u32 v10, v60;
	v29 =	vor.u32 v0, v22;
	v34 =	vld.idx.msk [tilespmem:v41+s22+$0x0], $0xffff;
	[tilespmem:s6+$0x30] =	vst v49  }
0x2b7: {  	v22 =	vor.u32 v63, v28;
	v63 =	vmov s8;
	v28 =	vor.u32 v2, v45;
	v37 =	vld.idx.msk [tilespmem:v51+s22+$0x0], $0xffff;
	[tilespmem:s7+$0x0] =	vst v47  }
0x2b8: {  	s8 =	simm.s32 $0x8;
	v22 =	vor.u32 v0, v22;
	v41 =	vshll.u32 v63, $0x9;
	v42 =	vshll.u32 v63, $0x7;
	v40 =	vld.idx.msk [tilespmem:v48+s22+$0x0], $0xffff;
	[tilespmem:s5+$0x60] =	vst v50  }
.LBB2_10:
0x2b9: {  	s10 =	sadd.s32 $0x1, s8;
	v41 =	vand.u32 $0x7000, v41;
	v42 =	vand.u32 $0x300, v42  }
0x2ba: {  	p0 =	slt.u32 s8, $0x3E;
	[tilespmem:s6+$0xFFFFFF90] =	vst v38;
	v38 =	vor.u32 v10, v27;
	v43 =	vmovc v32;
	v44 =	vmovc v30;
	v45 =	vmov v17;
	v17 =	vmov v31;
	s9 =	smov.u32 s8;
	s8 =	sadd.s32 $0x2, s8  }
0x2bb: {  	v27 =	vmov s10;
	v30 =	vadd.s32 v11, v41;
	v31 =	vadd.s32 v13, v41;
	v32 =	vld.idx.msk [tilespmem:v39+s22+$0x0], $0xffff;
	[tilespmem:s5+$0xFFFFFFC0] =	vst v34  }
0x2bc: {  	v39 =	vadd.s32 v15, v41;
	v34 =	vshll.u32 v27, $0x9;
	v30 =	vor.u32 v42, v30;
	v46 =	vld.idx.msk [tilespmem:v29+s22+$0x0], $0xffff;
	[tilespmem:s4+$0xFFFFFFE0] =	vst v26  }
0x2bd: {  	v39 =	vor.u32 v42, v39;
	v29 =	vand.u32 $0x7000, v34;
	v26 =	vor.u32 v7, v30;
	v30 =	vld.idx.msk [tilespmem:v36+s22+$0x0], $0xffff  }
0x2be: {  	v27 =	vshll.u32 v27, $0x7;
	v34 =	vadd.s32 v15, v29;
	v36 =	vadd.s32 v14, v29;
	[tilespmem:s7+$0x10] =	vst v40;
	v40 =	vld.idx.msk [tilespmem:v16+s22+$0x0], $0xffff  }
0x2bf: {  	v47 =	vand.u32 $0x380, v27;
	v27 =	vadd.s32 v14, v41;
	v16 =	vadd.s32 v11, v29;
	v48 =	vld.idx.msk [tilespmem:v25+s22+$0x0], $0xffff;
	[tilespmem:s6+$0x40] =	vst v37  }
0x2c0: {  	v27 =	vor.u32 v42, v27;
	v16 =	vor.u32 v47, v16;
	v25 =	vadd.s32 v13, v29;
	v35 =	vld.idx.msk [tilespmem:v35+s22+$0x0], $0xffff  }
0x2c1: {  	v37 =	vor.u32 v7, v16;
	v51 =	vor.u32 v47, v25;
	v25 =	vadd.s32 v12, v41;
	[tilespmem:s6+$0xFFFFFFA0] =	vst v32  }
0x2c2: {  	v50 =	vor.u32 v47, v34;
	v49 =	vor.u32 v8, v51;
	v34 =	vor.u32 v42, v25;
	v32 =	vld.idx.msk [tilespmem:v26+s22+$0x0], $0xffff  }
0x2c3: {  	v25 =	vor.u32 v9, v50;
	v26 =	vor.u32 v42, v31;
	v16 =	vmov v18;
	v31 =	vld.idx.msk [tilespmem:v38+s22+$0x0], $0xffff;
	[tilespmem:s5+$0xFFFFFFD0] =	vst v30  }
0x2c4: {  	v50 =	vor.u32 v47, v36;
	v38 =	vadd.s32 v12, v29;
	v36 =	vor.u32 v8, v26;
	[tilespmem:s4+$0xFFFFFFF0] =	vst v40;
	s4 =	smov.u32 s5;
	s5 =	smov.u32 s6;
	s6 =	smov.u32 s7  }
0x2c5: {  	v30 =	vadd.s32 v6, v41;
	v40 =	vor.u32 v5, v19;
	v19 =	vmov v34;
	[tilespmem:s7+$0x20] =	vst v48;
	v26 =	vld.idx.msk [tilespmem:v28+s22+$0x0], $0xffff  }
0x2c6: {  	v18 =	vmov v22;
	v34 =	vor.u32 v47, v38;
	v28 =	vld.idx.msk [tilespmem:v37+s22+$0x0], $0xffff;
	v37 =	vor.u32 v42, v30;
	[tilespmem:s5+$0x50] =	vst v35  }
0x2c7: {  	v22 =	vadd.s32 v6, v29;
	v30 =	vadd.s32 v3, v29;
	v35 =	vadd.s32 v3, v41;
	v33 =	vld.idx.msk [tilespmem:v33+s22+$0x0], $0xffff  }
0x2c8: {  	v48 =	vor.u32 v47, v22;
	[tilespmem:s7+$0xFFFFFF80] =	vst v32;
	v32 =	vor.u32 v42, v35;
	v51 =	vld.idx.msk [tilespmem:v24+s22+$0x0], $0xffff  }
0x2c9: {  	v52 =	vor.u32 v5, v21;
	v21 =	vmov v34;
	v30 =	vor.u32 v47, v30;
	v38 =	vld.idx.msk [tilespmem:v36+s22+$0x0], $0xffff;
	[tilespmem:s5+$0xFFFFFFB0] =	vst v31  }
.Ltmp4:
0x2ca: {  	v22 =	vadd.s32 v1, v29;
	v29 =	vor.u32 v0, v45;
	v24 =	vadd.s32 v1, v41;
	v34 =	vld.idx.msk [tilespmem:v40+s22+$0x0], $0xffff;
	(pc) =	sbr.rel @p0 .LBB2_10-.Ltmp4, $4  }
0x2cb: {  	v39 =	vor.u32 v9, v39;
	s7 =	sadd.s32 $0x100, s7;
	v31 =	vor.u32 v47, v22;
	v22 =	vor.u32 v42, v24;
	[tilespmem:s4+$0x70] =	vst v46  }
0x2cc: {  	v24 =	vor.u32 v2, v44;
	v36 =	vor.u32 v4, v20;
	v22 =	vor.u32 v0, v22;
	[tilespmem:s7+$0x0] =	vst v28  }
0x2cd: {  	v35 =	vor.u32 v4, v23;
	v42 =	vmov s9;
	v20 =	vmovc v37;
	v28 =	vor.u32 v2, v43;
	v40 =	vld.idx.msk [tilespmem:v49+s22+$0x0], $0xffff;
	[tilespmem:s6+$0x30] =	vst v33  }
0x2ce: {  	v23 =	vmovc v48;
	v41 =	vshll.u32 v42, $0x9;
	v42 =	vshll.u32 v42, $0x7;
	v33 =	vor.u32 v10, v50;
	v37 =	vld.idx.msk [tilespmem:v52+s22+$0x0], $0xffff;
	[tilespmem:s5+$0x60] =	vst v51  }
0x2cf: {  	v41 =	vand.u32 $0x7000, v41  }
0x2d0: {  	v42 =	vand.u32 $0x300, v42;
	v43 =	vadd.s32 v11, v41  }
0x2d1: {  	v43 =	vor.u32 v42, v43  }
0x2d2: {  	v43 =	vor.u32 v7, v43;
	_ =	sdelay $0x3  }
0x2d3: {  	v44 =	vadd.s32 v13, v41  }
0x2d4: {  	v44 =	vor.u32 v42, v44;
	v43 =	vld.idx.msk [tilespmem:v43+s22+$0x0], $0xffff  }
0x2d5: {  	v44 =	vor.u32 v8, v44;
	_ =	sdelay $0x3  }
0x2d6: {  	v45 =	vadd.s32 v15, v41;
	[tilespmem:s7+$0xFFFFFF80] =	vst v43  }
0x2d7: {  	v52 =	vor.u32 v42, v45;
	v44 =	vld.idx.msk [tilespmem:v44+s22+$0x0], $0xffff  }
0x2d8: {  	[tilespmem:s6+$0xFFFFFF90] =	vst v38;
	v43 =	vor.u32 v9, v52  }
0x2d9: {  	v38 =	vld.idx.msk [tilespmem:v39+s22+$0x0], $0xffff  }
0x2da: {  	v27 =	vor.u32 v10, v27;
	[tilespmem:s7+$0x10] =	vst v40  }
0x2db: {  	v25 =	vld.idx.msk [tilespmem:v25+s22+$0x0], $0xffff  }
0x2dc: {  	v53 =	vadd.s32 v14, v41;
	[tilespmem:s7+$0xFFFFFF90] =	vst v44  }
0x2dd: {  	v39 =	vor.u32 v42, v53;
	v54 =	vld.idx.msk [tilespmem:v43+s22+$0x0], $0xffff  }
0x2de: {  	v39 =	vor.u32 v10, v39;
	[tilespmem:s6+$0xFFFFFFA0] =	vst v38  }
0x2df: {  	v27 =	vld.idx.msk [tilespmem:v27+s22+$0x0], $0xffff  }
0x2e0: {  	v19 =	vor.u32 v5, v19;
	[tilespmem:s7+$0x20] =	vst v25  }
0x2e1: {  	v33 =	vld.idx.msk [tilespmem:v33+s22+$0x0], $0xffff  }
0x2e2: {  	v21 =	vor.u32 v5, v21;
	v25 =	vadd.s32 v12, v41;
	[tilespmem:s7+$0xFFFFFFA0] =	vst v54  }
0x2e3: {  	v25 =	vor.u32 v42, v25;
	v55 =	vld.idx.msk [tilespmem:v39+s22+$0x0], $0xffff  }
0x2e4: {  	v25 =	vor.u32 v5, v25;
	[tilespmem:s6+$0xFFFFFFB0] =	vst v27  }
0x2e5: {  	v19 =	vld.idx.msk [tilespmem:v19+s22+$0x0], $0xffff  }
0x2e6: {  	v20 =	vor.u32 v4, v20;
	[tilespmem:s7+$0x30] =	vst v33  }
0x2e7: {  	[tilespmem:s5+$0xFFFFFFC0] =	vst v34;
	v21 =	vld.idx.msk [tilespmem:v21+s22+$0x0], $0xffff  }
0x2e8: {  	v27 =	vadd.s32 v6, v41;
	[tilespmem:s7+$0xFFFFFFB0] =	vst v55  }
0x2e9: {  	v23 =	vor.u32 v4, v23;
	[tilespmem:s6+$0x40] =	vst v37;
	v27 =	vor.u32 v42, v27;
	v25 =	vld.idx.msk [tilespmem:v25+s22+$0x0], $0xffff  }
0x2ea: {  	v57 =	vld.idx.msk [tilespmem:v35+s22+$0x0], $0xffff;
	v27 =	vor.u32 v4, v27;
	[tilespmem:s6+$0xFFFFFFC0] =	vst v19  }
0x2eb: {  	[tilespmem:s4+$0xFFFFFFE0] =	vst v26;
	v19 =	vld.idx.msk [tilespmem:v20+s22+$0x0], $0xffff  }
0x2ec: {  	v56 =	vld.idx.msk [tilespmem:v36+s22+$0x0], $0xffff;
	[tilespmem:s7+$0x40] =	vst v21;
	v21 =	vor.u32 v2, v32  }
0x2ed: {  	v16 =	vld.idx.msk [tilespmem:v16+s22+$0x0], $0xffff  }
0x2ee: {  	v20 =	vadd.s32 v3, v41;
	v23 =	vld.idx.msk [tilespmem:v23+s22+$0x0], $0xffff;
	[tilespmem:s7+$0xFFFFFFC0] =	vst v25  }
0x2ef: {  	[tilespmem:s6+$0x50] =	vst v57;
	v20 =	vor.u32 v42, v20;
	v25 =	vor.u32 v2, v30;
	v26 =	vld.idx.msk [tilespmem:v27+s22+$0x0], $0xffff  }
0x2f0: {  	v24 =	vld.idx.msk [tilespmem:v24+s22+$0x0], $0xffff;
	v20 =	vor.u32 v2, v20;
	[tilespmem:s6+$0xFFFFFFD0] =	vst v19  }
0x2f1: {  	v17 =	vor.u32 v0, v17;
	[tilespmem:s5+$0xFFFFFFD0] =	vst v56;
	v19 =	vld.idx.msk [tilespmem:v21+s22+$0x0], $0xffff  }
0x2f2: {  	[tilespmem:s4+$0xFFFFFFF0] =	vst v16  }
0x2f3: {  	[tilespmem:s7+$0x50] =	vst v23;
	v27 =	vld.idx.msk [tilespmem:v28+s22+$0x0], $0xffff  }
0x2f4: {  	v21 =	vadd.s32 v1, v41;
	v23 =	vld.idx.msk [tilespmem:v25+s22+$0x0], $0xffff;
	[tilespmem:s7+$0xFFFFFFD0] =	vst v26  }
0x2f5: {  	[tilespmem:s6+$0x60] =	vst v24;
	v16 =	vor.u32 v42, v21;
	v21 =	vor.u32 v0, v31;
	v20 =	vld.idx.msk [tilespmem:v20+s22+$0x0], $0xffff  }
0x2f6: {  	v17 =	vld.idx.msk [tilespmem:v17+s22+$0x0], $0xffff;
	v16 =	vor.u32 v0, v16;
	[tilespmem:s6+$0xFFFFFFE0] =	vst v19  }
0x2f7: {  	v19 =	vld.idx.msk [tilespmem:v22+s22+$0x0], $0xffff  }
0x2f8: {  	v25 =	vld.idx.msk [tilespmem:v29+s22+$0x0], $0xffff;
	[tilespmem:s5+$0xFFFFFFE0] =	vst v27  }
0x2f9: {  	v18 =	vld.idx.msk [tilespmem:v18+s22+$0x0], $0xffff;
	[tilespmem:s7+$0x60] =	vst v23  }
0x2fa: {  	v21 =	vld.idx.msk [tilespmem:v21+s22+$0x0], $0xffff;
	[tilespmem:s7+$0xFFFFFFE0] =	vst v20  }
0x2fb: {  	[tilespmem:s6+$0x70] =	vst v17;
	v16 =	vld.idx.msk [tilespmem:v16+s22+$0x0], $0xffff  }
0x2fc: {  	[tilespmem:s6+$0xFFFFFFF0] =	vst v19  }
0x2fd: {  	[tilespmem:s5+$0x70] =	vst v25  }
0x2fe: {  	[tilespmem:s5+$0xFFFFFFF0] =	vst v18  }
0x2ff: {  	s9 =	simm.s32 $0x1;
	[tilespmem:s7+$0x70] =	vst v21  }
0x300: {  	s10 =	simm.s32 $0x0;
	[tilespmem:s7+$0xFFFFFFF0] =	vst v16;
	v16 =	vmov s9  }
0x301: {  	[hbm4b:s15+s10] =	stream.linear.scatter [tilespmem:s29], [sflag:$0x5], $0x2000, $0x38;
	v17 =	vshll.u32 v16, $0x9;
	[tilespmem:$0x1E080] =	vst v63  }
0x302: {  	v16 =	vshll.u32 v16, $0x7;
	v17 =	vand.u32 $0x7000, v17  }
0x303: {  	v16 =	vand.u32 $0x380, v16;
	[tilespmem:s22], [sflag:$0x2] =	stream.linear.gather [hbm4b:s16+s10], $0x8000, $0x38;
	v18 =	vadd.s32 v11, v17;
	[tilespmem:$0x1E080] =	vst v63  }
0x304: {  	_ =	swait.ge [sflag:s30], $0x8000;
	v18 =	vor.u32 v16, v18  }
0x305: {  	[sflag:s30] =	ssyncset.done $0x0;
	v18 =	vor.u32 v7, v18  }
0x306: {  	[sflag:s30] =	ssyncadd.s32 $0xFFFF8000  }
0x307: {  	_ =	swait.ge [sflag:s2], $0x2000  }
0x308: {  	v25 =	vmov s10;
	v19 =	vadd.s32 v15, v17;
	[sflag:s2] =	ssyncset.done $0x0  }
0x309: {  	v20 =	vadd.s32 v13, v17;
	v21 =	vadd.s32 v14, v17;
	v22 =	vadd.s32 v12, v17;
	[sflag:s2] =	ssyncadd.s32 $0xFFFFE000  }
0x30a: {  	v23 =	vadd.s32 v6, v17;
	v24 =	vadd.s32 v3, v17;
	v20 =	vor.u32 v16, v20;
	v18 =	vld.idx.msk [tilespmem:v18+s23+$0x0], $0xffff  }
0x30b: {  	v17 =	vadd.s32 v1, v17;
	v19 =	vor.u32 v16, v19;
	v20 =	vor.u32 v8, v20  }
0x30c: {  	v21 =	vor.u32 v16, v21;
	v22 =	vor.u32 v16, v22;
	v23 =	vor.u32 v16, v23  }
0x30d: {  	v24 =	vor.u32 v16, v24;
	v17 =	vor.u32 v16, v17;
	v16 =	vshll.u32 v25, $0x9  }
0x30e: {  	s4 =	simm.s32 $0x1C100;
	v19 =	vor.u32 v9, v19;
	v21 =	vor.u32 v10, v21;
	v16 =	vand.u32 $0x7000, v16  }
0x30f: {  	v24 =	vor.u32 v2, v24;
	v23 =	vor.u32 v4, v23;
	v26 =	vadd.s32 v11, v16;
	[tilespmem:s4+$0x0] =	vst v18  }
0x310: {  	v27 =	vadd.s32 v13, v16;
	v29 =	vadd.s32 v15, v16;
	v18 =	vshll.u32 v25, $0x7;
	v20 =	vld.idx.msk [tilespmem:v20+s23+$0x0], $0xffff  }
0x311: {  	s6 =	simm.s32 $0x3;
	v58 =	vadd.s32 v14, v16;
	v60 =	vadd.s32 v12, v16;
	v18 =	vand.u32 $0x300, v18  }
0x312: {  	v62 =	vadd.s32 v6, v16;
	v25 =	vmov s6;
	v26 =	vor.u32 v18, v26  }
0x313: {  	v49 =	vadd.s32 v3, v16;
	v28 =	vshll.u32 v25, $0x9;
	v26 =	vor.u32 v7, v26  }
0x314: {  	v16 =	vadd.s32 v1, v16;
	v25 =	vshll.u32 v25, $0x7;
	v28 =	vand.u32 $0x7000, v28  }
0x315: {  	v29 =	vor.u32 v18, v29;
	v25 =	vand.u32 $0x380, v25;
	[tilespmem:s4+$0x10] =	vst v20;
	v20 =	vadd.s32 v11, v28  }
0x316: {  	v32 =	vor.u32 v18, v58;
	v34 =	vor.u32 v18, v60;
	v20 =	vor.u32 v25, v20  }
0x317: {  	v27 =	vor.u32 v18, v27;
	v63 =	vor.u32 v18, v62;
	v19 =	vld.idx.msk [tilespmem:v19+s23+$0x0], $0xffff;
	v20 =	vor.u32 v7, v20  }
0x318: {  	v38 =	vor.u32 v18, v49;
	v16 =	vor.u32 v18, v16;
	v30 =	vadd.s32 v15, v28;
	v26 =	vld.idx.msk [tilespmem:v26+s23+$0x0], $0xffff  }
0x319: {  	v31 =	vadd.s32 v14, v28;
	v59 =	vadd.s32 v13, v28;
	v27 =	vor.u32 v8, v27  }
0x31a: {  	v61 =	vadd.s32 v12, v28;
	v47 =	vadd.s32 v6, v28;
	v48 =	vadd.s32 v3, v28  }
0x31b: {  	v16 =	vor.u32 v0, v16;
	v33 =	vor.u32 v25, v59;
	v30 =	vor.u32 v25, v30  }
0x31c: {  	v31 =	vor.u32 v25, v31;
	v36 =	vor.u32 v25, v47;
	[tilespmem:s4+$0x20] =	vst v19;
	v20 =	vld.idx.msk [tilespmem:v20+s23+$0x0], $0xffff  }
0x31d: {  	v37 =	vor.u32 v25, v48;
	v33 =	vor.u32 v8, v33;
	v21 =	vld.idx.msk [tilespmem:v21+s23+$0x0], $0xffff;
	[tilespmem:s4+$0xFFFFFF80] =	vst v26  }
0x31e: {  	s8 =	simm.s32 $0x5;
	v30 =	vor.u32 v9, v30;
	v19 =	vor.u32 v25, v61;
	v26 =	vor.u32 v5, v22;
	v18 =	vld.idx.msk [tilespmem:v27+s23+$0x0], $0xffff  }
0x31f: {  	s7 =	simm.s32 $0x2;
	v22 =	vadd.s32 v1, v28;
	v28 =	vor.u32 v10, v31;
	v31 =	vmov s8  }
0x320: {  	s5 =	simm.s32 $0x1C200;
	v19 =	vor.u32 v5, v19;
	v22 =	vor.u32 v25, v22;
	v27 =	vmov s7  }
0x321: {  	v25 =	vor.u32 v9, v29;
	[tilespmem:s5+$0x0] =	vst v20;
	v20 =	vshll.u32 v27, $0x9;
	v27 =	vshll.u32 v27, $0x7  }
0x322: {  	[tilespmem:s4+$0x30] =	vst v21;
	v20 =	vand.u32 $0x7000, v20;
	v21 =	vand.u32 $0x300, v27;
	v27 =	vor.u32 v10, v32  }
0x323: {  	[tilespmem:s4+$0xFFFFFF90] =	vst v18;
	v18 =	vshll.u32 v31, $0x9;
	v31 =	vshll.u32 v31, $0x7;
	v50 =	vadd.s32 v11, v20  }
0x324: {  	v29 =	vld.idx.msk [tilespmem:v33+s23+$0x0], $0xffff;
	v51 =	vadd.s32 v13, v20;
	v52 =	vadd.s32 v15, v20;
	v18 =	vand.u32 $0x7000, v18  }
0x325: {  	v26 =	vld.idx.msk [tilespmem:v26+s23+$0x0], $0xffff;
	v31 =	vand.u32 $0x380, v31;
	v56 =	vadd.s32 v12, v20;
	v58 =	vadd.s32 v6, v20  }
0x326: {  	v61 =	vadd.s32 v3, v20;
	v32 =	vor.u32 v21, v50;
	v39 =	vor.u32 v21, v52  }
0x327: {  	v25 =	vld.idx.msk [tilespmem:v25+s23+$0x0], $0xffff;
	v53 =	vadd.s32 v11, v18;
	v54 =	vadd.s32 v15, v18;
	v55 =	vadd.s32 v14, v18  }
0x328: {  	v41 =	vor.u32 v21, v56;
	v33 =	vor.u32 v21, v51;
	v57 =	vadd.s32 v12, v18  }
0x329: {  	v43 =	vor.u32 v21, v58;
	v32 =	vor.u32 v7, v32;
	v40 =	vor.u32 v31, v53;
	[tilespmem:s5+$0x10] =	vst v29  }
0x32a: {  	v60 =	vadd.s32 v3, v18;
	v40 =	vor.u32 v7, v40;
	[tilespmem:s4+$0x40] =	vst v26;
	v30 =	vld.idx.msk [tilespmem:v30+s23+$0x0], $0xffff  }
0x32b: {  	v45 =	vor.u32 v21, v61;
	v42 =	vor.u32 v31, v55;
	v33 =	vor.u32 v8, v33;
	v23 =	vld.idx.msk [tilespmem:v23+s23+$0x0], $0xffff  }
0x32c: {  	v44 =	vor.u32 v31, v60;
	v41 =	vor.u32 v5, v41;
	v26 =	vadd.s32 v13, v18;
	[tilespmem:s4+$0xFFFFFFA0] =	vst v25  }
0x32d: {  	v29 =	vadd.s32 v14, v20;
	v20 =	vadd.s32 v1, v20;
	v26 =	vor.u32 v31, v26;
	v27 =	vld.idx.msk [tilespmem:v27+s23+$0x0], $0xffff  }
0x32e: {  	v29 =	vor.u32 v21, v29;
	v25 =	vor.u32 v8, v26;
	v26 =	vor.u32 v31, v54;
	v32 =	vld.idx.msk [tilespmem:v32+s23+$0x0], $0xffff  }
0x32f: {  	v29 =	vor.u32 v10, v29;
	v59 =	vld.idx.msk [tilespmem:v40+s23+$0x0], $0xffff;
	v40 =	vor.u32 v31, v57;
	[tilespmem:s5+$0x20] =	vst v30  }
0x330: {  	v26 =	vor.u32 v9, v26;
	v51 =	vor.u32 v5, v40;
	v30 =	vor.u32 v5, v34;
	[tilespmem:s4+$0x50] =	vst v23  }
0x331: {  	v23 =	vadd.s32 v6, v18;
	v18 =	vadd.s32 v1, v18;
	v34 =	vor.u32 v2, v38;
	v28 =	vld.idx.msk [tilespmem:v28+s23+$0x0], $0xffff  }
0x332: {  	v46 =	vor.u32 v31, v23;
	v23 =	vld.idx.msk [tilespmem:v24+s23+$0x0], $0xffff;
	v24 =	vor.u32 v0, v17;
	[tilespmem:s4+$0xFFFFFFB0] =	vst v27  }
0x333: {  	s9 =	simm.s32 $0x4;
	s6 =	simm.s32 $0x1C300;
	v17 =	vor.u32 v31, v18;
	v31 =	vor.u32 v9, v39;
	v18 =	vor.u32 v21, v20;
	[tilespmem:s5+$0xFFFFFF80] =	vst v32  }
0x334: {  	v20 =	vor.u32 v4, v63;
	v27 =	vmov s9;
	v18 =	vor.u32 v0, v18;
	v32 =	vld.idx.msk [tilespmem:v33+s23+$0x0], $0xffff;
	[tilespmem:s6+$0x0] =	vst v59  }
0x335: {  	s10 =	simm.s32 $0x7;
	v62 =	vshll.u32 v27, $0x9;
	v27 =	vshll.u32 v27, $0x7;
	v35 =	vor.u32 v4, v46;
	v25 =	vld.idx.msk [tilespmem:v25+s23+$0x0], $0xffff  }
0x336: {  	v33 =	vor.u32 v2, v37;
	v63 =	vand.u32 $0x300, v27;
	v27 =	vmov s10;
	v21 =	vld.idx.msk [tilespmem:v30+s23+$0x0], $0xffff;
	[tilespmem:s5+$0x30] =	vst v28  }
0x337: {  	v30 =	vor.u32 v4, v36;
	v36 =	vor.u32 v10, v42;
	v28 =	vand.u32 $0x7000, v62;
	[tilespmem:s4+$0x60] =	vst v23;
	v19 =	vld.idx.msk [tilespmem:v19+s23+$0x0], $0xffff  }
0x338: {  	v52 =	vadd.s32 v11, v28;
	v53 =	vadd.s32 v13, v28;
	v54 =	vadd.s32 v15, v28;
	v24 =	vld.idx.msk [tilespmem:v24+s23+$0x0], $0xffff  }
0x339: {  	v62 =	vadd.s32 v3, v28;
	[tilespmem:s5+$0xFFFFFF90] =	vst v32;
	v32 =	vor.u32 v63, v52;
	v55 =	vor.u32 v63, v54  }
0x33a: {  	v23 =	vld.idx.msk [tilespmem:v31+s23+$0x0], $0xffff;
	v31 =	vshll.u32 v27, $0x9;
	v27 =	vshll.u32 v27, $0x7;
	[tilespmem:s6+$0x10] =	vst v25;
	v39 =	vor.u32 v9, v55  }
0x33b: {  	[tilespmem:s4+$0xFFFFFFC0] =	vst v21;
	v31 =	vand.u32 $0x7000, v31;
	v21 =	vor.u32 v7, v32;
	v58 =	vand.u32 $0x380, v27;
	v26 =	vld.idx.msk [tilespmem:v26+s23+$0x0], $0xffff  }
0x33c: {  	v27 =	vadd.s32 v14, v28;
	v32 =	vor.u32 v63, v62;
	v20 =	vld.idx.msk [tilespmem:v20+s23+$0x0], $0xffff;
	v56 =	vadd.s32 v15, v31  }
0x33d: {  	v57 =	vadd.s32 v14, v31;
	v25 =	vadd.s32 v11, v31;
	v27 =	vor.u32 v63, v27;
	[tilespmem:s5+$0x40] =	vst v19  }
0x33e: {  	v19 =	vor.u32 v58, v25;
	v25 =	vadd.s32 v13, v31;
	v60 =	vor.u32 v58, v57;
	[tilespmem:s4+$0x70] =	vst v24  }
0x33f: {  	v24 =	vor.u32 v2, v44;
	v30 =	vld.idx.msk [tilespmem:v30+s23+$0x0], $0xffff;
	v47 =	vor.u32 v7, v19;
	v19 =	vor.u32 v58, v25  }
0x340: {  	v25 =	vadd.s32 v12, v28;
	[tilespmem:s5+$0xFFFFFFA0] =	vst v23;
	v48 =	vor.u32 v8, v19;
	v59 =	vld.idx.msk [tilespmem:v21+s23+$0x0], $0xffff  }
0x341: {  	v23 =	vor.u32 v58, v56;
	v21 =	vor.u32 v63, v53;
	v29 =	vld.idx.msk [tilespmem:v29+s23+$0x0], $0xffff;
	[tilespmem:s6+$0x20] =	vst v26  }
0x342: {  	v19 =	vor.u32 v63, v25;
	[tilespmem:s4+$0xFFFFFFD0] =	vst v20;
	v61 =	vor.u32 v8, v21;
	v49 =	vld.idx.msk [tilespmem:v36+s23+$0x0], $0xffff  }
0x343: {  	v25 =	vor.u32 v9, v23;
	v23 =	vadd.s32 v6, v28;
	v28 =	vadd.s32 v1, v28;
	v26 =	vld.idx.msk [tilespmem:v34+s23+$0x0], $0xffff  }
0x344: {  	v20 =	vadd.s32 v12, v31;
	v36 =	vor.u32 v4, v43;
	v47 =	vld.idx.msk [tilespmem:v47+s23+$0x0], $0xffff;
	[tilespmem:s5+$0x50] =	vst v30  }
0x345: {  	v21 =	vor.u32 v58, v20;
	v20 =	vor.u32 v63, v23;
	v23 =	vadd.s32 v6, v31;
	v50 =	vld.idx.msk [tilespmem:v33+s23+$0x0], $0xffff  }
0x346: {  	v30 =	vadd.s32 v3, v31;
	v23 =	vor.u32 v58, v23;
	v31 =	vadd.s32 v1, v31;
	[tilespmem:s6+$0xFFFFFF80] =	vst v59  }
0x347: {  	v30 =	vor.u32 v58, v30;
	v31 =	vor.u32 v58, v31;
	[tilespmem:s5+$0xFFFFFFB0] =	vst v29;
	v38 =	vld.idx.msk [tilespmem:v61+s23+$0x0], $0xffff  }
0x348: {  	s8 =	simm.s32 $0x6;
	s7 =	simm.s32 $0x1C400;
	v33 =	vor.u32 v10, v60;
	v29 =	vor.u32 v0, v22;
	v34 =	vld.idx.msk [tilespmem:v41+s23+$0x0], $0xffff;
	[tilespmem:s6+$0x30] =	vst v49  }
0x349: {  	v22 =	vor.u32 v63, v28;
	v63 =	vmov s8;
	v28 =	vor.u32 v2, v45;
	v37 =	vld.idx.msk [tilespmem:v51+s23+$0x0], $0xffff;
	[tilespmem:s7+$0x0] =	vst v47  }
0x34a: {  	s8 =	simm.s32 $0x8;
	v22 =	vor.u32 v0, v22;
	v41 =	vshll.u32 v63, $0x9;
	v42 =	vshll.u32 v63, $0x7;
	v40 =	vld.idx.msk [tilespmem:v48+s23+$0x0], $0xffff;
	[tilespmem:s5+$0x60] =	vst v50  }
.LBB2_12:
0x34b: {  	s10 =	sadd.s32 $0x1, s8;
	v41 =	vand.u32 $0x7000, v41;
	v42 =	vand.u32 $0x300, v42  }
0x34c: {  	p0 =	slt.u32 s8, $0x3E;
	[tilespmem:s6+$0xFFFFFF90] =	vst v38;
	v38 =	vor.u32 v10, v27;
	v43 =	vmovc v32;
	v44 =	vmovc v30;
	v45 =	vmov v17;
	v17 =	vmov v31;
	s9 =	smov.u32 s8;
	s8 =	sadd.s32 $0x2, s8  }
0x34d: {  	v27 =	vmov s10;
	v30 =	vadd.s32 v11, v41;
	v31 =	vadd.s32 v13, v41;
	v32 =	vld.idx.msk [tilespmem:v39+s23+$0x0], $0xffff;
	[tilespmem:s5+$0xFFFFFFC0] =	vst v34  }
0x34e: {  	v39 =	vadd.s32 v15, v41;
	v34 =	vshll.u32 v27, $0x9;
	v30 =	vor.u32 v42, v30;
	v46 =	vld.idx.msk [tilespmem:v29+s23+$0x0], $0xffff;
	[tilespmem:s4+$0xFFFFFFE0] =	vst v26  }
0x34f: {  	v39 =	vor.u32 v42, v39;
	v29 =	vand.u32 $0x7000, v34;
	v26 =	vor.u32 v7, v30;
	v30 =	vld.idx.msk [tilespmem:v36+s23+$0x0], $0xffff  }
0x350: {  	v27 =	vshll.u32 v27, $0x7;
	v34 =	vadd.s32 v15, v29;
	v36 =	vadd.s32 v14, v29;
	[tilespmem:s7+$0x10] =	vst v40;
	v40 =	vld.idx.msk [tilespmem:v16+s23+$0x0], $0xffff  }
0x351: {  	v47 =	vand.u32 $0x380, v27;
	v27 =	vadd.s32 v14, v41;
	v16 =	vadd.s32 v11, v29;
	v48 =	vld.idx.msk [tilespmem:v25+s23+$0x0], $0xffff;
	[tilespmem:s6+$0x40] =	vst v37  }
0x352: {  	v27 =	vor.u32 v42, v27;
	v16 =	vor.u32 v47, v16;
	v25 =	vadd.s32 v13, v29;
	v35 =	vld.idx.msk [tilespmem:v35+s23+$0x0], $0xffff  }
0x353: {  	v37 =	vor.u32 v7, v16;
	v51 =	vor.u32 v47, v25;
	v25 =	vadd.s32 v12, v41;
	[tilespmem:s6+$0xFFFFFFA0] =	vst v32  }
0x354: {  	v50 =	vor.u32 v47, v34;
	v49 =	vor.u32 v8, v51;
	v34 =	vor.u32 v42, v25;
	v32 =	vld.idx.msk [tilespmem:v26+s23+$0x0], $0xffff  }
0x355: {  	v25 =	vor.u32 v9, v50;
	v26 =	vor.u32 v42, v31;
	v16 =	vmov v18;
	v31 =	vld.idx.msk [tilespmem:v38+s23+$0x0], $0xffff;
	[tilespmem:s5+$0xFFFFFFD0] =	vst v30  }
0x356: {  	v50 =	vor.u32 v47, v36;
	v38 =	vadd.s32 v12, v29;
	v36 =	vor.u32 v8, v26;
	[tilespmem:s4+$0xFFFFFFF0] =	vst v40;
	s4 =	smov.u32 s5;
	s5 =	smov.u32 s6;
	s6 =	smov.u32 s7  }
0x357: {  	v30 =	vadd.s32 v6, v41;
	v40 =	vor.u32 v5, v19;
	v19 =	vmov v34;
	[tilespmem:s7+$0x20] =	vst v48;
	v26 =	vld.idx.msk [tilespmem:v28+s23+$0x0], $0xffff  }
0x358: {  	v18 =	vmov v22;
	v34 =	vor.u32 v47, v38;
	v28 =	vld.idx.msk [tilespmem:v37+s23+$0x0], $0xffff;
	v37 =	vor.u32 v42, v30;
	[tilespmem:s5+$0x50] =	vst v35  }
0x359: {  	v22 =	vadd.s32 v6, v29;
	v30 =	vadd.s32 v3, v29;
	v35 =	vadd.s32 v3, v41;
	v33 =	vld.idx.msk [tilespmem:v33+s23+$0x0], $0xffff  }
0x35a: {  	v48 =	vor.u32 v47, v22;
	[tilespmem:s7+$0xFFFFFF80] =	vst v32;
	v32 =	vor.u32 v42, v35;
	v51 =	vld.idx.msk [tilespmem:v24+s23+$0x0], $0xffff  }
0x35b: {  	v52 =	vor.u32 v5, v21;
	v21 =	vmov v34;
	v30 =	vor.u32 v47, v30;
	v38 =	vld.idx.msk [tilespmem:v36+s23+$0x0], $0xffff;
	[tilespmem:s5+$0xFFFFFFB0] =	vst v31  }
.Ltmp5:
0x35c: {  	v22 =	vadd.s32 v1, v29;
	v29 =	vor.u32 v0, v45;
	v24 =	vadd.s32 v1, v41;
	v34 =	vld.idx.msk [tilespmem:v40+s23+$0x0], $0xffff;
	(pc) =	sbr.rel @p0 .LBB2_12-.Ltmp5, $4  }
0x35d: {  	v39 =	vor.u32 v9, v39;
	s7 =	sadd.s32 $0x100, s7;
	v31 =	vor.u32 v47, v22;
	v22 =	vor.u32 v42, v24;
	[tilespmem:s4+$0x70] =	vst v46  }
0x35e: {  	v24 =	vor.u32 v2, v44;
	v36 =	vor.u32 v4, v20;
	v22 =	vor.u32 v0, v22;
	[tilespmem:s7+$0x0] =	vst v28  }
0x35f: {  	v35 =	vor.u32 v4, v23;
	v42 =	vmov s9;
	v20 =	vmovc v37;
	v28 =	vor.u32 v2, v43;
	v40 =	vld.idx.msk [tilespmem:v49+s23+$0x0], $0xffff;
	[tilespmem:s6+$0x30] =	vst v33  }
0x360: {  	v23 =	vmovc v48;
	v41 =	vshll.u32 v42, $0x9;
	v42 =	vshll.u32 v42, $0x7;
	v33 =	vor.u32 v10, v50;
	v37 =	vld.idx.msk [tilespmem:v52+s23+$0x0], $0xffff;
	[tilespmem:s5+$0x60] =	vst v51  }
0x361: {  	v41 =	vand.u32 $0x7000, v41  }
0x362: {  	v42 =	vand.u32 $0x300, v42;
	v43 =	vadd.s32 v11, v41  }
0x363: {  	v43 =	vor.u32 v42, v43  }
0x364: {  	v43 =	vor.u32 v7, v43;
	_ =	sdelay $0x3  }
0x365: {  	v44 =	vadd.s32 v13, v41  }
0x366: {  	v44 =	vor.u32 v42, v44;
	v43 =	vld.idx.msk [tilespmem:v43+s23+$0x0], $0xffff  }
0x367: {  	v44 =	vor.u32 v8, v44;
	_ =	sdelay $0x3  }
0x368: {  	v45 =	vadd.s32 v15, v41;
	[tilespmem:s7+$0xFFFFFF80] =	vst v43  }
0x369: {  	v52 =	vor.u32 v42, v45;
	v44 =	vld.idx.msk [tilespmem:v44+s23+$0x0], $0xffff  }
0x36a: {  	[tilespmem:s6+$0xFFFFFF90] =	vst v38;
	v43 =	vor.u32 v9, v52  }
0x36b: {  	v38 =	vld.idx.msk [tilespmem:v39+s23+$0x0], $0xffff  }
0x36c: {  	v27 =	vor.u32 v10, v27;
	[tilespmem:s7+$0x10] =	vst v40  }
0x36d: {  	v25 =	vld.idx.msk [tilespmem:v25+s23+$0x0], $0xffff  }
0x36e: {  	v53 =	vadd.s32 v14, v41;
	[tilespmem:s7+$0xFFFFFF90] =	vst v44  }
0x36f: {  	v39 =	vor.u32 v42, v53;
	v54 =	vld.idx.msk [tilespmem:v43+s23+$0x0], $0xffff  }
0x370: {  	v39 =	vor.u32 v10, v39;
	[tilespmem:s6+$0xFFFFFFA0] =	vst v38  }
0x371: {  	v27 =	vld.idx.msk [tilespmem:v27+s23+$0x0], $0xffff  }
0x372: {  	v19 =	vor.u32 v5, v19;
	[tilespmem:s7+$0x20] =	vst v25  }
0x373: {  	v33 =	vld.idx.msk [tilespmem:v33+s23+$0x0], $0xffff  }
0x374: {  	v21 =	vor.u32 v5, v21;
	v25 =	vadd.s32 v12, v41;
	[tilespmem:s7+$0xFFFFFFA0] =	vst v54  }
0x375: {  	v25 =	vor.u32 v42, v25;
	v55 =	vld.idx.msk [tilespmem:v39+s23+$0x0], $0xffff  }
0x376: {  	v25 =	vor.u32 v5, v25;
	[tilespmem:s6+$0xFFFFFFB0] =	vst v27  }
0x377: {  	v19 =	vld.idx.msk [tilespmem:v19+s23+$0x0], $0xffff  }
0x378: {  	v20 =	vor.u32 v4, v20;
	[tilespmem:s7+$0x30] =	vst v33  }
0x379: {  	[tilespmem:s5+$0xFFFFFFC0] =	vst v34;
	v21 =	vld.idx.msk [tilespmem:v21+s23+$0x0], $0xffff  }
0x37a: {  	v27 =	vadd.s32 v6, v41;
	[tilespmem:s7+$0xFFFFFFB0] =	vst v55  }
0x37b: {  	v23 =	vor.u32 v4, v23;
	[tilespmem:s6+$0x40] =	vst v37;
	v27 =	vor.u32 v42, v27;
	v25 =	vld.idx.msk [tilespmem:v25+s23+$0x0], $0xffff  }
0x37c: {  	v57 =	vld.idx.msk [tilespmem:v35+s23+$0x0], $0xffff;
	v27 =	vor.u32 v4, v27;
	[tilespmem:s6+$0xFFFFFFC0] =	vst v19  }
0x37d: {  	[tilespmem:s4+$0xFFFFFFE0] =	vst v26;
	v19 =	vld.idx.msk [tilespmem:v20+s23+$0x0], $0xffff  }
0x37e: {  	v56 =	vld.idx.msk [tilespmem:v36+s23+$0x0], $0xffff;
	[tilespmem:s7+$0x40] =	vst v21;
	v21 =	vor.u32 v2, v32  }
0x37f: {  	v16 =	vld.idx.msk [tilespmem:v16+s23+$0x0], $0xffff  }
0x380: {  	v20 =	vadd.s32 v3, v41;
	v23 =	vld.idx.msk [tilespmem:v23+s23+$0x0], $0xffff;
	[tilespmem:s7+$0xFFFFFFC0] =	vst v25  }
0x381: {  	[tilespmem:s6+$0x50] =	vst v57;
	v20 =	vor.u32 v42, v20;
	v25 =	vor.u32 v2, v30;
	v26 =	vld.idx.msk [tilespmem:v27+s23+$0x0], $0xffff  }
0x382: {  	v24 =	vld.idx.msk [tilespmem:v24+s23+$0x0], $0xffff;
	v20 =	vor.u32 v2, v20;
	[tilespmem:s6+$0xFFFFFFD0] =	vst v19  }
0x383: {  	v17 =	vor.u32 v0, v17;
	[tilespmem:s5+$0xFFFFFFD0] =	vst v56;
	v19 =	vld.idx.msk [tilespmem:v21+s23+$0x0], $0xffff  }
0x384: {  	[tilespmem:s4+$0xFFFFFFF0] =	vst v16  }
0x385: {  	[tilespmem:s7+$0x50] =	vst v23;
	v27 =	vld.idx.msk [tilespmem:v28+s23+$0x0], $0xffff  }
0x386: {  	v21 =	vadd.s32 v1, v41;
	v23 =	vld.idx.msk [tilespmem:v25+s23+$0x0], $0xffff;
	[tilespmem:s7+$0xFFFFFFD0] =	vst v26  }
0x387: {  	[tilespmem:s6+$0x60] =	vst v24;
	v16 =	vor.u32 v42, v21;
	v21 =	vor.u32 v0, v31;
	v20 =	vld.idx.msk [tilespmem:v20+s23+$0x0], $0xffff  }
0x388: {  	v17 =	vld.idx.msk [tilespmem:v17+s23+$0x0], $0xffff;
	v16 =	vor.u32 v0, v16;
	[tilespmem:s6+$0xFFFFFFE0] =	vst v19  }
0x389: {  	v19 =	vld.idx.msk [tilespmem:v22+s23+$0x0], $0xffff  }
0x38a: {  	v25 =	vld.idx.msk [tilespmem:v29+s23+$0x0], $0xffff;
	[tilespmem:s5+$0xFFFFFFE0] =	vst v27  }
0x38b: {  	v18 =	vld.idx.msk [tilespmem:v18+s23+$0x0], $0xffff;
	[tilespmem:s7+$0x60] =	vst v23  }
0x38c: {  	v21 =	vld.idx.msk [tilespmem:v21+s23+$0x0], $0xffff;
	[tilespmem:s7+$0xFFFFFFE0] =	vst v20  }
0x38d: {  	[tilespmem:s6+$0x70] =	vst v17;
	v16 =	vld.idx.msk [tilespmem:v16+s23+$0x0], $0xffff  }
0x38e: {  	[tilespmem:s6+$0xFFFFFFF0] =	vst v19  }
0x38f: {  	s8 =	simm.s32 $0x1;
	[tilespmem:s5+$0x70] =	vst v25  }
0x390: {  	v17 =	vmov s8;
	[tilespmem:s5+$0xFFFFFFF0] =	vst v18  }
0x391: {  	v18 =	vshll.u32 v17, $0x9;
	[tilespmem:s7+$0x70] =	vst v21  }
0x392: {  	s9 =	simm.s32 $0x0;
	s10 =	simm.s32 $0x1C080;
	v17 =	vshll.u32 v17, $0x7;
	[tilespmem:s7+$0xFFFFFFF0] =	vst v16;
	v16 =	vand.u32 $0x7000, v18  }
0x393: {  	v17 =	vand.u32 $0x380, v17;
	[hbm4b:s17+s9] =	stream.linear.scatter [tilespmem:s10], [sflag:$0x6], $0x2000, $0x38;
	v18 =	vadd.s32 v11, v16;
	[tilespmem:$0x1E080] =	vst v63  }
0x394: {  	_ =	swait.ge [sflag:s25], $0x8000;
	v18 =	vor.u32 v17, v18  }
0x395: {  	[sflag:s25] =	ssyncset.done $0x0;
	v18 =	vor.u32 v7, v18  }
0x396: {  	[sflag:s25] =	ssyncadd.s32 $0xFFFF8000  }
0x397: {  	_ =	swait.ge [sflag:s1], $0x2000  }
0x398: {  	v25 =	vmov s9;
	v19 =	vadd.s32 v15, v16;
	[sflag:s1] =	ssyncset.done $0x0  }
0x399: {  	v20 =	vadd.s32 v13, v16;
	v21 =	vadd.s32 v14, v16;
	v22 =	vadd.s32 v12, v16;
	[sflag:s1] =	ssyncadd.s32 $0xFFFFE000  }
0x39a: {  	v23 =	vadd.s32 v6, v16;
	v24 =	vadd.s32 v3, v16;
	v20 =	vor.u32 v17, v20;
	v18 =	vld.idx.msk [tilespmem:v18+s21+$0x0], $0xffff  }
0x39b: {  	v16 =	vadd.s32 v1, v16;
	v19 =	vor.u32 v17, v19;
	v20 =	vor.u32 v8, v20  }
0x39c: {  	v21 =	vor.u32 v17, v21;
	v22 =	vor.u32 v17, v22;
	v23 =	vor.u32 v17, v23  }
0x39d: {  	v24 =	vor.u32 v17, v24;
	v17 =	vor.u32 v17, v16;
	v16 =	vshll.u32 v25, $0x9  }
0x39e: {  	s4 =	simm.s32 $0x18100;
	v19 =	vor.u32 v9, v19;
	v21 =	vor.u32 v10, v21;
	v16 =	vand.u32 $0x7000, v16  }
0x39f: {  	v24 =	vor.u32 v2, v24;
	v23 =	vor.u32 v4, v23;
	v26 =	vadd.s32 v11, v16;
	[tilespmem:s4+$0x0] =	vst v18  }
0x3a0: {  	v27 =	vadd.s32 v13, v16;
	v29 =	vadd.s32 v15, v16;
	v18 =	vshll.u32 v25, $0x7;
	v20 =	vld.idx.msk [tilespmem:v20+s21+$0x0], $0xffff  }
0x3a1: {  	s6 =	simm.s32 $0x3;
	v58 =	vadd.s32 v14, v16;
	v60 =	vadd.s32 v12, v16;
	v18 =	vand.u32 $0x300, v18  }
0x3a2: {  	v62 =	vadd.s32 v6, v16;
	v25 =	vmov s6;
	v26 =	vor.u32 v18, v26  }
0x3a3: {  	v49 =	vadd.s32 v3, v16;
	v28 =	vshll.u32 v25, $0x9;
	v26 =	vor.u32 v7, v26  }
0x3a4: {  	v16 =	vadd.s32 v1, v16;
	v25 =	vshll.u32 v25, $0x7;
	v28 =	vand.u32 $0x7000, v28  }
0x3a5: {  	v29 =	vor.u32 v18, v29;
	v25 =	vand.u32 $0x380, v25;
	[tilespmem:s4+$0x10] =	vst v20;
	v20 =	vadd.s32 v11, v28  }
0x3a6: {  	v32 =	vor.u32 v18, v58;
	v34 =	vor.u32 v18, v60;
	v20 =	vor.u32 v25, v20  }
0x3a7: {  	v27 =	vor.u32 v18, v27;
	v63 =	vor.u32 v18, v62;
	v19 =	vld.idx.msk [tilespmem:v19+s21+$0x0], $0xffff;
	v20 =	vor.u32 v7, v20  }
0x3a8: {  	v38 =	vor.u32 v18, v49;
	v16 =	vor.u32 v18, v16;
	v30 =	vadd.s32 v15, v28;
	v26 =	vld.idx.msk [tilespmem:v26+s21+$0x0], $0xffff  }
0x3a9: {  	v31 =	vadd.s32 v14, v28;
	v59 =	vadd.s32 v13, v28;
	v27 =	vor.u32 v8, v27  }
0x3aa: {  	v61 =	vadd.s32 v12, v28;
	v47 =	vadd.s32 v6, v28;
	v48 =	vadd.s32 v3, v28  }
0x3ab: {  	v16 =	vor.u32 v0, v16;
	v33 =	vor.u32 v25, v59;
	v30 =	vor.u32 v25, v30  }
0x3ac: {  	v31 =	vor.u32 v25, v31;
	v36 =	vor.u32 v25, v47;
	[tilespmem:s4+$0x20] =	vst v19;
	v20 =	vld.idx.msk [tilespmem:v20+s21+$0x0], $0xffff  }
0x3ad: {  	v37 =	vor.u32 v25, v48;
	v33 =	vor.u32 v8, v33;
	v21 =	vld.idx.msk [tilespmem:v21+s21+$0x0], $0xffff;
	[tilespmem:s4+$0xFFFFFF80] =	vst v26  }
0x3ae: {  	s8 =	simm.s32 $0x5;
	v30 =	vor.u32 v9, v30;
	v19 =	vor.u32 v25, v61;
	v26 =	vor.u32 v5, v22;
	v18 =	vld.idx.msk [tilespmem:v27+s21+$0x0], $0xffff  }
0x3af: {  	s7 =	simm.s32 $0x2;
	v22 =	vadd.s32 v1, v28;
	v28 =	vor.u32 v10, v31;
	v31 =	vmov s8  }
0x3b0: {  	s5 =	simm.s32 $0x18200;
	v19 =	vor.u32 v5, v19;
	v22 =	vor.u32 v25, v22;
	v27 =	vmov s7  }
0x3b1: {  	v25 =	vor.u32 v9, v29;
	[tilespmem:s5+$0x0] =	vst v20;
	v20 =	vshll.u32 v27, $0x9;
	v27 =	vshll.u32 v27, $0x7  }
0x3b2: {  	[tilespmem:s4+$0x30] =	vst v21;
	v20 =	vand.u32 $0x7000, v20;
	v21 =	vand.u32 $0x300, v27;
	v27 =	vor.u32 v10, v32  }
0x3b3: {  	[tilespmem:s4+$0xFFFFFF90] =	vst v18;
	v18 =	vshll.u32 v31, $0x9;
	v31 =	vshll.u32 v31, $0x7;
	v50 =	vadd.s32 v11, v20  }
0x3b4: {  	v29 =	vld.idx.msk [tilespmem:v33+s21+$0x0], $0xffff;
	v51 =	vadd.s32 v13, v20;
	v52 =	vadd.s32 v15, v20;
	v18 =	vand.u32 $0x7000, v18  }
0x3b5: {  	v26 =	vld.idx.msk [tilespmem:v26+s21+$0x0], $0xffff;
	v31 =	vand.u32 $0x380, v31;
	v56 =	vadd.s32 v12, v20;
	v58 =	vadd.s32 v6, v20  }
0x3b6: {  	v61 =	vadd.s32 v3, v20;
	v32 =	vor.u32 v21, v50;
	v39 =	vor.u32 v21, v52  }
0x3b7: {  	v25 =	vld.idx.msk [tilespmem:v25+s21+$0x0], $0xffff;
	v53 =	vadd.s32 v11, v18;
	v54 =	vadd.s32 v15, v18;
	v55 =	vadd.s32 v14, v18  }
0x3b8: {  	v41 =	vor.u32 v21, v56;
	v33 =	vor.u32 v21, v51;
	v57 =	vadd.s32 v12, v18  }
0x3b9: {  	v43 =	vor.u32 v21, v58;
	v32 =	vor.u32 v7, v32;
	v40 =	vor.u32 v31, v53;
	[tilespmem:s5+$0x10] =	vst v29  }
0x3ba: {  	v60 =	vadd.s32 v3, v18;
	v40 =	vor.u32 v7, v40;
	[tilespmem:s4+$0x40] =	vst v26;
	v30 =	vld.idx.msk [tilespmem:v30+s21+$0x0], $0xffff  }
0x3bb: {  	v45 =	vor.u32 v21, v61;
	v42 =	vor.u32 v31, v55;
	v33 =	vor.u32 v8, v33;
	v23 =	vld.idx.msk [tilespmem:v23+s21+$0x0], $0xffff  }
0x3bc: {  	v44 =	vor.u32 v31, v60;
	v41 =	vor.u32 v5, v41;
	v26 =	vadd.s32 v13, v18;
	[tilespmem:s4+$0xFFFFFFA0] =	vst v25  }
0x3bd: {  	v29 =	vadd.s32 v14, v20;
	v20 =	vadd.s32 v1, v20;
	v26 =	vor.u32 v31, v26;
	v27 =	vld.idx.msk [tilespmem:v27+s21+$0x0], $0xffff  }
0x3be: {  	v29 =	vor.u32 v21, v29;
	v25 =	vor.u32 v8, v26;
	v26 =	vor.u32 v31, v54;
	v32 =	vld.idx.msk [tilespmem:v32+s21+$0x0], $0xffff  }
0x3bf: {  	v29 =	vor.u32 v10, v29;
	v59 =	vld.idx.msk [tilespmem:v40+s21+$0x0], $0xffff;
	v40 =	vor.u32 v31, v57;
	[tilespmem:s5+$0x20] =	vst v30  }
0x3c0: {  	v26 =	vor.u32 v9, v26;
	v51 =	vor.u32 v5, v40;
	v30 =	vor.u32 v5, v34;
	[tilespmem:s4+$0x50] =	vst v23  }
0x3c1: {  	v23 =	vadd.s32 v6, v18;
	v18 =	vadd.s32 v1, v18;
	v34 =	vor.u32 v2, v38;
	v28 =	vld.idx.msk [tilespmem:v28+s21+$0x0], $0xffff  }
0x3c2: {  	v46 =	vor.u32 v31, v23;
	v23 =	vld.idx.msk [tilespmem:v24+s21+$0x0], $0xffff;
	v24 =	vor.u32 v0, v17;
	[tilespmem:s4+$0xFFFFFFB0] =	vst v27  }
0x3c3: {  	s9 =	simm.s32 $0x4;
	s6 =	simm.s32 $0x18300;
	v17 =	vor.u32 v31, v18;
	v31 =	vor.u32 v9, v39;
	v18 =	vor.u32 v21, v20;
	[tilespmem:s5+$0xFFFFFF80] =	vst v32  }
0x3c4: {  	v20 =	vor.u32 v4, v63;
	v27 =	vmov s9;
	v18 =	vor.u32 v0, v18;
	v32 =	vld.idx.msk [tilespmem:v33+s21+$0x0], $0xffff;
	[tilespmem:s6+$0x0] =	vst v59  }
0x3c5: {  	s10 =	simm.s32 $0x7;
	v62 =	vshll.u32 v27, $0x9;
	v27 =	vshll.u32 v27, $0x7;
	v35 =	vor.u32 v4, v46;
	v25 =	vld.idx.msk [tilespmem:v25+s21+$0x0], $0xffff  }
0x3c6: {  	v33 =	vor.u32 v2, v37;
	v63 =	vand.u32 $0x300, v27;
	v27 =	vmov s10;
	v21 =	vld.idx.msk [tilespmem:v30+s21+$0x0], $0xffff;
	[tilespmem:s5+$0x30] =	vst v28  }
0x3c7: {  	v30 =	vor.u32 v4, v36;
	v36 =	vor.u32 v10, v42;
	v28 =	vand.u32 $0x7000, v62;
	[tilespmem:s4+$0x60] =	vst v23;
	v19 =	vld.idx.msk [tilespmem:v19+s21+$0x0], $0xffff  }
0x3c8: {  	v52 =	vadd.s32 v11, v28;
	v53 =	vadd.s32 v13, v28;
	v54 =	vadd.s32 v15, v28;
	v24 =	vld.idx.msk [tilespmem:v24+s21+$0x0], $0xffff  }
0x3c9: {  	v62 =	vadd.s32 v3, v28;
	[tilespmem:s5+$0xFFFFFF90] =	vst v32;
	v32 =	vor.u32 v63, v52;
	v55 =	vor.u32 v63, v54  }
0x3ca: {  	v23 =	vld.idx.msk [tilespmem:v31+s21+$0x0], $0xffff;
	v31 =	vshll.u32 v27, $0x9;
	v27 =	vshll.u32 v27, $0x7;
	[tilespmem:s6+$0x10] =	vst v25;
	v39 =	vor.u32 v9, v55  }
0x3cb: {  	[tilespmem:s4+$0xFFFFFFC0] =	vst v21;
	v31 =	vand.u32 $0x7000, v31;
	v21 =	vor.u32 v7, v32;
	v58 =	vand.u32 $0x380, v27;
	v26 =	vld.idx.msk [tilespmem:v26+s21+$0x0], $0xffff  }
0x3cc: {  	v27 =	vadd.s32 v14, v28;
	v32 =	vor.u32 v63, v62;
	v20 =	vld.idx.msk [tilespmem:v20+s21+$0x0], $0xffff;
	v56 =	vadd.s32 v15, v31  }
0x3cd: {  	v57 =	vadd.s32 v14, v31;
	v25 =	vadd.s32 v11, v31;
	v27 =	vor.u32 v63, v27;
	[tilespmem:s5+$0x40] =	vst v19  }
0x3ce: {  	v19 =	vor.u32 v58, v25;
	v25 =	vadd.s32 v13, v31;
	v60 =	vor.u32 v58, v57;
	[tilespmem:s4+$0x70] =	vst v24  }
0x3cf: {  	v24 =	vor.u32 v2, v44;
	v30 =	vld.idx.msk [tilespmem:v30+s21+$0x0], $0xffff;
	v47 =	vor.u32 v7, v19;
	v19 =	vor.u32 v58, v25  }
0x3d0: {  	v25 =	vadd.s32 v12, v28;
	[tilespmem:s5+$0xFFFFFFA0] =	vst v23;
	v48 =	vor.u32 v8, v19;
	v59 =	vld.idx.msk [tilespmem:v21+s21+$0x0], $0xffff  }
0x3d1: {  	v23 =	vor.u32 v58, v56;
	v21 =	vor.u32 v63, v53;
	v29 =	vld.idx.msk [tilespmem:v29+s21+$0x0], $0xffff;
	[tilespmem:s6+$0x20] =	vst v26  }
0x3d2: {  	v19 =	vor.u32 v63, v25;
	[tilespmem:s4+$0xFFFFFFD0] =	vst v20;
	v61 =	vor.u32 v8, v21;
	v49 =	vld.idx.msk [tilespmem:v36+s21+$0x0], $0xffff  }
0x3d3: {  	v25 =	vor.u32 v9, v23;
	v23 =	vadd.s32 v6, v28;
	v28 =	vadd.s32 v1, v28;
	v26 =	vld.idx.msk [tilespmem:v34+s21+$0x0], $0xffff  }
0x3d4: {  	v20 =	vadd.s32 v12, v31;
	v36 =	vor.u32 v4, v43;
	v47 =	vld.idx.msk [tilespmem:v47+s21+$0x0], $0xffff;
	[tilespmem:s5+$0x50] =	vst v30  }
0x3d5: {  	v21 =	vor.u32 v58, v20;
	v20 =	vor.u32 v63, v23;
	v23 =	vadd.s32 v6, v31;
	v50 =	vld.idx.msk [tilespmem:v33+s21+$0x0], $0xffff  }
0x3d6: {  	v30 =	vadd.s32 v3, v31;
	v23 =	vor.u32 v58, v23;
	v31 =	vadd.s32 v1, v31;
	[tilespmem:s6+$0xFFFFFF80] =	vst v59  }
0x3d7: {  	v30 =	vor.u32 v58, v30;
	v31 =	vor.u32 v58, v31;
	[tilespmem:s5+$0xFFFFFFB0] =	vst v29;
	v38 =	vld.idx.msk [tilespmem:v61+s21+$0x0], $0xffff  }
0x3d8: {  	s8 =	simm.s32 $0x6;
	s7 =	simm.s32 $0x18400;
	v33 =	vor.u32 v10, v60;
	v29 =	vor.u32 v0, v22;
	v34 =	vld.idx.msk [tilespmem:v41+s21+$0x0], $0xffff;
	[tilespmem:s6+$0x30] =	vst v49  }
0x3d9: {  	v22 =	vor.u32 v63, v28;
	v63 =	vmov s8;
	v28 =	vor.u32 v2, v45;
	v37 =	vld.idx.msk [tilespmem:v51+s21+$0x0], $0xffff;
	[tilespmem:s7+$0x0] =	vst v47  }
0x3da: {  	s8 =	simm.s32 $0x8;
	v22 =	vor.u32 v0, v22;
	v41 =	vshll.u32 v63, $0x9;
	v42 =	vshll.u32 v63, $0x7;
	v40 =	vld.idx.msk [tilespmem:v48+s21+$0x0], $0xffff;
	[tilespmem:s5+$0x60] =	vst v50  }
.LBB2_14:
0x3db: {  	s10 =	sadd.s32 $0x1, s8;
	v41 =	vand.u32 $0x7000, v41;
	v42 =	vand.u32 $0x300, v42  }
0x3dc: {  	p0 =	slt.u32 s8, $0x3E;
	[tilespmem:s6+$0xFFFFFF90] =	vst v38;
	v38 =	vor.u32 v10, v27;
	v43 =	vmovc v32;
	v44 =	vmovc v30;
	v45 =	vmov v17;
	v17 =	vmov v31;
	s9 =	smov.u32 s8;
	s8 =	sadd.s32 $0x2, s8  }
0x3dd: {  	v27 =	vmov s10;
	v30 =	vadd.s32 v11, v41;
	v31 =	vadd.s32 v13, v41;
	v32 =	vld.idx.msk [tilespmem:v39+s21+$0x0], $0xffff;
	[tilespmem:s5+$0xFFFFFFC0] =	vst v34  }
0x3de: {  	v39 =	vadd.s32 v15, v41;
	v34 =	vshll.u32 v27, $0x9;
	v30 =	vor.u32 v42, v30;
	v46 =	vld.idx.msk [tilespmem:v29+s21+$0x0], $0xffff;
	[tilespmem:s4+$0xFFFFFFE0] =	vst v26  }
0x3df: {  	v39 =	vor.u32 v42, v39;
	v29 =	vand.u32 $0x7000, v34;
	v26 =	vor.u32 v7, v30;
	v30 =	vld.idx.msk [tilespmem:v36+s21+$0x0], $0xffff  }
0x3e0: {  	v27 =	vshll.u32 v27, $0x7;
	v34 =	vadd.s32 v15, v29;
	v36 =	vadd.s32 v14, v29;
	[tilespmem:s7+$0x10] =	vst v40;
	v40 =	vld.idx.msk [tilespmem:v16+s21+$0x0], $0xffff  }
0x3e1: {  	v47 =	vand.u32 $0x380, v27;
	v27 =	vadd.s32 v14, v41;
	v16 =	vadd.s32 v11, v29;
	v48 =	vld.idx.msk [tilespmem:v25+s21+$0x0], $0xffff;
	[tilespmem:s6+$0x40] =	vst v37  }
0x3e2: {  	v27 =	vor.u32 v42, v27;
	v16 =	vor.u32 v47, v16;
	v25 =	vadd.s32 v13, v29;
	v35 =	vld.idx.msk [tilespmem:v35+s21+$0x0], $0xffff  }
0x3e3: {  	v37 =	vor.u32 v7, v16;
	v51 =	vor.u32 v47, v25;
	v25 =	vadd.s32 v12, v41;
	[tilespmem:s6+$0xFFFFFFA0] =	vst v32  }
0x3e4: {  	v50 =	vor.u32 v47, v34;
	v49 =	vor.u32 v8, v51;
	v34 =	vor.u32 v42, v25;
	v32 =	vld.idx.msk [tilespmem:v26+s21+$0x0], $0xffff  }
0x3e5: {  	v25 =	vor.u32 v9, v50;
	v26 =	vor.u32 v42, v31;
	v16 =	vmov v18;
	v31 =	vld.idx.msk [tilespmem:v38+s21+$0x0], $0xffff;
	[tilespmem:s5+$0xFFFFFFD0] =	vst v30  }
0x3e6: {  	v50 =	vor.u32 v47, v36;
	v38 =	vadd.s32 v12, v29;
	v36 =	vor.u32 v8, v26;
	[tilespmem:s4+$0xFFFFFFF0] =	vst v40;
	s4 =	smov.u32 s5;
	s5 =	smov.u32 s6;
	s6 =	smov.u32 s7  }
0x3e7: {  	v30 =	vadd.s32 v6, v41;
	v40 =	vor.u32 v5, v19;
	v19 =	vmov v34;
	[tilespmem:s7+$0x20] =	vst v48;
	v26 =	vld.idx.msk [tilespmem:v28+s21+$0x0], $0xffff  }
0x3e8: {  	v18 =	vmov v22;
	v34 =	vor.u32 v47, v38;
	v28 =	vld.idx.msk [tilespmem:v37+s21+$0x0], $0xffff;
	v37 =	vor.u32 v42, v30;
	[tilespmem:s5+$0x50] =	vst v35  }
0x3e9: {  	v22 =	vadd.s32 v6, v29;
	v30 =	vadd.s32 v3, v29;
	v35 =	vadd.s32 v3, v41;
	v33 =	vld.idx.msk [tilespmem:v33+s21+$0x0], $0xffff  }
0x3ea: {  	v48 =	vor.u32 v47, v22;
	[tilespmem:s7+$0xFFFFFF80] =	vst v32;
	v32 =	vor.u32 v42, v35;
	v51 =	vld.idx.msk [tilespmem:v24+s21+$0x0], $0xffff  }
0x3eb: {  	v52 =	vor.u32 v5, v21;
	v21 =	vmov v34;
	v30 =	vor.u32 v47, v30;
	v38 =	vld.idx.msk [tilespmem:v36+s21+$0x0], $0xffff;
	[tilespmem:s5+$0xFFFFFFB0] =	vst v31  }
.Ltmp6:
0x3ec: {  	v22 =	vadd.s32 v1, v29;
	v29 =	vor.u32 v0, v45;
	v24 =	vadd.s32 v1, v41;
	v34 =	vld.idx.msk [tilespmem:v40+s21+$0x0], $0xffff;
	(pc) =	sbr.rel @p0 .LBB2_14-.Ltmp6, $4  }
0x3ed: {  	v39 =	vor.u32 v9, v39;
	s7 =	sadd.s32 $0x100, s7;
	v31 =	vor.u32 v47, v22;
	v22 =	vor.u32 v42, v24;
	[tilespmem:s4+$0x70] =	vst v46  }
0x3ee: {  	v24 =	vor.u32 v2, v44;
	v36 =	vor.u32 v4, v20;
	v22 =	vor.u32 v0, v22;
	[tilespmem:s7+$0x0] =	vst v28  }
0x3ef: {  	v35 =	vor.u32 v4, v23;
	v42 =	vmov s9;
	v20 =	vmovc v37;
	v28 =	vor.u32 v2, v43;
	v40 =	vld.idx.msk [tilespmem:v49+s21+$0x0], $0xffff;
	[tilespmem:s6+$0x30] =	vst v33  }
0x3f0: {  	v23 =	vmovc v48;
	v41 =	vshll.u32 v42, $0x9;
	v42 =	vshll.u32 v42, $0x7;
	v33 =	vor.u32 v10, v50;
	v37 =	vld.idx.msk [tilespmem:v52+s21+$0x0], $0xffff;
	[tilespmem:s5+$0x60] =	vst v51  }
0x3f1: {  	v41 =	vand.u32 $0x7000, v41  }
0x3f2: {  	v42 =	vand.u32 $0x300, v42;
	v43 =	vadd.s32 v11, v41  }
0x3f3: {  	v43 =	vor.u32 v42, v43  }
0x3f4: {  	v43 =	vor.u32 v7, v43;
	_ =	sdelay $0x3  }
0x3f5: {  	v44 =	vadd.s32 v13, v41  }
0x3f6: {  	v44 =	vor.u32 v42, v44;
	v43 =	vld.idx.msk [tilespmem:v43+s21+$0x0], $0xffff  }
0x3f7: {  	v44 =	vor.u32 v8, v44;
	_ =	sdelay $0x3  }
0x3f8: {  	v45 =	vadd.s32 v15, v41;
	[tilespmem:s7+$0xFFFFFF80] =	vst v43  }
0x3f9: {  	v52 =	vor.u32 v42, v45;
	v44 =	vld.idx.msk [tilespmem:v44+s21+$0x0], $0xffff  }
0x3fa: {  	[tilespmem:s6+$0xFFFFFF90] =	vst v38;
	v43 =	vor.u32 v9, v52  }
0x3fb: {  	v38 =	vld.idx.msk [tilespmem:v39+s21+$0x0], $0xffff  }
0x3fc: {  	v27 =	vor.u32 v10, v27;
	[tilespmem:s7+$0x10] =	vst v40  }
0x3fd: {  	v25 =	vld.idx.msk [tilespmem:v25+s21+$0x0], $0xffff  }
0x3fe: {  	v53 =	vadd.s32 v14, v41;
	[tilespmem:s7+$0xFFFFFF90] =	vst v44  }
0x3ff: {  	v39 =	vor.u32 v42, v53;
	v54 =	vld.idx.msk [tilespmem:v43+s21+$0x0], $0xffff  }
0x400: {  	v39 =	vor.u32 v10, v39;
	[tilespmem:s6+$0xFFFFFFA0] =	vst v38  }
0x401: {  	v27 =	vld.idx.msk [tilespmem:v27+s21+$0x0], $0xffff  }
0x402: {  	v19 =	vor.u32 v5, v19;
	[tilespmem:s7+$0x20] =	vst v25  }
0x403: {  	v33 =	vld.idx.msk [tilespmem:v33+s21+$0x0], $0xffff  }
0x404: {  	v21 =	vor.u32 v5, v21;
	v25 =	vadd.s32 v12, v41;
	[tilespmem:s7+$0xFFFFFFA0] =	vst v54  }
0x405: {  	v25 =	vor.u32 v42, v25;
	v55 =	vld.idx.msk [tilespmem:v39+s21+$0x0], $0xffff  }
0x406: {  	v25 =	vor.u32 v5, v25;
	[tilespmem:s6+$0xFFFFFFB0] =	vst v27  }
0x407: {  	v19 =	vld.idx.msk [tilespmem:v19+s21+$0x0], $0xffff  }
0x408: {  	v20 =	vor.u32 v4, v20;
	[tilespmem:s7+$0x30] =	vst v33  }
0x409: {  	[tilespmem:s5+$0xFFFFFFC0] =	vst v34;
	v21 =	vld.idx.msk [tilespmem:v21+s21+$0x0], $0xffff  }
0x40a: {  	v27 =	vadd.s32 v6, v41;
	[tilespmem:s7+$0xFFFFFFB0] =	vst v55  }
0x40b: {  	v23 =	vor.u32 v4, v23;
	[tilespmem:s6+$0x40] =	vst v37;
	v27 =	vor.u32 v42, v27;
	v25 =	vld.idx.msk [tilespmem:v25+s21+$0x0], $0xffff  }
0x40c: {  	v57 =	vld.idx.msk [tilespmem:v35+s21+$0x0], $0xffff;
	v27 =	vor.u32 v4, v27;
	[tilespmem:s6+$0xFFFFFFC0] =	vst v19  }
0x40d: {  	[tilespmem:s4+$0xFFFFFFE0] =	vst v26;
	v19 =	vld.idx.msk [tilespmem:v20+s21+$0x0], $0xffff  }
0x40e: {  	v56 =	vld.idx.msk [tilespmem:v36+s21+$0x0], $0xffff;
	[tilespmem:s7+$0x40] =	vst v21;
	v21 =	vor.u32 v2, v32  }
0x40f: {  	v16 =	vld.idx.msk [tilespmem:v16+s21+$0x0], $0xffff  }
0x410: {  	v20 =	vadd.s32 v3, v41;
	v23 =	vld.idx.msk [tilespmem:v23+s21+$0x0], $0xffff;
	[tilespmem:s7+$0xFFFFFFC0] =	vst v25  }
0x411: {  	[tilespmem:s6+$0x50] =	vst v57;
	v20 =	vor.u32 v42, v20;
	v25 =	vor.u32 v2, v30;
	v26 =	vld.idx.msk [tilespmem:v27+s21+$0x0], $0xffff  }
0x412: {  	v24 =	vld.idx.msk [tilespmem:v24+s21+$0x0], $0xffff;
	v20 =	vor.u32 v2, v20;
	[tilespmem:s6+$0xFFFFFFD0] =	vst v19  }
0x413: {  	v17 =	vor.u32 v0, v17;
	[tilespmem:s5+$0xFFFFFFD0] =	vst v56;
	v19 =	vld.idx.msk [tilespmem:v21+s21+$0x0], $0xffff  }
0x414: {  	[tilespmem:s4+$0xFFFFFFF0] =	vst v16  }
0x415: {  	[tilespmem:s7+$0x50] =	vst v23;
	v27 =	vld.idx.msk [tilespmem:v28+s21+$0x0], $0xffff  }
0x416: {  	v21 =	vadd.s32 v1, v41;
	v23 =	vld.idx.msk [tilespmem:v25+s21+$0x0], $0xffff;
	[tilespmem:s7+$0xFFFFFFD0] =	vst v26  }
0x417: {  	[tilespmem:s6+$0x60] =	vst v24;
	v16 =	vor.u32 v42, v21;
	v21 =	vor.u32 v0, v31;
	v20 =	vld.idx.msk [tilespmem:v20+s21+$0x0], $0xffff  }
0x418: {  	v17 =	vld.idx.msk [tilespmem:v17+s21+$0x0], $0xffff;
	v16 =	vor.u32 v0, v16;
	[tilespmem:s6+$0xFFFFFFE0] =	vst v19  }
0x419: {  	v19 =	vld.idx.msk [tilespmem:v22+s21+$0x0], $0xffff  }
0x41a: {  	v25 =	vld.idx.msk [tilespmem:v29+s21+$0x0], $0xffff;
	[tilespmem:s5+$0xFFFFFFE0] =	vst v27  }
0x41b: {  	v18 =	vld.idx.msk [tilespmem:v18+s21+$0x0], $0xffff;
	[tilespmem:s7+$0x60] =	vst v23  }
0x41c: {  	v21 =	vld.idx.msk [tilespmem:v21+s21+$0x0], $0xffff;
	[tilespmem:s7+$0xFFFFFFE0] =	vst v20  }
0x41d: {  	[tilespmem:s6+$0x70] =	vst v17;
	v16 =	vld.idx.msk [tilespmem:v16+s21+$0x0], $0xffff  }
0x41e: {  	[tilespmem:s6+$0xFFFFFFF0] =	vst v19  }
0x41f: {  	s9 =	simm.s32 $0x1;
	[tilespmem:s5+$0x70] =	vst v25  }
0x420: {  	v17 =	vmov s9;
	[tilespmem:s5+$0xFFFFFFF0] =	vst v18  }
0x421: {  	v18 =	vshll.u32 v17, $0x9;
	[tilespmem:s7+$0x70] =	vst v21  }
0x422: {  	s10 =	simm.s32 $0x0;
	v17 =	vshll.u32 v17, $0x7;
	[tilespmem:s7+$0xFFFFFFF0] =	vst v16;
	v16 =	vand.u32 $0x7000, v18  }
0x423: {  	v17 =	vand.u32 $0x380, v17;
	[hbm4b:s18+s10] =	stream.linear.scatter [tilespmem:s26], [sflag:$0x4], $0x2000, $0x38;
	v18 =	vadd.s32 v11, v16;
	[tilespmem:$0x1E080] =	vst v63  }
0x424: {  	_ =	swait.ge [sflag:s28], $0x8000;
	v18 =	vor.u32 v17, v18  }
0x425: {  	[sflag:s28] =	ssyncset.done $0x0;
	v18 =	vor.u32 v7, v18  }
0x426: {  	[sflag:s28] =	ssyncadd.s32 $0xFFFF8000  }
0x427: {  	_ =	swait.ge [sflag:s0], $0x2000  }
0x428: {  	v25 =	vmov s10;
	v19 =	vadd.s32 v15, v16;
	[sflag:s0] =	ssyncset.done $0x0  }
0x429: {  	v20 =	vadd.s32 v13, v16;
	v21 =	vadd.s32 v14, v16;
	v22 =	vadd.s32 v12, v16;
	[sflag:s0] =	ssyncadd.s32 $0xFFFFE000  }
0x42a: {  	v23 =	vadd.s32 v6, v16;
	v24 =	vadd.s32 v3, v16;
	v20 =	vor.u32 v17, v20;
	v18 =	vld.idx.msk [tilespmem:v18+s22+$0x0], $0xffff  }
0x42b: {  	v16 =	vadd.s32 v1, v16;
	v19 =	vor.u32 v17, v19;
	v20 =	vor.u32 v8, v20  }
0x42c: {  	v21 =	vor.u32 v17, v21;
	v22 =	vor.u32 v17, v22;
	v23 =	vor.u32 v17, v23  }
0x42d: {  	v24 =	vor.u32 v17, v24;
	v17 =	vor.u32 v17, v16;
	v16 =	vshll.u32 v25, $0x9  }
0x42e: {  	s4 =	simm.s32 $0x1A100;
	v19 =	vor.u32 v9, v19;
	v21 =	vor.u32 v10, v21;
	v16 =	vand.u32 $0x7000, v16  }
0x42f: {  	v24 =	vor.u32 v2, v24;
	v23 =	vor.u32 v4, v23;
	v26 =	vadd.s32 v11, v16;
	[tilespmem:s4+$0x0] =	vst v18  }
0x430: {  	v27 =	vadd.s32 v13, v16;
	v29 =	vadd.s32 v15, v16;
	v18 =	vshll.u32 v25, $0x7;
	v20 =	vld.idx.msk [tilespmem:v20+s22+$0x0], $0xffff  }
0x431: {  	s6 =	simm.s32 $0x3;
	v58 =	vadd.s32 v14, v16;
	v60 =	vadd.s32 v12, v16;
	v18 =	vand.u32 $0x300, v18  }
0x432: {  	v62 =	vadd.s32 v6, v16;
	v25 =	vmov s6;
	v26 =	vor.u32 v18, v26  }
0x433: {  	v49 =	vadd.s32 v3, v16;
	v28 =	vshll.u32 v25, $0x9;
	v26 =	vor.u32 v7, v26  }
0x434: {  	v16 =	vadd.s32 v1, v16;
	v25 =	vshll.u32 v25, $0x7;
	v28 =	vand.u32 $0x7000, v28  }
0x435: {  	v29 =	vor.u32 v18, v29;
	v25 =	vand.u32 $0x380, v25;
	[tilespmem:s4+$0x10] =	vst v20;
	v20 =	vadd.s32 v11, v28  }
0x436: {  	v32 =	vor.u32 v18, v58;
	v34 =	vor.u32 v18, v60;
	v20 =	vor.u32 v25, v20  }
0x437: {  	v27 =	vor.u32 v18, v27;
	v63 =	vor.u32 v18, v62;
	v19 =	vld.idx.msk [tilespmem:v19+s22+$0x0], $0xffff;
	v20 =	vor.u32 v7, v20  }
0x438: {  	v38 =	vor.u32 v18, v49;
	v16 =	vor.u32 v18, v16;
	v30 =	vadd.s32 v15, v28;
	v26 =	vld.idx.msk [tilespmem:v26+s22+$0x0], $0xffff  }
0x439: {  	v31 =	vadd.s32 v14, v28;
	v59 =	vadd.s32 v13, v28;
	v27 =	vor.u32 v8, v27  }
0x43a: {  	v61 =	vadd.s32 v12, v28;
	v47 =	vadd.s32 v6, v28;
	v48 =	vadd.s32 v3, v28  }
0x43b: {  	v16 =	vor.u32 v0, v16;
	v33 =	vor.u32 v25, v59;
	v30 =	vor.u32 v25, v30  }
0x43c: {  	v31 =	vor.u32 v25, v31;
	v36 =	vor.u32 v25, v47;
	[tilespmem:s4+$0x20] =	vst v19;
	v20 =	vld.idx.msk [tilespmem:v20+s22+$0x0], $0xffff  }
0x43d: {  	v37 =	vor.u32 v25, v48;
	v33 =	vor.u32 v8, v33;
	v21 =	vld.idx.msk [tilespmem:v21+s22+$0x0], $0xffff;
	[tilespmem:s4+$0xFFFFFF80] =	vst v26  }
0x43e: {  	s8 =	simm.s32 $0x5;
	v30 =	vor.u32 v9, v30;
	v19 =	vor.u32 v25, v61;
	v26 =	vor.u32 v5, v22;
	v18 =	vld.idx.msk [tilespmem:v27+s22+$0x0], $0xffff  }
0x43f: {  	s7 =	simm.s32 $0x2;
	v22 =	vadd.s32 v1, v28;
	v28 =	vor.u32 v10, v31;
	v31 =	vmov s8  }
0x440: {  	s5 =	simm.s32 $0x1A200;
	v19 =	vor.u32 v5, v19;
	v22 =	vor.u32 v25, v22;
	v27 =	vmov s7  }
0x441: {  	v25 =	vor.u32 v9, v29;
	[tilespmem:s5+$0x0] =	vst v20;
	v20 =	vshll.u32 v27, $0x9;
	v27 =	vshll.u32 v27, $0x7  }
0x442: {  	[tilespmem:s4+$0x30] =	vst v21;
	v20 =	vand.u32 $0x7000, v20;
	v21 =	vand.u32 $0x300, v27;
	v27 =	vor.u32 v10, v32  }
0x443: {  	[tilespmem:s4+$0xFFFFFF90] =	vst v18;
	v18 =	vshll.u32 v31, $0x9;
	v31 =	vshll.u32 v31, $0x7;
	v50 =	vadd.s32 v11, v20  }
0x444: {  	v29 =	vld.idx.msk [tilespmem:v33+s22+$0x0], $0xffff;
	v51 =	vadd.s32 v13, v20;
	v52 =	vadd.s32 v15, v20;
	v18 =	vand.u32 $0x7000, v18  }
0x445: {  	v26 =	vld.idx.msk [tilespmem:v26+s22+$0x0], $0xffff;
	v31 =	vand.u32 $0x380, v31;
	v56 =	vadd.s32 v12, v20;
	v58 =	vadd.s32 v6, v20  }
0x446: {  	v61 =	vadd.s32 v3, v20;
	v32 =	vor.u32 v21, v50;
	v39 =	vor.u32 v21, v52  }
0x447: {  	v25 =	vld.idx.msk [tilespmem:v25+s22+$0x0], $0xffff;
	v53 =	vadd.s32 v11, v18;
	v54 =	vadd.s32 v15, v18;
	v55 =	vadd.s32 v14, v18  }
0x448: {  	v41 =	vor.u32 v21, v56;
	v33 =	vor.u32 v21, v51;
	v57 =	vadd.s32 v12, v18  }
0x449: {  	v43 =	vor.u32 v21, v58;
	v32 =	vor.u32 v7, v32;
	v40 =	vor.u32 v31, v53;
	[tilespmem:s5+$0x10] =	vst v29  }
0x44a: {  	v60 =	vadd.s32 v3, v18;
	v40 =	vor.u32 v7, v40;
	[tilespmem:s4+$0x40] =	vst v26;
	v30 =	vld.idx.msk [tilespmem:v30+s22+$0x0], $0xffff  }
0x44b: {  	v45 =	vor.u32 v21, v61;
	v42 =	vor.u32 v31, v55;
	v33 =	vor.u32 v8, v33;
	v23 =	vld.idx.msk [tilespmem:v23+s22+$0x0], $0xffff  }
0x44c: {  	v44 =	vor.u32 v31, v60;
	v41 =	vor.u32 v5, v41;
	v26 =	vadd.s32 v13, v18;
	[tilespmem:s4+$0xFFFFFFA0] =	vst v25  }
0x44d: {  	v29 =	vadd.s32 v14, v20;
	v20 =	vadd.s32 v1, v20;
	v26 =	vor.u32 v31, v26;
	v27 =	vld.idx.msk [tilespmem:v27+s22+$0x0], $0xffff  }
0x44e: {  	v29 =	vor.u32 v21, v29;
	v25 =	vor.u32 v8, v26;
	v26 =	vor.u32 v31, v54;
	v32 =	vld.idx.msk [tilespmem:v32+s22+$0x0], $0xffff  }
0x44f: {  	v29 =	vor.u32 v10, v29;
	v59 =	vld.idx.msk [tilespmem:v40+s22+$0x0], $0xffff;
	v40 =	vor.u32 v31, v57;
	[tilespmem:s5+$0x20] =	vst v30  }
0x450: {  	v26 =	vor.u32 v9, v26;
	v51 =	vor.u32 v5, v40;
	v30 =	vor.u32 v5, v34;
	[tilespmem:s4+$0x50] =	vst v23  }
0x451: {  	v23 =	vadd.s32 v6, v18;
	v18 =	vadd.s32 v1, v18;
	v34 =	vor.u32 v2, v38;
	v28 =	vld.idx.msk [tilespmem:v28+s22+$0x0], $0xffff  }
0x452: {  	v46 =	vor.u32 v31, v23;
	v23 =	vld.idx.msk [tilespmem:v24+s22+$0x0], $0xffff;
	v24 =	vor.u32 v0, v17;
	[tilespmem:s4+$0xFFFFFFB0] =	vst v27  }
0x453: {  	s9 =	simm.s32 $0x4;
	s6 =	simm.s32 $0x1A300;
	v17 =	vor.u32 v31, v18;
	v31 =	vor.u32 v9, v39;
	v18 =	vor.u32 v21, v20;
	[tilespmem:s5+$0xFFFFFF80] =	vst v32  }
0x454: {  	v20 =	vor.u32 v4, v63;
	v27 =	vmov s9;
	v18 =	vor.u32 v0, v18;
	v32 =	vld.idx.msk [tilespmem:v33+s22+$0x0], $0xffff;
	[tilespmem:s6+$0x0] =	vst v59  }
0x455: {  	s10 =	simm.s32 $0x7;
	v62 =	vshll.u32 v27, $0x9;
	v27 =	vshll.u32 v27, $0x7;
	v35 =	vor.u32 v4, v46;
	v25 =	vld.idx.msk [tilespmem:v25+s22+$0x0], $0xffff  }
0x456: {  	v33 =	vor.u32 v2, v37;
	v63 =	vand.u32 $0x300, v27;
	v27 =	vmov s10;
	v21 =	vld.idx.msk [tilespmem:v30+s22+$0x0], $0xffff;
	[tilespmem:s5+$0x30] =	vst v28  }
0x457: {  	v30 =	vor.u32 v4, v36;
	v36 =	vor.u32 v10, v42;
	v28 =	vand.u32 $0x7000, v62;
	[tilespmem:s4+$0x60] =	vst v23;
	v19 =	vld.idx.msk [tilespmem:v19+s22+$0x0], $0xffff  }
0x458: {  	v52 =	vadd.s32 v11, v28;
	v53 =	vadd.s32 v13, v28;
	v54 =	vadd.s32 v15, v28;
	v24 =	vld.idx.msk [tilespmem:v24+s22+$0x0], $0xffff  }
0x459: {  	v62 =	vadd.s32 v3, v28;
	[tilespmem:s5+$0xFFFFFF90] =	vst v32;
	v32 =	vor.u32 v63, v52;
	v55 =	vor.u32 v63, v54  }
0x45a: {  	v23 =	vld.idx.msk [tilespmem:v31+s22+$0x0], $0xffff;
	v31 =	vshll.u32 v27, $0x9;
	v27 =	vshll.u32 v27, $0x7;
	[tilespmem:s6+$0x10] =	vst v25;
	v39 =	vor.u32 v9, v55  }
0x45b: {  	[tilespmem:s4+$0xFFFFFFC0] =	vst v21;
	v31 =	vand.u32 $0x7000, v31;
	v21 =	vor.u32 v7, v32;
	v58 =	vand.u32 $0x380, v27;
	v26 =	vld.idx.msk [tilespmem:v26+s22+$0x0], $0xffff  }
0x45c: {  	v27 =	vadd.s32 v14, v28;
	v32 =	vor.u32 v63, v62;
	v20 =	vld.idx.msk [tilespmem:v20+s22+$0x0], $0xffff;
	v56 =	vadd.s32 v15, v31  }
0x45d: {  	v57 =	vadd.s32 v14, v31;
	v25 =	vadd.s32 v11, v31;
	v27 =	vor.u32 v63, v27;
	[tilespmem:s5+$0x40] =	vst v19  }
0x45e: {  	v19 =	vor.u32 v58, v25;
	v25 =	vadd.s32 v13, v31;
	v60 =	vor.u32 v58, v57;
	[tilespmem:s4+$0x70] =	vst v24  }
0x45f: {  	v24 =	vor.u32 v2, v44;
	v30 =	vld.idx.msk [tilespmem:v30+s22+$0x0], $0xffff;
	v47 =	vor.u32 v7, v19;
	v19 =	vor.u32 v58, v25  }
0x460: {  	v25 =	vadd.s32 v12, v28;
	[tilespmem:s5+$0xFFFFFFA0] =	vst v23;
	v48 =	vor.u32 v8, v19;
	v59 =	vld.idx.msk [tilespmem:v21+s22+$0x0], $0xffff  }
0x461: {  	v23 =	vor.u32 v58, v56;
	v21 =	vor.u32 v63, v53;
	v29 =	vld.idx.msk [tilespmem:v29+s22+$0x0], $0xffff;
	[tilespmem:s6+$0x20] =	vst v26  }
0x462: {  	v19 =	vor.u32 v63, v25;
	[tilespmem:s4+$0xFFFFFFD0] =	vst v20;
	v61 =	vor.u32 v8, v21;
	v49 =	vld.idx.msk [tilespmem:v36+s22+$0x0], $0xffff  }
0x463: {  	v25 =	vor.u32 v9, v23;
	v23 =	vadd.s32 v6, v28;
	v28 =	vadd.s32 v1, v28;
	v26 =	vld.idx.msk [tilespmem:v34+s22+$0x0], $0xffff  }
0x464: {  	v20 =	vadd.s32 v12, v31;
	v36 =	vor.u32 v4, v43;
	v47 =	vld.idx.msk [tilespmem:v47+s22+$0x0], $0xffff;
	[tilespmem:s5+$0x50] =	vst v30  }
0x465: {  	v21 =	vor.u32 v58, v20;
	v20 =	vor.u32 v63, v23;
	v23 =	vadd.s32 v6, v31;
	v50 =	vld.idx.msk [tilespmem:v33+s22+$0x0], $0xffff  }
0x466: {  	v30 =	vadd.s32 v3, v31;
	v23 =	vor.u32 v58, v23;
	v31 =	vadd.s32 v1, v31;
	[tilespmem:s6+$0xFFFFFF80] =	vst v59  }
0x467: {  	v30 =	vor.u32 v58, v30;
	v31 =	vor.u32 v58, v31;
	[tilespmem:s5+$0xFFFFFFB0] =	vst v29;
	v38 =	vld.idx.msk [tilespmem:v61+s22+$0x0], $0xffff  }
0x468: {  	s8 =	simm.s32 $0x6;
	s7 =	simm.s32 $0x1A400;
	v33 =	vor.u32 v10, v60;
	v29 =	vor.u32 v0, v22;
	v34 =	vld.idx.msk [tilespmem:v41+s22+$0x0], $0xffff;
	[tilespmem:s6+$0x30] =	vst v49  }
0x469: {  	v22 =	vor.u32 v63, v28;
	v63 =	vmov s8;
	v28 =	vor.u32 v2, v45;
	v37 =	vld.idx.msk [tilespmem:v51+s22+$0x0], $0xffff;
	[tilespmem:s7+$0x0] =	vst v47  }
0x46a: {  	s8 =	simm.s32 $0x8;
	v22 =	vor.u32 v0, v22;
	v41 =	vshll.u32 v63, $0x9;
	v42 =	vshll.u32 v63, $0x7;
	v40 =	vld.idx.msk [tilespmem:v48+s22+$0x0], $0xffff;
	[tilespmem:s5+$0x60] =	vst v50  }
.LBB2_16:
0x46b: {  	s10 =	sadd.s32 $0x1, s8;
	v41 =	vand.u32 $0x7000, v41;
	v42 =	vand.u32 $0x300, v42  }
0x46c: {  	p0 =	slt.u32 s8, $0x3E;
	[tilespmem:s6+$0xFFFFFF90] =	vst v38;
	v38 =	vor.u32 v10, v27;
	v43 =	vmovc v32;
	v44 =	vmovc v30;
	v45 =	vmov v17;
	v17 =	vmov v31;
	s9 =	smov.u32 s8;
	s8 =	sadd.s32 $0x2, s8  }
0x46d: {  	v27 =	vmov s10;
	v30 =	vadd.s32 v11, v41;
	v31 =	vadd.s32 v13, v41;
	v32 =	vld.idx.msk [tilespmem:v39+s22+$0x0], $0xffff;
	[tilespmem:s5+$0xFFFFFFC0] =	vst v34  }
0x46e: {  	v39 =	vadd.s32 v15, v41;
	v34 =	vshll.u32 v27, $0x9;
	v30 =	vor.u32 v42, v30;
	v46 =	vld.idx.msk [tilespmem:v29+s22+$0x0], $0xffff;
	[tilespmem:s4+$0xFFFFFFE0] =	vst v26  }
0x46f: {  	v39 =	vor.u32 v42, v39;
	v29 =	vand.u32 $0x7000, v34;
	v26 =	vor.u32 v7, v30;
	v30 =	vld.idx.msk [tilespmem:v36+s22+$0x0], $0xffff  }
0x470: {  	v27 =	vshll.u32 v27, $0x7;
	v34 =	vadd.s32 v15, v29;
	v36 =	vadd.s32 v14, v29;
	[tilespmem:s7+$0x10] =	vst v40;
	v40 =	vld.idx.msk [tilespmem:v16+s22+$0x0], $0xffff  }
0x471: {  	v47 =	vand.u32 $0x380, v27;
	v27 =	vadd.s32 v14, v41;
	v16 =	vadd.s32 v11, v29;
	v48 =	vld.idx.msk [tilespmem:v25+s22+$0x0], $0xffff;
	[tilespmem:s6+$0x40] =	vst v37  }
0x472: {  	v27 =	vor.u32 v42, v27;
	v16 =	vor.u32 v47, v16;
	v25 =	vadd.s32 v13, v29;
	v35 =	vld.idx.msk [tilespmem:v35+s22+$0x0], $0xffff  }
0x473: {  	v37 =	vor.u32 v7, v16;
	v51 =	vor.u32 v47, v25;
	v25 =	vadd.s32 v12, v41;
	[tilespmem:s6+$0xFFFFFFA0] =	vst v32  }
0x474: {  	v50 =	vor.u32 v47, v34;
	v49 =	vor.u32 v8, v51;
	v34 =	vor.u32 v42, v25;
	v32 =	vld.idx.msk [tilespmem:v26+s22+$0x0], $0xffff  }
0x475: {  	v25 =	vor.u32 v9, v50;
	v26 =	vor.u32 v42, v31;
	v16 =	vmov v18;
	v31 =	vld.idx.msk [tilespmem:v38+s22+$0x0], $0xffff;
	[tilespmem:s5+$0xFFFFFFD0] =	vst v30  }
0x476: {  	v50 =	vor.u32 v47, v36;
	v38 =	vadd.s32 v12, v29;
	v36 =	vor.u32 v8, v26;
	[tilespmem:s4+$0xFFFFFFF0] =	vst v40;
	s4 =	smov.u32 s5;
	s5 =	smov.u32 s6;
	s6 =	smov.u32 s7  }
0x477: {  	v30 =	vadd.s32 v6, v41;
	v40 =	vor.u32 v5, v19;
	v19 =	vmov v34;
	[tilespmem:s7+$0x20] =	vst v48;
	v26 =	vld.idx.msk [tilespmem:v28+s22+$0x0], $0xffff  }
0x478: {  	v18 =	vmov v22;
	v34 =	vor.u32 v47, v38;
	v28 =	vld.idx.msk [tilespmem:v37+s22+$0x0], $0xffff;
	v37 =	vor.u32 v42, v30;
	[tilespmem:s5+$0x50] =	vst v35  }
0x479: {  	v22 =	vadd.s32 v6, v29;
	v30 =	vadd.s32 v3, v29;
	v35 =	vadd.s32 v3, v41;
	v33 =	vld.idx.msk [tilespmem:v33+s22+$0x0], $0xffff  }
0x47a: {  	v48 =	vor.u32 v47, v22;
	[tilespmem:s7+$0xFFFFFF80] =	vst v32;
	v32 =	vor.u32 v42, v35;
	v51 =	vld.idx.msk [tilespmem:v24+s22+$0x0], $0xffff  }
0x47b: {  	v52 =	vor.u32 v5, v21;
	v21 =	vmov v34;
	v30 =	vor.u32 v47, v30;
	v38 =	vld.idx.msk [tilespmem:v36+s22+$0x0], $0xffff;
	[tilespmem:s5+$0xFFFFFFB0] =	vst v31  }
.Ltmp7:
0x47c: {  	v22 =	vadd.s32 v1, v29;
	v29 =	vor.u32 v0, v45;
	v24 =	vadd.s32 v1, v41;
	v34 =	vld.idx.msk [tilespmem:v40+s22+$0x0], $0xffff;
	(pc) =	sbr.rel @p0 .LBB2_16-.Ltmp7, $4  }
0x47d: {  	v39 =	vor.u32 v9, v39;
	s7 =	sadd.s32 $0x100, s7;
	v31 =	vor.u32 v47, v22;
	v22 =	vor.u32 v42, v24;
	[tilespmem:s4+$0x70] =	vst v46  }
0x47e: {  	v24 =	vor.u32 v2, v44;
	v36 =	vor.u32 v4, v20;
	v22 =	vor.u32 v0, v22;
	[tilespmem:s7+$0x0] =	vst v28  }
0x47f: {  	v35 =	vor.u32 v4, v23;
	v42 =	vmov s9;
	v20 =	vmovc v37;
	v28 =	vor.u32 v2, v43;
	v40 =	vld.idx.msk [tilespmem:v49+s22+$0x0], $0xffff;
	[tilespmem:s6+$0x30] =	vst v33  }
0x480: {  	v23 =	vmovc v48;
	v41 =	vshll.u32 v42, $0x9;
	v42 =	vshll.u32 v42, $0x7;
	v33 =	vor.u32 v10, v50;
	v37 =	vld.idx.msk [tilespmem:v52+s22+$0x0], $0xffff;
	[tilespmem:s5+$0x60] =	vst v51  }
0x481: {  	v41 =	vand.u32 $0x7000, v41  }
0x482: {  	v42 =	vand.u32 $0x300, v42;
	v11 =	vadd.s32 v11, v41  }
0x483: {  	v11 =	vor.u32 v42, v11  }
0x484: {  	v7 =	vor.u32 v7, v11;
	_ =	sdelay $0x3  }
0x485: {  	v57 =	vadd.s32 v13, v41  }
0x486: {  	v11 =	vor.u32 v42, v57;
	v7 =	vld.idx.msk [tilespmem:v7+s22+$0x0], $0xffff  }
0x487: {  	v8 =	vor.u32 v8, v11;
	_ =	sdelay $0x3  }
0x488: {  	v58 =	vadd.s32 v15, v41;
	[tilespmem:s7+$0xFFFFFF80] =	vst v7  }
0x489: {  	v59 =	vor.u32 v42, v58;
	v8 =	vld.idx.msk [tilespmem:v8+s22+$0x0], $0xffff  }
0x48a: {  	v7 =	vor.u32 v9, v59;
	_ =	sdelay $0x1  }
0x48b: {  	[tilespmem:s6+$0xFFFFFF90] =	vst v38  }
0x48c: {  	v60 =	vld.idx.msk [tilespmem:v39+s22+$0x0], $0xffff;
	[tilespmem:s7+$0x10] =	vst v40  }
0x48d: {  	v61 =	vor.u32 v10, v27;
	v62 =	vadd.s32 v14, v41;
	v63 =	vld.idx.msk [tilespmem:v25+s22+$0x0], $0xffff;
	[tilespmem:s7+$0xFFFFFF90] =	vst v8  }
0x48e: {  	v25 =	vor.u32 v42, v62;
	v7 =	vld.idx.msk [tilespmem:v7+s22+$0x0], $0xffff  }
0x48f: {  	v8 =	vor.u32 v10, v25;
	_ =	sdelay $0x1  }
0x490: {  	[tilespmem:s6+$0xFFFFFFA0] =	vst v60  }
0x491: {  	[tilespmem:s7+$0x20] =	vst v63;
	v9 =	vld.idx.msk [tilespmem:v61+s22+$0x0], $0xffff  }
0x492: {  	v38 =	vor.u32 v5, v19;
	v27 =	vadd.s32 v12, v41;
	v39 =	vld.idx.msk [tilespmem:v33+s22+$0x0], $0xffff;
	[tilespmem:s7+$0xFFFFFFA0] =	vst v7  }
0x493: {  	v43 =	vor.u32 v5, v21;
	v40 =	vor.u32 v42, v27;
	v8 =	vld.idx.msk [tilespmem:v8+s22+$0x0], $0xffff  }
0x494: {  	v44 =	vor.u32 v5, v40;
	_ =	sdelay $0x1  }
0x495: {  	[tilespmem:s6+$0xFFFFFFB0] =	vst v9  }
0x496: {  	[tilespmem:s7+$0x30] =	vst v39;
	v45 =	vld.idx.msk [tilespmem:v38+s22+$0x0], $0xffff  }
0x497: {  	v46 =	vor.u32 v4, v20;
	v6 =	vadd.s32 v6, v41;
	v10 =	vld.idx.msk [tilespmem:v43+s22+$0x0], $0xffff;
	[tilespmem:s7+$0xFFFFFFB0] =	vst v8  }
0x498: {  	v47 =	vor.u32 v4, v23;
	v6 =	vor.u32 v42, v6;
	v5 =	vld.idx.msk [tilespmem:v44+s22+$0x0], $0xffff  }
0x499: {  	[tilespmem:s5+$0xFFFFFFC0] =	vst v34;
	v48 =	vor.u32 v4, v6  }
0x49a: {  	v49 =	vld.idx.msk [tilespmem:v36+s22+$0x0], $0xffff;
	[tilespmem:s6+$0x40] =	vst v37  }
0x49b: {  	v50 =	vld.idx.msk [tilespmem:v35+s22+$0x0], $0xffff;
	[tilespmem:s6+$0xFFFFFFC0] =	vst v45  }
0x49c: {  	[tilespmem:s7+$0x40] =	vst v10;
	v7 =	vld.idx.msk [tilespmem:v46+s22+$0x0], $0xffff  }
0x49d: {  	v51 =	vor.u32 v2, v32;
	v3 =	vadd.s32 v3, v41;
	v8 =	vld.idx.msk [tilespmem:v47+s22+$0x0], $0xffff;
	[tilespmem:s7+$0xFFFFFFC0] =	vst v5  }
0x49e: {  	[tilespmem:s4+$0xFFFFFFE0] =	vst v26;
	v52 =	vor.u32 v2, v30;
	v3 =	vor.u32 v42, v3;
	v4 =	vld.idx.msk [tilespmem:v48+s22+$0x0], $0xffff  }
0x49f: {  	v53 =	vld.idx.msk [tilespmem:v16+s22+$0x0], $0xffff;
	v54 =	vor.u32 v2, v3;
	[tilespmem:s5+$0xFFFFFFD0] =	vst v49  }
0x4a0: {  	v55 =	vld.idx.msk [tilespmem:v28+s22+$0x0], $0xffff;
	[tilespmem:s6+$0x50] =	vst v50  }
0x4a1: {  	v56 =	vld.idx.msk [tilespmem:v24+s22+$0x0], $0xffff;
	[tilespmem:s6+$0xFFFFFFD0] =	vst v7  }
0x4a2: {  	v57 =	vor.u32 v0, v17;
	v9 =	vld.idx.msk [tilespmem:v51+s22+$0x0], $0xffff;
	[tilespmem:s7+$0x50] =	vst v8  }
0x4a3: {  	v1 =	vadd.s32 v1, v41;
	v5 =	vld.idx.msk [tilespmem:v52+s22+$0x0], $0xffff;
	[tilespmem:s7+$0xFFFFFFD0] =	vst v4  }
0x4a4: {  	v1 =	vor.u32 v42, v1;
	v58 =	vor.u32 v0, v31;
	[tilespmem:s4+$0xFFFFFFF0] =	vst v53;
	v2 =	vld.idx.msk [tilespmem:v54+s22+$0x0], $0xffff  }
0x4a5: {  	v60 =	vor.u32 v0, v1;
	[tilespmem:s5+$0xFFFFFFE0] =	vst v55;
	v59 =	vld.idx.msk [tilespmem:v29+s22+$0x0], $0xffff  }
0x4a6: {  	v61 =	vld.idx.msk [tilespmem:v18+s22+$0x0], $0xffff;
	[tilespmem:s6+$0x60] =	vst v56  }
0x4a7: {  	v62 =	vld.idx.msk [tilespmem:v57+s22+$0x0], $0xffff;
	[tilespmem:s6+$0xFFFFFFE0] =	vst v9  }
0x4a8: {  	v63 =	vld.idx.msk [tilespmem:v22+s22+$0x0], $0xffff;
	[tilespmem:s7+$0x60] =	vst v5  }
0x4a9: {  	v4 =	vld.idx.msk [tilespmem:v58+s22+$0x0], $0xffff;
	[tilespmem:s7+$0xFFFFFFE0] =	vst v2  }
0x4aa: {  	[tilespmem:s5+$0x70] =	vst v59;
	v0 =	vld.idx.msk [tilespmem:v60+s22+$0x0], $0xffff  }
0x4ab: {  	[tilespmem:s5+$0xFFFFFFF0] =	vst v61  }
0x4ac: {  	[tilespmem:s6+$0x70] =	vst v62  }
0x4ad: {  	[tilespmem:s6+$0xFFFFFFF0] =	vst v63  }
0x4ae: {  	[tilespmem:s7+$0x70] =	vst v4  }
0x4af: {  	[tilespmem:s7+$0xFFFFFFF0] =	vst v0  }
0x4b0: {  	[hbm4b:s19+s3] =	stream.linear.scatter [tilespmem:s29], [sflag:$0x5], $0x2000, $0x38;
	[tilespmem:$0x1E080] =	vst v63  }
0x4b1: {  	_ =	swait.ge [sflag:s2], $0x2000  }
0x4b2: {  	[sflag:s2] =	ssyncset.done $0x0  }
0x4b3: {  	s31 =	sadd.s32 $0x1, s31;
	[sflag:s2] =	ssyncadd.s32 $0xFFFFE000  }
0x4b4: {  	p0 =	sne.s32 s31, s20;
	_ =	swait.ge [sflag:s1], $0x2000  }
.Ltmp8:
0x4b5: {  	[sflag:s1] =	ssyncset.done $0x0;
	(pc) =	sbr.rel @p0 .LBB2_1-.Ltmp8, $4  }
0x4b6: {  	[sflag:s1] =	ssyncadd.s32 $0xFFFFE000  }
0x4b7: {  	_ =	swait.ge [sflag:s0], $0x2000  }
0x4b8: {  	[sflag:s0] =	ssyncset.done $0x0  }
0x4b9: {  	[sflag:s0] =	ssyncadd.s32 $0xFFFFE000  }
0x4ba: {  	_ =	sfence.sel $0x180000  }
0x4bb: {  	[bflag:$0x0] =	sbarrier.arrive $0xFFFF  }
0x4bc: {  	_ =	strace $0x90000047  }
0x4bd: {  	s0 =	stileid.u32;
	[bflag:$0x2] =	sbarrier.arrive $0xFFFF  }
0x4be: {  	p0 =	sne.s32 s0, $0x0;
	s0 =	rddreg [dreg:$0x3]  }
0x4bf: {  	s0 =	sadd.s32 @!p0 $0x100000, s0  }
0x4c0: {  	[sflag:s0] =	ssyncadd.tile.s32 @!p0 $0x1;
	_ =	shalt  }
.Lfunc_end2:
_tile_overlayer_lowered:
.L_overlay_start_2:
0x4c1: {  	(tag) =	ssettag $0x2  }
0x4c2: {  	s0 =	rddreg [dreg:$0x0];
	s2 =	stileid.u32  }
0x4c3: {  	s1 =	rddreg [dreg:$0x1];
	p0 =	sne.s32 s2, $0x0  }
0x4c4: {  	s3 =	rddreg [dreg:$0x2];
	[bflag:$0x3] =	sbarrier.arrive $0xFFFF;
	s2 =	simm.s32 @!p0 $0x1C07  }
0x4c5: {  	[timem:s3], [sflag:s2] =	dma.local @!p0 [hbm:s0], s1  }
0x4c6: {  	s0 =	simm.s32 @!p0 $0x7  }
0x4c7: {  	_ =	swait.ge @!p0 [sflag:s0], s1  }
0x4c8: {  	s1 =	ssub.s32 @!p0 $0x0, s1;
	[sflag:s0] =	ssyncset.done @!p0 $0x0  }
0x4c9: {  	[sflag:s0] =	ssyncadd.s32 @!p0 s1  }
0x4ca: {  	[bflag:$0x3] =	sbarrier.arrive $0xFFFF  }
0x4cb: {  	_ =	shalt  }

</sc_bundles>
